<compile_context>
chip_gen: v7x
topology: tpu7x:2x2x1
jax: 0.10.2.dev20260603
libtpu: 0.0.44.dev20260713+nightly
codegen_flags: <defaults>
</compile_context>

<pallas_src>
import functools

import jax
import jax.numpy as jnp
from jax import lax
from jax.experimental import pallas as pl
from jax.experimental.pallas import tpu as pltpu
from jax.experimental.pallas import tpu_sc as plsc

N = 10000
E = 320000
D = 128
MERGE_P = 0.01
SPLIT_Q = 0.01
MULT_FAC = 1
POOL_IT = 0

NW = 16
NP = 10240
EW = E // NW
EB = 2000
NBLK = EW // EB
VPB = EB // 16
LMAX = 5024
GMAX = 5376
GV = GMAX // 16
BIGI = 0x7F000000

_mesh = plsc.VectorSubcoreMesh(
    core_axis_name="c", subcore_axis_name="s", num_cores=1)
_sc_params = pltpu.CompilerParams(needs_layout_passes=False)


def _iota16():
    return lax.iota(jnp.int32, 16)


def _any16(m):
    return jnp.max(m.astype(jnp.int32)) > 0


def _rmw_max(tab, nid, val):
    cur = plsc.load_gather(tab, [nid])
    todo = val > cur

    def body(t):
        plsc.store_scatter(tab, [nid], val, mask=t)
        cur2 = plsc.load_gather(tab, [nid])
        return t & (val > cur2)

    lax.while_loop(_any16, body, todo)


def _rmw_min_masked(tab, nid, val, en):
    cur = plsc.load_gather(tab, [nid])
    todo = en & (val < cur)

    def body(t):
        plsc.store_scatter(tab, [nid], val, mask=t)
        cur2 = plsc.load_gather(tab, [nid])
        return t & (val < cur2)

    lax.while_loop(_any16, body, todo)


def _sc1_body(src_h, dst_h, sc_h,
              gs_h, gd_h, gsc_h, gix_h, cnt_h,
              best, bi, sbuf, dbuf, scb, accf, acci, tmpf, tmpi,
              lgs, lgd, lgsc, lgix, cbuf, v16i,
              sh_best, sh_bi, sh_gbest, sh_gbi,
              sh_gs, sh_gd, sh_gsc, sh_gix, sh_cnt):
    w = lax.axis_index("s")
    it16 = _iota16()
    ebase = pl.multiple_of(w * EW, 16)
    nb = pl.multiple_of(w * 640, 16)
    w16 = pl.multiple_of(w * 16, 16)

    def _scan(per_vreg):
        def blk(b, _):
            off = pl.multiple_of(ebase + b * EB, 16)
            pltpu.sync_copy(src_h.at[pl.ds(off, EB)], sbuf)
            pltpu.sync_copy(dst_h.at[pl.ds(off, EB)], dbuf)
            pltpu.sync_copy(sc_h.at[pl.ds(off, EB)], scb)

            def vb(j, _):
                s16 = sbuf[pl.ds(j * 16, 16)]
                d16 = dbuf[pl.ds(j * 16, 16)]
                c16 = scb[pl.ds(j * 16, 16)]
                e16 = (off + j * 16) + it16
                per_vreg(s16, d16, c16, e16)
                return 0

            lax.fori_loop(0, VPB, vb, 0)
            return 0

        lax.fori_loop(0, NBLK, blk, 0)

    def init1(i, _):
        best[pl.ds(i * 16, 16)] = jnp.full((16,), -jnp.inf, jnp.float32)
        return 0

    lax.fori_loop(0, NP // 16, init1, 0)

    def pv_best(s16, d16, c16, e16):
        _rmw_max(best, s16, c16)
        _rmw_max(best, d16, c16)

    _scan(pv_best)

    pltpu.sync_copy(best, sh_best.at[w])
    plsc.subcore_barrier()
    pltpu.sync_copy(sh_best.at[0, pl.ds(nb, 640)], accf)

    def redf(t, _):
        pltpu.sync_copy(sh_best.at[t, pl.ds(nb, 640)], tmpf)

        def v(j, _):
            sl = pl.ds(j * 16, 16)
            accf[sl] = jnp.maximum(accf[sl], tmpf[sl])
            return 0

        lax.fori_loop(0, 40, v, 0)
        return 0

    lax.fori_loop(1, NW, redf, 0)
    pltpu.sync_copy(accf, sh_gbest.at[pl.ds(nb, 640)])
    plsc.subcore_barrier()
    pltpu.sync_copy(sh_gbest, best)

    def init2(i, _):
        bi[pl.ds(i * 16, 16)] = jnp.full((16,), BIGI, jnp.int32)
        return 0

    lax.fori_loop(0, NP // 16, init2, 0)

    def pv_bi(s16, d16, c16, e16):
        bs = plsc.load_gather(best, [s16])
        bd = plsc.load_gather(best, [d16])
        _rmw_min_masked(bi, s16, e16, c16 == bs)
        _rmw_min_masked(bi, d16, e16, c16 == bd)

    _scan(pv_bi)

    pltpu.sync_copy(bi, sh_bi.at[w])
    plsc.subcore_barrier()
    pltpu.sync_copy(sh_bi.at[0, pl.ds(nb, 640)], acci)

    def redi(t, _):
        pltpu.sync_copy(sh_bi.at[t, pl.ds(nb, 640)], tmpi)

        def v(j, _):
            sl = pl.ds(j * 16, 16)
            acci[sl] = jnp.minimum(acci[sl], tmpi[sl])
            return 0

        lax.fori_loop(0, 40, v, 0)
        return 0

    lax.fori_loop(1, NW, redi, 0)
    pltpu.sync_copy(acci, sh_gbi.at[pl.ds(nb, 640)])
    plsc.subcore_barrier()
    pltpu.sync_copy(sh_gbi, bi)

    def init3(i, _):
        lgsc[pl.ds(i * 16, 16)] = jnp.full((16,), -jnp.inf, jnp.float32)
        return 0

    lax.fori_loop(0, LMAX // 16, init3, 0)

    def blk3(b, ptrv):
        off = ebase + b * EB
        pltpu.sync_copy(src_h.at[pl.ds(off, EB)], sbuf)
        pltpu.sync_copy(dst_h.at[pl.ds(off, EB)], dbuf)
        pltpu.sync_copy(sc_h.at[pl.ds(off, EB)], scb)

        def vb(j, ptrv):
            s16 = sbuf[pl.ds(j * 16, 16)]
            d16 = dbuf[pl.ds(j * 16, 16)]
            c16 = scb[pl.ds(j * 16, 16)]
            e16 = (off + j * 16) + it16
            fs = plsc.load_gather(bi, [s16])
            fd = plsc.load_gather(bi, [d16])
            mg = (s16 != d16) & (c16 > 0.0) & (fs == e16) & (fd == e16)
            mi = mg.astype(jnp.int32)
            pos = ptrv + plsc.cumsum(mi) - mi
            plsc.store_scatter(lgs, [pos], s16, mask=mg)
            plsc.store_scatter(lgd, [pos], d16, mask=mg)
            plsc.store_scatter(lgsc, [pos], c16, mask=mg)
            plsc.store_scatter(lgix, [pos], e16, mask=mg)
            return ptrv + plsc.all_reduce_population_count(mg)

        return lax.fori_loop(0, VPB, vb, ptrv)

    ptrv = lax.fori_loop(0, NBLK, blk3, jnp.zeros((16,), jnp.int32))
    m_w = jnp.max(ptrv)

    v16i[...] = ptrv
    pltpu.sync_copy(v16i, sh_cnt.at[pl.ds(w16, 16)])
    pltpu.sync_copy(v16i, cnt_h.at[pl.ds(w16, 16)])
    plsc.subcore_barrier()
    pltpu.sync_copy(sh_cnt, cbuf)

    def basef(t, ab):
        c = cbuf[pl.ds(t * 16, 16)][0]
        return ab + ((c + 15) // 16) * 16

    abase = pl.multiple_of(lax.fori_loop(0, w, basef, jnp.int32(0)), 16)
    nch = (m_w + 15) // 16

    def cp(k, _):
        sl = pl.ds(pl.multiple_of(k * 16, 16), 16)
        dst_sl = pl.ds(pl.multiple_of(abase + k * 16, 16), 16)
        pltpu.sync_copy(lgs.at[sl], sh_gs.at[dst_sl])
        pltpu.sync_copy(lgd.at[sl], sh_gd.at[dst_sl])
        pltpu.sync_copy(lgsc.at[sl], sh_gsc.at[dst_sl])
        pltpu.sync_copy(lgix.at[sl], sh_gix.at[dst_sl])
        return 0

    lax.fori_loop(0, nch, cp, 0)
    plsc.subcore_barrier()

    @pl.when(w == 0)
    def _():
        pltpu.sync_copy(sh_gs, gs_h)
        pltpu.sync_copy(sh_gd, gd_h)
        pltpu.sync_copy(sh_gsc, gsc_h)
        pltpu.sync_copy(sh_gix, gix_h)


_sc1 = functools.partial(
    pl.kernel,
    out_type=[
        jax.ShapeDtypeStruct((GMAX,), jnp.int32),
        jax.ShapeDtypeStruct((GMAX,), jnp.int32),
        jax.ShapeDtypeStruct((GMAX,), jnp.float32),
        jax.ShapeDtypeStruct((GMAX,), jnp.int32),
        jax.ShapeDtypeStruct((NW * 16,), jnp.int32),
    ],
    mesh=_mesh,
    scratch_types=[
        pltpu.VMEM((NP,), jnp.float32),
        pltpu.VMEM((NP,), jnp.int32),
        pltpu.VMEM((EB,), jnp.int32),
        pltpu.VMEM((EB,), jnp.int32),
        pltpu.VMEM((EB,), jnp.float32),
        pltpu.VMEM((640,), jnp.float32),
        pltpu.VMEM((640,), jnp.int32),
        pltpu.VMEM((640,), jnp.float32),
        pltpu.VMEM((640,), jnp.int32),
        pltpu.VMEM((LMAX,), jnp.int32),
        pltpu.VMEM((LMAX,), jnp.int32),
        pltpu.VMEM((LMAX,), jnp.float32),
        pltpu.VMEM((LMAX,), jnp.int32),
        pltpu.VMEM((NW * 16,), jnp.int32),
        pltpu.VMEM((16,), jnp.int32),
        pltpu.VMEM_SHARED((NW, NP), jnp.float32),
        pltpu.VMEM_SHARED((NW, NP), jnp.int32),
        pltpu.VMEM_SHARED((NP,), jnp.float32),
        pltpu.VMEM_SHARED((NP,), jnp.int32),
        pltpu.VMEM_SHARED((GMAX,), jnp.int32),
        pltpu.VMEM_SHARED((GMAX,), jnp.int32),
        pltpu.VMEM_SHARED((GMAX,), jnp.float32),
        pltpu.VMEM_SHARED((GMAX,), jnp.int32),
        pltpu.VMEM_SHARED((NW * 16,), jnp.int32),
    ],
    compiler_params=_sc_params,
)(_sc1_body)


def _rank_body(cnt_ref, gsr_ref, gxr_ref, gsc_ref, gxc_ref, rk_ref):
    cnt = cnt_ref[...]
    ta = jnp.sum(((cnt + 15) // 16) * 16)
    nblk = (ta + 127) // 128

    def iblk(b, _):
        isc = gsr_ref[pl.ds(b, 1), :]
        iix = gxr_ref[pl.ds(b, 1), :]

        def jblk(jb, acc):
            jsc = gsc_ref[pl.ds(jb * 128, 128), :]
            jix = gxc_ref[pl.ds(jb * 128, 128), :]
            jpos = jb * 128 + lax.broadcasted_iota(jnp.int32, (128, 1), 0)
            valid = (jpos < ta) & (jsc > 0.0)
            better = (jsc > isc) | ((jsc == isc) & (jix < iix))
            return acc + jnp.sum((better & valid).astype(jnp.int32),
                                 axis=0, keepdims=True)

        acc = lax.fori_loop(0, nblk, jblk, jnp.zeros((1, 128), jnp.int32))
        rk_ref[pl.ds(b, 1), :] = acc
        return 0

    lax.fori_loop(0, nblk, iblk, 0)


_rank = pl.pallas_call(
    _rank_body,
    out_shape=jax.ShapeDtypeStruct((GMAX // 128, 128), jnp.int32),
)


def _sc2_body(gs_h, gd_h, gsc_h, rk_h, cnt_h, x_h, pooled_h,
              bgs, bgd, bgsc, brk, cbuf, rowA, rowB, mrg,
              idxA, idxB, idxAc, idxBc, bufA, bufB, outb,
              semA, semB, sh_rowA, sh_rowB):
    w = lax.axis_index("s")
    it16 = _iota16()

    @pl.when(w == 0)
    def _g():
        pltpu.sync_copy(gs_h, bgs)
        pltpu.sync_copy(gd_h, bgd)
        pltpu.sync_copy(gsc_h, bgsc)
        pltpu.sync_copy(rk_h, brk)
        pltpu.sync_copy(cnt_h, cbuf)

        def init(i, _):
            sl = pl.ds(i * 16, 16)
            rowA[sl] = jnp.full((16,), -1, jnp.int32)
            rowB[sl] = jnp.full((16,), -1, jnp.int32)
            mrg[sl] = jnp.zeros((16,), jnp.int32)
            return 0

        lax.fori_loop(0, NP // 16, init, 0)

        def sums(t, st):
            ab, mm = st
            c = cbuf[pl.ds(t * 16, 16)][0]
            return (ab + ((c + 15) // 16) * 16, mm + c)

        ta, M = lax.fori_loop(0, NW, sums, (jnp.int32(0), jnp.int32(0)))

        nv = (ta + 15) // 16
        ones = jnp.ones((16,), jnp.int32)

        def sv(k, _):
            sl = pl.ds(k * 16, 16)
            s16 = bgs[sl]
            d16 = bgd[sl]
            c16 = bgsc[sl]
            r16 = jnp.clip(brk[sl], 0, NP - 1)
            val = (c16 > 0.0) & ((k * 16 + it16) < ta)
            s16c = jnp.clip(s16, 0, NP - 1)
            d16c = jnp.clip(d16, 0, NP - 1)
            plsc.store_scatter(rowA, [r16], s16, mask=val)
            plsc.store_scatter(rowB, [r16], d16, mask=val)
            plsc.store_scatter(mrg, [s16c], ones, mask=val)
            plsc.store_scatter(mrg, [d16c], ones, mask=val)
            return 0

        lax.fori_loop(0, nv, sv, 0)

        def fb(k, run):
            m16 = mrg[pl.ds(k * 16, 16)]
            unm = m16 == 0
            ui = unm.astype(jnp.int32)
            pos = M + run + plsc.cumsum(ui) - ui
            nid = k * 16 + it16
            plsc.store_scatter(rowA, [pos], nid, mask=unm)
            return run + plsc.all_reduce_population_count(unm)

        lax.fori_loop(0, N // 16, fb, jnp.zeros((16,), jnp.int32))
        pltpu.sync_copy(rowA, sh_rowA)
        pltpu.sync_copy(rowB, sh_rowB)

    plsc.subcore_barrier()

    rb = w * 640
    nch = jnp.where(w < NW - 1, 8, 5)

    def hc(c, _):
        r0 = pl.multiple_of(rb + c * 80, 8)
        pltpu.sync_copy(sh_rowA.at[pl.ds(r0, 80)], idxA.at[pl.ds(0, 80)])
        pltpu.sync_copy(sh_rowB.at[pl.ds(r0, 80)], idxB.at[pl.ds(0, 80)])

        def cl(j, _):
            sl = pl.ds(j * 16, 16)
            idxAc[sl] = jnp.maximum(idxA[sl], 0)
            idxBc[sl] = jnp.maximum(idxB[sl], 0)
            return 0

        lax.fori_loop(0, 5, cl, 0)
        cpA = pltpu.async_copy(x_h.at[idxAc], bufA, semA)
        cpB = pltpu.async_copy(x_h.at[idxBc], bufB, semB)
        cpA.wait()
        cpB.wait()

        def row(r, _):
            a = idxA[pl.ds(r, 16)][0]
            b = idxB[pl.ds(r, 16)][0]
            sA = jnp.where(a >= 0, jnp.float32(1.0), jnp.float32(0.0))
            sB = jnp.where(b >= 0, jnp.float32(1.0), jnp.float32(0.0))

            def vv(v, _):
                sl = pl.ds(v * 16, 16)
                outb[r, sl] = bufA[r, sl] * sA + bufB[r, sl] * sB
                return 0

            lax.fori_loop(0, D // 16, vv, 0)
            return 0

        lax.fori_loop(0, 80, row, 0)
        pltpu.sync_copy(outb, pooled_h.at[pl.ds(r0, 80), :])
        return 0

    lax.fori_loop(0, nch, hc, 0)


_sc2 = functools.partial(
    pl.kernel,
    out_type=jax.ShapeDtypeStruct((N, D), jnp.float32),
    mesh=_mesh,
    scratch_types=[
        pltpu.VMEM((GMAX,), jnp.int32),
        pltpu.VMEM((GMAX,), jnp.int32),
        pltpu.VMEM((GMAX,), jnp.float32),
        pltpu.VMEM((GMAX,), jnp.int32),
        pltpu.VMEM((NW * 16,), jnp.int32),
        pltpu.VMEM((NP,), jnp.int32),
        pltpu.VMEM((NP,), jnp.int32),
        pltpu.VMEM((NP,), jnp.int32),
        pltpu.VMEM((96,), jnp.int32),
        pltpu.VMEM((96,), jnp.int32),
        pltpu.VMEM((80,), jnp.int32),
        pltpu.VMEM((80,), jnp.int32),
        pltpu.VMEM((80, D), jnp.float32),
        pltpu.VMEM((80, D), jnp.float32),
        pltpu.VMEM((80, D), jnp.float32),
        pltpu.SemaphoreType.DMA,
        pltpu.SemaphoreType.DMA,
        pltpu.VMEM_SHARED((NP,), jnp.int32),
        pltpu.VMEM_SHARED((NP,), jnp.int32),
    ],
    compiler_params=_sc_params,
)(_sc2_body)


SPLIT_FAC = 1.0 + SPLIT_Q / (1.0 + MULT_FAC * POOL_IT)
MERGE_FAC = 1.0 + MERGE_P / (1.0 + MULT_FAC * POOL_IT)
RB = 200
NRB = EW // RB


def _softent(l0, l1, fac):
    m = jnp.maximum(l0, l1)
    e0 = jnp.exp(l0 - m)
    e1 = jnp.exp(l1 - m)
    s = e0 + e1
    p0 = jnp.clip(e0 / s, 1e-12, 1.0)
    p1 = jnp.clip(e1 / s, 1e-12, 1.0)
    return (p0 * jnp.log(1.0 / p0) + p1 * jnp.log(1.0 / p1)) * fac


def _hnode_body(l0_ref, l1_ref, h_ref):
    h_ref[...] = _softent(l0_ref[...], l1_ref[...], SPLIT_FAC)


_hnode = pl.pallas_call(
    _hnode_body, out_shape=jax.ShapeDtypeStruct((N, 1), jnp.float32))


def _escore_body(z0_ref, z1_ref, hs_ref, hd_ref, s_ref, d_ref, out_ref):
    hcomb = _softent(z0_ref[...], z1_ref[...], MERGE_FAC)
    sc = (2.0 + (hs_ref[...] - hcomb)) * (2.0 + (hd_ref[...] - hcomb))
    out_ref[...] = jnp.where(s_ref[...] != d_ref[...], sc,
                             jnp.float32(-jnp.inf))


_escore = pl.pallas_call(
    _escore_body, out_shape=jax.ShapeDtypeStruct((E // 128, 128), jnp.float32))


def _gather_body(src_h, dst_h, h_h, x_h, xsum_h, hs_h, hd_h,
                 hbuf, sbuf, dbuf, hsb, hdb, ridx, rowsA, rowsB, semA, semB):
    w = lax.axis_index("s")
    ebase = pl.multiple_of(w * EW, 16)
    pltpu.sync_copy(h_h, hbuf.at[pl.ds(0, N)])

    def blk(b, _):
        off = pl.multiple_of(ebase + b * EB, 16)
        pltpu.sync_copy(src_h.at[pl.ds(off, EB)], sbuf)
        pltpu.sync_copy(dst_h.at[pl.ds(off, EB)], dbuf)

        def vb(j, _):
            sl = pl.ds(j * 16, 16)
            hsb[sl] = plsc.load_gather(hbuf, [sbuf[sl]])
            hdb[sl] = plsc.load_gather(hbuf, [dbuf[sl]])
            return 0

        lax.fori_loop(0, VPB, vb, 0)
        pltpu.sync_copy(hsb, hs_h.at[pl.ds(off, EB)])
        pltpu.sync_copy(hdb, hd_h.at[pl.ds(off, EB)])
        return 0

    lax.fori_loop(0, NBLK, blk, 0)

    def rblk(b, _):
        off = pl.multiple_of(ebase + b * RB, 8)
        pltpu.sync_copy(src_h.at[pl.ds(off, RB)], ridx)
        pltpu.async_copy(x_h.at[ridx], rowsA, semA).wait()
        pltpu.sync_copy(dst_h.at[pl.ds(off, RB)], ridx)
        pltpu.async_copy(x_h.at[ridx], rowsB, semB).wait()

        def rv(r, _):
            def vv(v, _):
                sl = pl.ds(v * 16, 16)
                rowsA[r, sl] = rowsA[r, sl] + rowsB[r, sl]
                return 0

            lax.fori_loop(0, D // 16, vv, 0)
            return 0

        lax.fori_loop(0, RB, rv, 0)
        pltpu.sync_copy(rowsA, xsum_h.at[pl.ds(off, RB), :])
        return 0

    lax.fori_loop(0, NRB, rblk, 0)


_gather = functools.partial(
    pl.kernel,
    out_type=[
        jax.ShapeDtypeStruct((E, D), jnp.float32),
        jax.ShapeDtypeStruct((E,), jnp.float32),
        jax.ShapeDtypeStruct((E,), jnp.float32),
    ],
    mesh=_mesh,
    scratch_types=[
        pltpu.VMEM((NP,), jnp.float32),
        pltpu.VMEM((EB,), jnp.int32),
        pltpu.VMEM((EB,), jnp.int32),
        pltpu.VMEM((EB,), jnp.float32),
        pltpu.VMEM((EB,), jnp.float32),
        pltpu.VMEM((RB,), jnp.int32),
        pltpu.VMEM((RB, D), jnp.float32),
        pltpu.VMEM((RB, D), jnp.float32),
        pltpu.SemaphoreType.DMA,
        pltpu.SemaphoreType.DMA,
    ],
    compiler_params=_sc_params,
)(_gather_body)


def kernel(x, edge_index, W):
    src = edge_index[0]
    dst = edge_index[1]
    l = x @ W
    h = _hnode(l[:, 0:1], l[:, 1:2])[:, 0]
    xsum, hs, hd = _gather(src, dst, h, x)
    z = xsum @ W
    scores = _escore(z[:, 0].reshape(E // 128, 128),
                     z[:, 1].reshape(E // 128, 128),
                     hs.reshape(E // 128, 128),
                     hd.reshape(E // 128, 128),
                     src.reshape(E // 128, 128),
                     dst.reshape(E // 128, 128)).reshape(E)

    gs, gd, gsc, gix, cnt = _sc1(src, dst, scores)
    cnt16 = cnt.reshape(NW, 16)[:, 0].reshape(1, NW)
    ranks = _rank(cnt16,
                  gsc.reshape(GMAX // 128, 128),
                  gix.reshape(GMAX // 128, 128),
                  gsc.reshape(GMAX, 1),
                  gix.reshape(GMAX, 1))
    pooled = _sc2(gs, gd, gsc, ranks.reshape(GMAX), cnt, x)
    return pooled

# --- scband reference (transcript-rebuilt; emitter-appended) ---
"""Pipeline reference for scband-edgepooling-training-81535659148049 (READ-ONLY COPY).

The authoritative reference and input builder live on the scoring server;
editing this copy changes nothing except your own understanding.
"""

import jax, jax.numpy as jnp
import numpy as np

N = 10000
E = 320000
D = 128
NC = 2
EPS_IN = 0.5
MERGE_P = 0.01
SPLIT_Q = 0.01
MULT_FAC = 1
POOL_IT = 0


def setup_inputs(seed: int = 0) -> dict:
    key = jax.random.key(seed)
    k1, k2, k3 = jax.random.split(key, 3)
    x = jax.random.normal(k1, (N, D), dtype=jnp.float32)
    edge_index = jax.random.randint(k2, (2, E), 0, N)
    W = jax.random.normal(k3, (D, NC), dtype=jnp.float32) * 0.1
    return {"x": x, "edge_index": edge_index, "W": W}


def _entropy2(p, fac):
    p = jnp.clip(p, 1e-12, 1.0)
    return (p[:, 0] * jnp.log(1.0 / p[:, 0]) + p[:, 1] * jnp.log(1.0 / p[:, 1])) * fac


def _forward(x, W, edge_index):
    src = edge_index[0]
    dst = edge_index[1]
    # per-node class probabilities (proxy for self.model scoring of node subgraphs)
    enodes = jax.nn.softmax(x @ W, axis=-1)
    esrc = enodes[src]
    edest = enodes[dst]
    # combined (merged pair) class probabilities: model score of merged node
    ecomb = jax.nn.softmax((x[src] + x[dst]) @ W, axis=-1)
    split_fac = 1.0 + SPLIT_Q / (1.0 + MULT_FAC * POOL_IT)
    merge_fac = 1.0 + MERGE_P / (1.0 + MULT_FAC * POOL_IT)
    hstc = _entropy2(esrc, split_fac)
    hdest = _entropy2(edest, split_fac)
    hcomb = _entropy2(ecomb, merge_fac)
    scores = (2.0 + (hstc - hcomb)) * (2.0 + (hdest - hcomb))
    scores = jnp.where(src != dst, scores, -jnp.inf)  # RemoveSelfLoop
    scores_sg = jax.lax.stop_gradient(scores)
    perm = jnp.argsort(-scores_sg)
    mask0 = jnp.zeros((N,), dtype=bool)
    cluster0 = jnp.full((N,), -1, dtype=jnp.int32)

    def body(i, st):
        mask, cluster, c = st
        e = perm[i]
        s = src[e]
        d = dst[e]
        active = scores_sg[e] > 0  # descending order -> emulates 'break' on score<=0
        can = active & (~mask[s]) & (~mask[d])
        cluster = cluster.at[s].set(jnp.where(can, c, cluster[s]))
        cluster = cluster.at[d].set(jnp.where(can, c, cluster[d]))
        c = c + can.astype(jnp.int32)
        mask = mask.at[s].set(mask[s] | active)
        mask = mask.at[d].set(mask[d] | active)
        return (mask, cluster, c)

    mask, cluster, c = jax.lax.fori_loop(0, E, body, (mask0, cluster0, jnp.int32(0)))
    # unmerged nodes become singleton clusters (cluster[i] == -1 branch)
    unmerged = cluster < 0
    fresh = c + jnp.cumsum(unmerged.astype(jnp.int32)) - 1
    cluster = jnp.where(unmerged, fresh, cluster)
    # pooled node features: merged pairs get node_feat_1 + node_feat_2
    pooled = jax.ops.segment_sum(x, cluster, num_segments=N)
    return pooled


def reference(x, edge_index, W):
    return _forward(x, W, edge_index)

if __name__ == "__main__":
    import jax
    _d = setup_inputs()
    print(jax.jit(kernel)(*tuple(_d.values())))

</pallas_src>

<mosaic_0001>
#map = affine_map<(d0, d1) -> (0)>
module attributes {stable_mosaic.version = 14 : i64} {
  func.func @_sc1_body(%arg0: i32, %arg1: i32, %arg2: memref<320000xi32, #tpu.memory_space<hbm>>, %arg3: memref<320000xi32, #tpu.memory_space<hbm>>, %arg4: memref<320000xf32, #tpu.memory_space<hbm>>, %arg5: memref<5376xi32, #tpu.memory_space<hbm>>, %arg6: memref<5376xi32, #tpu.memory_space<hbm>>, %arg7: memref<5376xf32, #tpu.memory_space<hbm>>, %arg8: memref<5376xi32, #tpu.memory_space<hbm>>, %arg9: memref<256xi32, #tpu.memory_space<hbm>>, %arg10: memref<10240xf32, #tpu.memory_space<vmem>>, %arg11: memref<10240xi32, #tpu.memory_space<vmem>>, %arg12: memref<2000xi32, #tpu.memory_space<vmem>>, %arg13: memref<2000xi32, #tpu.memory_space<vmem>>, %arg14: memref<2000xf32, #tpu.memory_space<vmem>>, %arg15: memref<640xf32, #tpu.memory_space<vmem>>, %arg16: memref<640xi32, #tpu.memory_space<vmem>>, %arg17: memref<640xf32, #tpu.memory_space<vmem>>, %arg18: memref<640xi32, #tpu.memory_space<vmem>>, %arg19: memref<5024xi32, #tpu.memory_space<vmem>>, %arg20: memref<5024xi32, #tpu.memory_space<vmem>>, %arg21: memref<5024xf32, #tpu.memory_space<vmem>>, %arg22: memref<5024xi32, #tpu.memory_space<vmem>>, %arg23: memref<256xi32, #tpu.memory_space<vmem>>, %arg24: memref<16xi32, #tpu.memory_space<vmem>>, %arg25: memref<16x10240xf32, #tpu.memory_space<vmem_shared>>, %arg26: memref<16x10240xi32, #tpu.memory_space<vmem_shared>>, %arg27: memref<10240xf32, #tpu.memory_space<vmem_shared>>, %arg28: memref<10240xi32, #tpu.memory_space<vmem_shared>>, %arg29: memref<5376xi32, #tpu.memory_space<vmem_shared>>, %arg30: memref<5376xi32, #tpu.memory_space<vmem_shared>>, %arg31: memref<5376xf32, #tpu.memory_space<vmem_shared>>, %arg32: memref<5376xi32, #tpu.memory_space<vmem_shared>>, %arg33: memref<256xi32, #tpu.memory_space<vmem_shared>>) attributes {dimension_semantics = [#tpu.dimension_semantics<core_parallel>, #tpu.dimension_semantics<subcore_parallel>], iteration_bounds = array<i64: 1, 16>, scalar_prefetch = 0 : i64, scratch_operands = 24 : i64, tpu.core_type = #tpu.core_type<sc_vector_subcore>, window_params = [{transform_indices = #map}, {transform_indices = #map}, {transform_indices = #map}, {transform_indices = #map}, {transform_indices = #map}, {transform_indices = #map}, {transform_indices = #map}, {transform_indices = #map}]} {
    %iota3A = tpu.iota {dimensions = array<i32: 0>} : vector<16xi32>
    %mul3A = arith.constant 20000 : i32
    %mul3A_0 = arith.muli %arg1, %mul3A : i32
    %multiple_of3A = tpu.assume_multiple %mul3A_0, 16 : i32
    %mul3A_1 = arith.constant 640 : i32
    %mul3A_2 = arith.muli %arg1, %mul3A_1 : i32
    %multiple_of3A_3 = tpu.assume_multiple %mul3A_2, 16 : i32
    %mul3A_4 = arith.constant 16 : i32
    %mul3A_5 = arith.muli %arg1, %mul3A_4 : i32
    %multiple_of3A_6 = tpu.assume_multiple %mul3A_5, 16 : i32
    %scan3A = arith.constant 0 : i32
    %scan3A_7 = arith.constant 0 : i32
    %scan3A_8 = arith.constant 640 : i32
    %scan3A_9 = arith.addi %scan3A_7, %scan3A_8 : i32
    %scan3A_10 = arith.constant 1 : i32
    %scan3A_11 = scf.for %scan3A_119 = %scan3A_7 to %scan3A_9 step %scan3A_10 iter_args(%scan3A_120 = %scan3A) -> (i32)  : i32 {
      %broadcast_in_dim3A_121 = arith.constant 0xFF800000 : f32
      %broadcast_in_dim3A_122 = vector.broadcast %broadcast_in_dim3A_121 : f32 to vector<16xf32>
      %mul3A_123 = arith.constant 16 : i32
      %mul3A_124 = arith.muli %scan3A_119, %mul3A_123 : i32
      %swap3A_125 = arith.index_cast %mul3A_124 : i32 to index
      %swap3A_126 = tpu.vector_load %arg10[%swap3A_125] {strides = array<i32>} : memref<10240xf32, #tpu.memory_space<vmem>>, vector<16xf32>,
      tpu.vector_store %arg10[%swap3A_125], %broadcast_in_dim3A_122 {strides = array<i32>} : memref<10240xf32, #tpu.memory_space<vmem>>, vector<16xf32>,
      %scan3A_127 = arith.constant 0 : i32
      scf.yield %scan3A_127 : i32
    }
    %scan3A_12 = arith.constant 640 : i32
    %scan3A_13 = arith.constant 0 : i32
    %scan3A_14 = arith.constant 0 : i32
    %scan3A_15 = arith.constant 10 : i32
    %scan3A_16 = arith.addi %scan3A_14, %scan3A_15 : i32
    %scan3A_17 = arith.constant 1 : i32
    %scan3A_18 = scf.for %scan3A_119 = %scan3A_14 to %scan3A_16 step %scan3A_17 iter_args(%scan3A_120 = %scan3A_13) -> (i32)  : i32 {
      %mul3A_121 = arith.constant 2000 : i32
      %mul3A_122 = arith.muli %scan3A_119, %mul3A_121 : i32
      %add3A_123 = arith.addi %multiple_of3A, %mul3A_122 : i32
      %multiple_of3A_124 = tpu.assume_multiple %add3A_123, 16 : i32
      "tpu.region"() ({
        %run_scoped3A_133 = tpu.sem_alloc : memref<!tpu.dma_semaphore, #tpu.memory_space<semaphore_mem>>
        %dma_start3A = tpu.memref_slice %arg2[%multiple_of3A_124] : memref<320000xi32, #tpu.memory_space<hbm>> -> memref<2000xi32, #tpu.memory_space<hbm>>
        %dma_start3A_134 = tpu.memref_slice %arg2[%multiple_of3A_124] : memref<320000xi32, #tpu.memory_space<hbm>> -> memref<2000xi32, #tpu.memory_space<hbm>>
        tpu.enqueue_dma source(%dma_start3A_134 : memref<2000xi32, #tpu.memory_space<hbm>>) target(%arg12 : memref<2000xi32, #tpu.memory_space<vmem>>) target_semaphore(%run_scoped3A_133 : memref<!tpu.dma_semaphore, #tpu.memory_space<semaphore_mem>>)
        %dma_wait3A = tpu.memref_slice %arg2[%multiple_of3A_124] : memref<320000xi32, #tpu.memory_space<hbm>> -> memref<2000xi32, #tpu.memory_space<hbm>>
        %dma_wait3A_135 = tpu.memref_slice %arg2[%multiple_of3A_124] : memref<320000xi32, #tpu.memory_space<hbm>> -> memref<2000xi32, #tpu.memory_space<hbm>>
        tpu.wait_dma2 semaphore(%run_scoped3A_133 : memref<!tpu.dma_semaphore, #tpu.memory_space<semaphore_mem>>) src(%dma_wait3A_135 : memref<2000xi32, #tpu.memory_space<hbm>>) dst(%arg12 : memref<2000xi32, #tpu.memory_space<vmem>>)
        tpu.yield
      }) : () -> ()
      "tpu.region"() ({
        %run_scoped3A_133 = tpu.sem_alloc : memref<!tpu.dma_semaphore, #tpu.memory_space<semaphore_mem>>
        %dma_start3A = tpu.memref_slice %arg3[%multiple_of3A_124] : memref<320000xi32, #tpu.memory_space<hbm>> -> memref<2000xi32, #tpu.memory_space<hbm>>
        %dma_start3A_134 = tpu.memref_slice %arg3[%multiple_of3A_124] : memref<320000xi32, #tpu.memory_space<hbm>> -> memref<2000xi32, #tpu.memory_space<hbm>>
        tpu.enqueue_dma source(%dma_start3A_134 : memref<2000xi32, #tpu.memory_space<hbm>>) target(%arg13 : memref<2000xi32, #tpu.memory_space<vmem>>) target_semaphore(%run_scoped3A_133 : memref<!tpu.dma_semaphore, #tpu.memory_space<semaphore_mem>>)
        %dma_wait3A = tpu.memref_slice %arg3[%multiple_of3A_124] : memref<320000xi32, #tpu.memory_space<hbm>> -> memref<2000xi32, #tpu.memory_space<hbm>>
        %dma_wait3A_135 = tpu.memref_slice %arg3[%multiple_of3A_124] : memref<320000xi32, #tpu.memory_space<hbm>> -> memref<2000xi32, #tpu.memory_space<hbm>>
        tpu.wait_dma2 semaphore(%run_scoped3A_133 : memref<!tpu.dma_semaphore, #tpu.memory_space<semaphore_mem>>) src(%dma_wait3A_135 : memref<2000xi32, #tpu.memory_space<hbm>>) dst(%arg13 : memref<2000xi32, #tpu.memory_space<vmem>>)
        tpu.yield
      }) : () -> ()
      "tpu.region"() ({
        %run_scoped3A_133 = tpu.sem_alloc : memref<!tpu.dma_semaphore, #tpu.memory_space<semaphore_mem>>
        %dma_start3A = tpu.memref_slice %arg4[%multiple_of3A_124] : memref<320000xf32, #tpu.memory_space<hbm>> -> memref<2000xf32, #tpu.memory_space<hbm>>
        %dma_start3A_134 = tpu.memref_slice %arg4[%multiple_of3A_124] : memref<320000xf32, #tpu.memory_space<hbm>> -> memref<2000xf32, #tpu.memory_space<hbm>>
        tpu.enqueue_dma source(%dma_start3A_134 : memref<2000xf32, #tpu.memory_space<hbm>>) target(%arg14 : memref<2000xf32, #tpu.memory_space<vmem>>) target_semaphore(%run_scoped3A_133 : memref<!tpu.dma_semaphore, #tpu.memory_space<semaphore_mem>>)
        %dma_wait3A = tpu.memref_slice %arg4[%multiple_of3A_124] : memref<320000xf32, #tpu.memory_space<hbm>> -> memref<2000xf32, #tpu.memory_space<hbm>>
        %dma_wait3A_135 = tpu.memref_slice %arg4[%multiple_of3A_124] : memref<320000xf32, #tpu.memory_space<hbm>> -> memref<2000xf32, #tpu.memory_space<hbm>>
        tpu.wait_dma2 semaphore(%run_scoped3A_133 : memref<!tpu.dma_semaphore, #tpu.memory_space<semaphore_mem>>) src(%dma_wait3A_135 : memref<2000xf32, #tpu.memory_space<hbm>>) dst(%arg14 : memref<2000xf32, #tpu.memory_space<vmem>>)
        tpu.yield
      }) : () -> ()
      %scan3A_125 = arith.constant 0 : i32
      %scan3A_126 = arith.constant 0 : i32
      %scan3A_127 = arith.constant 125 : i32
      %scan3A_128 = arith.addi %scan3A_126, %scan3A_127 : i32
      %scan3A_129 = arith.constant 1 : i32
      %scan3A_130 = scf.for %scan3A_133 = %scan3A_126 to %scan3A_128 step %scan3A_129 iter_args(%scan3A_134 = %scan3A_125) -> (i32)  : i32 {
        %mul3A_135 = arith.constant 16 : i32
        %mul3A_136 = arith.muli %scan3A_133, %mul3A_135 : i32
        %get3A = arith.index_cast %mul3A_136 : i32 to index
        %get3A_137 = tpu.vector_load %arg12[%get3A] {strides = array<i32>} : memref<2000xi32, #tpu.memory_space<vmem>>, vector<16xi32>,
        %mul3A_138 = arith.constant 16 : i32
        %mul3A_139 = arith.muli %scan3A_133, %mul3A_138 : i32
        %get3A_140 = arith.index_cast %mul3A_139 : i32 to index
        %get3A_141 = tpu.vector_load %arg13[%get3A_140] {strides = array<i32>} : memref<2000xi32, #tpu.memory_space<vmem>>, vector<16xi32>,
        %mul3A_142 = arith.constant 16 : i32
        %mul3A_143 = arith.muli %scan3A_133, %mul3A_142 : i32
        %get3A_144 = arith.index_cast %mul3A_143 : i32 to index
        %get3A_145 = tpu.vector_load %arg14[%get3A_144] {strides = array<i32>} : memref<2000xf32, #tpu.memory_space<vmem>>, vector<16xf32>,
        %mul3A_146 = arith.constant 16 : i32
        %mul3A_147 = arith.muli %scan3A_133, %mul3A_146 : i32
        %add3A_148 = arith.addi %multiple_of3A_124, %mul3A_147 : i32
        %add3A_149 = vector.broadcast %add3A_148 : i32 to vector<16xi32>
        %add3A_150 = arith.addi %add3A_149, %iota3A : vector<16xi32>
        %gather3A = tpu.vector_load_idx %arg10[%get3A_137] : memref<10240xf32, #tpu.memory_space<vmem>>[vector<16xi32>], vector<16xf32>,
        %gt3A = arith.cmpf ogt, %get3A_145, %gather3A : vector<16xf32>
        %while3A_151 = scf.while (%while3A_156 = %gt3A) : (vector<16xi1>) -> vector<16xi1> {
          %convert_element_type3A_157 = arith.extui %while3A_156 : vector<16xi1> to vector<16xi32>
          %reduce_max3A_158 = arith.constant true
          %reduce_max3A_159 = vector.broadcast %reduce_max3A_158 : i1 to vector<16xi1>
          %reduce_max3A_160 = arith.constant -2147483648 : i32
          %reduce_max3A_161 = vector.broadcast %reduce_max3A_160 : i32 to vector<16xi32>
          %reduce_max3A_162 = arith.xori %convert_element_type3A_157, %reduce_max3A_161 : vector<16xi32>
          %reduce_max3A_163 = tpu.scan <max>, %reduce_max3A_162 masked %reduce_max3A_159 : vector<16xi32>, vector<16xi1> -> vector<16xi32>
          %reduce_max3A_164 = arith.xori %reduce_max3A_163, %reduce_max3A_161 : vector<16xi32>
          %reduce_max3A_165 = vector.extract %reduce_max3A_164[15] : i32 from vector<16xi32>
          %gt3A_166 = arith.constant 0 : i32
          %gt3A_167 = arith.cmpi sgt, %reduce_max3A_165, %gt3A_166 : i32
          scf.condition(%gt3A_167) %while3A_156 : vector<16xi1>
        } do {
        ^bb0(%while3A_156: vector<16xi1>):
          tpu.vector_store_idx %arg10[%get3A_137], %get3A_145 masked %while3A_156 : memref<10240xf32, #tpu.memory_space<vmem>>[vector<16xi32>], vector<16xf32>, vector<16xi1>
          %gather3A_157 = tpu.vector_load_idx %arg10[%get3A_137] : memref<10240xf32, #tpu.memory_space<vmem>>[vector<16xi32>], vector<16xf32>,
          %gt3A_158 = arith.cmpf ogt, %get3A_145, %gather3A_157 : vector<16xf32>
          %and3A_159 = arith.andi %while3A_156, %gt3A_158 : vector<16xi1>
          scf.yield %and3A_159 : vector<16xi1>
        }
        %gather3A_152 = tpu.vector_load_idx %arg10[%get3A_141] : memref<10240xf32, #tpu.memory_space<vmem>>[vector<16xi32>], vector<16xf32>,
        %gt3A_153 = arith.cmpf ogt, %get3A_145, %gather3A_152 : vector<16xf32>
        %while3A_154 = scf.while (%while3A_156 = %gt3A_153) : (vector<16xi1>) -> vector<16xi1> {
          %convert_element_type3A_157 = arith.extui %while3A_156 : vector<16xi1> to vector<16xi32>
          %reduce_max3A_158 = arith.constant true
          %reduce_max3A_159 = vector.broadcast %reduce_max3A_158 : i1 to vector<16xi1>
          %reduce_max3A_160 = arith.constant -2147483648 : i32
          %reduce_max3A_161 = vector.broadcast %reduce_max3A_160 : i32 to vector<16xi32>
          %reduce_max3A_162 = arith.xori %convert_element_type3A_157, %reduce_max3A_161 : vector<16xi32>
          %reduce_max3A_163 = tpu.scan <max>, %reduce_max3A_162 masked %reduce_max3A_159 : vector<16xi32>, vector<16xi1> -> vector<16xi32>
          %reduce_max3A_164 = arith.xori %reduce_max3A_163, %reduce_max3A_161 : vector<16xi32>
          %reduce_max3A_165 = vector.extract %reduce_max3A_164[15] : i32 from vector<16xi32>
          %gt3A_166 = arith.constant 0 : i32
          %gt3A_167 = arith.cmpi sgt, %reduce_max3A_165, %gt3A_166 : i32
          scf.condition(%gt3A_167) %while3A_156 : vector<16xi1>
        } do {
        ^bb0(%while3A_156: vector<16xi1>):
          tpu.vector_store_idx %arg10[%get3A_141], %get3A_145 masked %while3A_156 : memref<10240xf32, #tpu.memory_space<vmem>>[vector<16xi32>], vector<16xf32>, vector<16xi1>
          %gather3A_157 = tpu.vector_load_idx %arg10[%get3A_141] : memref<10240xf32, #tpu.memory_space<vmem>>[vector<16xi32>], vector<16xf32>,
          %gt3A_158 = arith.cmpf ogt, %get3A_145, %gather3A_157 : vector<16xf32>
          %and3A_159 = arith.andi %while3A_156, %gt3A_158 : vector<16xi1>
          scf.yield %and3A_159 : vector<16xi1>
        }
        %scan3A_155 = arith.constant 0 : i32
        scf.yield %scan3A_155 : i32
      }
      %scan3A_131 = arith.constant 125 : i32
      %scan3A_132 = arith.constant 0 : i32
      scf.yield %scan3A_132 : i32
    }
    %scan3A_19 = arith.constant 10 : i32
    "tpu.region"() ({
      %run_scoped3A_119 = tpu.sem_alloc : memref<!tpu.dma_semaphore, #tpu.memory_space<semaphore_mem>>
      %dma_start3A = arith.constant 0 : i32
      %dma_start3A_120 = tpu.memref_slice %arg25[%arg1, %dma_start3A] : memref<16x10240xf32, #tpu.memory_space<vmem_shared>> -> memref<1x10240xf32, #tpu.memory_space<vmem_shared>>
      %dma_start3A_121 = tpu.memref_squeeze %dma_start3A_120 : memref<1x10240xf32, #tpu.memory_space<vmem_shared>> -> memref<10240xf32, #tpu.memory_space<vmem_shared>>
      %dma_start3A_122 = arith.constant 0 : i32
      %dma_start3A_123 = tpu.memref_slice %arg25[%arg1, %dma_start3A_122] : memref<16x10240xf32, #tpu.memory_space<vmem_shared>> -> memref<1x10240xf32, #tpu.memory_space<vmem_shared>>
      %dma_start3A_124 = tpu.memref_squeeze %dma_start3A_123 : memref<1x10240xf32, #tpu.memory_space<vmem_shared>> -> memref<10240xf32, #tpu.memory_space<vmem_shared>>
      tpu.enqueue_dma source(%arg10 : memref<10240xf32, #tpu.memory_space<vmem>>) target(%dma_start3A_124 : memref<10240xf32, #tpu.memory_space<vmem_shared>>) target_semaphore(%run_scoped3A_119 : memref<!tpu.dma_semaphore, #tpu.memory_space<semaphore_mem>>)
      %dma_wait3A = arith.constant 0 : i32
      %dma_wait3A_125 = tpu.memref_slice %arg25[%arg1, %dma_wait3A] : memref<16x10240xf32, #tpu.memory_space<vmem_shared>> -> memref<1x10240xf32, #tpu.memory_space<vmem_shared>>
      %dma_wait3A_126 = tpu.memref_squeeze %dma_wait3A_125 : memref<1x10240xf32, #tpu.memory_space<vmem_shared>> -> memref<10240xf32, #tpu.memory_space<vmem_shared>>
      %dma_wait3A_127 = arith.constant 0 : i32
      %dma_wait3A_128 = tpu.memref_slice %arg25[%arg1, %dma_wait3A_127] : memref<16x10240xf32, #tpu.memory_space<vmem_shared>> -> memref<1x10240xf32, #tpu.memory_space<vmem_shared>>
      %dma_wait3A_129 = tpu.memref_squeeze %dma_wait3A_128 : memref<1x10240xf32, #tpu.memory_space<vmem_shared>> -> memref<10240xf32, #tpu.memory_space<vmem_shared>>
      tpu.wait_dma2 semaphore(%run_scoped3A_119 : memref<!tpu.dma_semaphore, #tpu.memory_space<semaphore_mem>>) src(%arg10 : memref<10240xf32, #tpu.memory_space<vmem>>) dst(%dma_wait3A_129 : memref<10240xf32, #tpu.memory_space<vmem_shared>>)
      tpu.yield
    }) : () -> ()
    %barrier3A = arith.constant 0 : index
    tpu.barrier barrier_id(%barrier3A)
    %run_scoped3A = arith.constant 0 : i32
    "tpu.region"() ({
      %run_scoped3A_119 = tpu.sem_alloc : memref<!tpu.dma_semaphore, #tpu.memory_space<semaphore_mem>>
      %dma_start3A = tpu.memref_slice %arg25[%run_scoped3A, %multiple_of3A_3] : memref<16x10240xf32, #tpu.memory_space<vmem_shared>> -> memref<1x640xf32, #tpu.memory_space<vmem_shared>>
      %dma_start3A_120 = tpu.memref_squeeze %dma_start3A : memref<1x640xf32, #tpu.memory_space<vmem_shared>> -> memref<640xf32, #tpu.memory_space<vmem_shared>>
      %dma_start3A_121 = tpu.memref_slice %arg25[%run_scoped3A, %multiple_of3A_3] : memref<16x10240xf32, #tpu.memory_space<vmem_shared>> -> memref<1x640xf32, #tpu.memory_space<vmem_shared>>
      %dma_start3A_122 = tpu.memref_squeeze %dma_start3A_121 : memref<1x640xf32, #tpu.memory_space<vmem_shared>> -> memref<640xf32, #tpu.memory_space<vmem_shared>>
      tpu.enqueue_dma source(%dma_start3A_122 : memref<640xf32, #tpu.memory_space<vmem_shared>>) target(%arg15 : memref<640xf32, #tpu.memory_space<vmem>>) target_semaphore(%run_scoped3A_119 : memref<!tpu.dma_semaphore, #tpu.memory_space<semaphore_mem>>)
      %dma_wait3A = tpu.memref_slice %arg25[%run_scoped3A, %multiple_of3A_3] : memref<16x10240xf32, #tpu.memory_space<vmem_shared>> -> memref<1x640xf32, #tpu.memory_space<vmem_shared>>
      %dma_wait3A_123 = tpu.memref_squeeze %dma_wait3A : memref<1x640xf32, #tpu.memory_space<vmem_shared>> -> memref<640xf32, #tpu.memory_space<vmem_shared>>
      %dma_wait3A_124 = tpu.memref_slice %arg25[%run_scoped3A, %multiple_of3A_3] : memref<16x10240xf32, #tpu.memory_space<vmem_shared>> -> memref<1x640xf32, #tpu.memory_space<vmem_shared>>
      %dma_wait3A_125 = tpu.memref_squeeze %dma_wait3A_124 : memref<1x640xf32, #tpu.memory_space<vmem_shared>> -> memref<640xf32, #tpu.memory_space<vmem_shared>>
      tpu.wait_dma2 semaphore(%run_scoped3A_119 : memref<!tpu.dma_semaphore, #tpu.memory_space<semaphore_mem>>) src(%dma_wait3A_125 : memref<640xf32, #tpu.memory_space<vmem_shared>>) dst(%arg15 : memref<640xf32, #tpu.memory_space<vmem>>)
      tpu.yield
    }) : () -> ()
    %scan3A_20 = arith.constant 0 : i32
    %scan3A_21 = arith.constant 1 : i32
    %scan3A_22 = arith.constant 15 : i32
    %scan3A_23 = arith.addi %scan3A_21, %scan3A_22 : i32
    %scan3A_24 = arith.constant 1 : i32
    %scan3A_25 = scf.for %scan3A_119 = %scan3A_21 to %scan3A_23 step %scan3A_24 iter_args(%scan3A_120 = %scan3A_20) -> (i32)  : i32 {
      "tpu.region"() ({
        %run_scoped3A_129 = tpu.sem_alloc : memref<!tpu.dma_semaphore, #tpu.memory_space<semaphore_mem>>
        %dma_start3A = tpu.memref_slice %arg25[%scan3A_119, %multiple_of3A_3] : memref<16x10240xf32, #tpu.memory_space<vmem_shared>> -> memref<1x640xf32, #tpu.memory_space<vmem_shared>>
        %dma_start3A_130 = tpu.memref_squeeze %dma_start3A : memref<1x640xf32, #tpu.memory_space<vmem_shared>> -> memref<640xf32, #tpu.memory_space<vmem_shared>>
        %dma_start3A_131 = tpu.memref_slice %arg25[%scan3A_119, %multiple_of3A_3] : memref<16x10240xf32, #tpu.memory_space<vmem_shared>> -> memref<1x640xf32, #tpu.memory_space<vmem_shared>>
        %dma_start3A_132 = tpu.memref_squeeze %dma_start3A_131 : memref<1x640xf32, #tpu.memory_space<vmem_shared>> -> memref<640xf32, #tpu.memory_space<vmem_shared>>
        tpu.enqueue_dma source(%dma_start3A_132 : memref<640xf32, #tpu.memory_space<vmem_shared>>) target(%arg17 : memref<640xf32, #tpu.memory_space<vmem>>) target_semaphore(%run_scoped3A_129 : memref<!tpu.dma_semaphore, #tpu.memory_space<semaphore_mem>>)
        %dma_wait3A = tpu.memref_slice %arg25[%scan3A_119, %multiple_of3A_3] : memref<16x10240xf32, #tpu.memory_space<vmem_shared>> -> memref<1x640xf32, #tpu.memory_space<vmem_shared>>
        %dma_wait3A_133 = tpu.memref_squeeze %dma_wait3A : memref<1x640xf32, #tpu.memory_space<vmem_shared>> -> memref<640xf32, #tpu.memory_space<vmem_shared>>
        %dma_wait3A_134 = tpu.memref_slice %arg25[%scan3A_119, %multiple_of3A_3] : memref<16x10240xf32, #tpu.memory_space<vmem_shared>> -> memref<1x640xf32, #tpu.memory_space<vmem_shared>>
        %dma_wait3A_135 = tpu.memref_squeeze %dma_wait3A_134 : memref<1x640xf32, #tpu.memory_space<vmem_shared>> -> memref<640xf32, #tpu.memory_space<vmem_shared>>
        tpu.wait_dma2 semaphore(%run_scoped3A_129 : memref<!tpu.dma_semaphore, #tpu.memory_space<semaphore_mem>>) src(%dma_wait3A_135 : memref<640xf32, #tpu.memory_space<vmem_shared>>) dst(%arg17 : memref<640xf32, #tpu.memory_space<vmem>>)
        tpu.yield
      }) : () -> ()
      %scan3A_121 = arith.constant 0 : i32
      %scan3A_122 = arith.constant 0 : i32
      %scan3A_123 = arith.constant 40 : i32
      %scan3A_124 = arith.addi %scan3A_122, %scan3A_123 : i32
      %scan3A_125 = arith.constant 1 : i32
      %scan3A_126 = scf.for %scan3A_129 = %scan3A_122 to %scan3A_124 step %scan3A_125 iter_args(%scan3A_130 = %scan3A_121) -> (i32)  : i32 {
        %mul3A_131 = arith.constant 16 : i32
        %mul3A_132 = arith.muli %scan3A_129, %mul3A_131 : i32
        %get3A = arith.index_cast %mul3A_132 : i32 to index
        %get3A_133 = tpu.vector_load %arg15[%get3A] {strides = array<i32>} : memref<640xf32, #tpu.memory_space<vmem>>, vector<16xf32>,
        %get3A_134 = arith.index_cast %mul3A_132 : i32 to index
        %get3A_135 = tpu.vector_load %arg17[%get3A_134] {strides = array<i32>} : memref<640xf32, #tpu.memory_space<vmem>>, vector<16xf32>,
        %max3A = arith.maximumf %get3A_133, %get3A_135 : vector<16xf32>
        %swap3A_136 = arith.index_cast %mul3A_132 : i32 to index
        %swap3A_137 = tpu.vector_load %arg15[%swap3A_136] {strides = array<i32>} : memref<640xf32, #tpu.memory_space<vmem>>, vector<16xf32>,
        tpu.vector_store %arg15[%swap3A_136], %max3A {strides = array<i32>} : memref<640xf32, #tpu.memory_space<vmem>>, vector<16xf32>,
        %scan3A_138 = arith.constant 0 : i32
        scf.yield %scan3A_138 : i32
      }
      %scan3A_127 = arith.constant 40 : i32
      %scan3A_128 = arith.constant 0 : i32
      scf.yield %scan3A_128 : i32
    }
    %scan3A_26 = arith.constant 15 : i32
    "tpu.region"() ({
      %run_scoped3A_119 = tpu.sem_alloc : memref<!tpu.dma_semaphore, #tpu.memory_space<semaphore_mem>>
      %dma_start3A = tpu.memref_slice %arg27[%multiple_of3A_3] : memref<10240xf32, #tpu.memory_space<vmem_shared>> -> memref<640xf32, #tpu.memory_space<vmem_shared>>
      %dma_start3A_120 = tpu.memref_slice %arg27[%multiple_of3A_3] : memref<10240xf32, #tpu.memory_space<vmem_shared>> -> memref<640xf32, #tpu.memory_space<vmem_shared>>
      tpu.enqueue_dma source(%arg15 : memref<640xf32, #tpu.memory_space<vmem>>) target(%dma_start3A_120 : memref<640xf32, #tpu.memory_space<vmem_shared>>) target_semaphore(%run_scoped3A_119 : memref<!tpu.dma_semaphore, #tpu.memory_space<semaphore_mem>>)
      %dma_wait3A = tpu.memref_slice %arg27[%multiple_of3A_3] : memref<10240xf32, #tpu.memory_space<vmem_shared>> -> memref<640xf32, #tpu.memory_space<vmem_shared>>
      %dma_wait3A_121 = tpu.memref_slice %arg27[%multiple_of3A_3] : memref<10240xf32, #tpu.memory_space<vmem_shared>> -> memref<640xf32, #tpu.memory_space<vmem_shared>>
      tpu.wait_dma2 semaphore(%run_scoped3A_119 : memref<!tpu.dma_semaphore, #tpu.memory_space<semaphore_mem>>) src(%arg15 : memref<640xf32, #tpu.memory_space<vmem>>) dst(%dma_wait3A_121 : memref<640xf32, #tpu.memory_space<vmem_shared>>)
      tpu.yield
    }) : () -> ()
    %barrier3A_27 = arith.constant 0 : index
    tpu.barrier barrier_id(%barrier3A_27)
    "tpu.region"() ({
      %run_scoped3A_119 = tpu.sem_alloc : memref<!tpu.dma_semaphore, #tpu.memory_space<semaphore_mem>>
      tpu.enqueue_dma source(%arg27 : memref<10240xf32, #tpu.memory_space<vmem_shared>>) target(%arg10 : memref<10240xf32, #tpu.memory_space<vmem>>) target_semaphore(%run_scoped3A_119 : memref<!tpu.dma_semaphore, #tpu.memory_space<semaphore_mem>>)
      tpu.wait_dma2 semaphore(%run_scoped3A_119 : memref<!tpu.dma_semaphore, #tpu.memory_space<semaphore_mem>>) src(%arg27 : memref<10240xf32, #tpu.memory_space<vmem_shared>>) dst(%arg10 : memref<10240xf32, #tpu.memory_space<vmem>>)
      tpu.yield
    }) : () -> ()
    %scan3A_28 = arith.constant 0 : i32
    %scan3A_29 = arith.constant 0 : i32
    %scan3A_30 = arith.constant 640 : i32
    %scan3A_31 = arith.addi %scan3A_29, %scan3A_30 : i32
    %scan3A_32 = arith.constant 1 : i32
    %scan3A_33 = scf.for %scan3A_119 = %scan3A_29 to %scan3A_31 step %scan3A_32 iter_args(%scan3A_120 = %scan3A_28) -> (i32)  : i32 {
      %broadcast_in_dim3A_121 = arith.constant 2130706432 : i32
      %broadcast_in_dim3A_122 = vector.broadcast %broadcast_in_dim3A_121 : i32 to vector<16xi32>
      %mul3A_123 = arith.constant 16 : i32
      %mul3A_124 = arith.muli %scan3A_119, %mul3A_123 : i32
      %swap3A_125 = arith.index_cast %mul3A_124 : i32 to index
      %swap3A_126 = tpu.vector_load %arg11[%swap3A_125] {strides = array<i32>} : memref<10240xi32, #tpu.memory_space<vmem>>, vector<16xi32>,
      tpu.vector_store %arg11[%swap3A_125], %broadcast_in_dim3A_122 {strides = array<i32>} : memref<10240xi32, #tpu.memory_space<vmem>>, vector<16xi32>,
      %scan3A_127 = arith.constant 0 : i32
      scf.yield %scan3A_127 : i32
    }
    %scan3A_34 = arith.constant 640 : i32
    %scan3A_35 = arith.constant 0 : i32
    %scan3A_36 = arith.constant 0 : i32
    %scan3A_37 = arith.constant 10 : i32
    %scan3A_38 = arith.addi %scan3A_36, %scan3A_37 : i32
    %scan3A_39 = arith.constant 1 : i32
    %scan3A_40 = scf.for %scan3A_119 = %scan3A_36 to %scan3A_38 step %scan3A_39 iter_args(%scan3A_120 = %scan3A_35) -> (i32)  : i32 {
      %mul3A_121 = arith.constant 2000 : i32
      %mul3A_122 = arith.muli %scan3A_119, %mul3A_121 : i32
      %add3A_123 = arith.addi %multiple_of3A, %mul3A_122 : i32
      %multiple_of3A_124 = tpu.assume_multiple %add3A_123, 16 : i32
      "tpu.region"() ({
        %run_scoped3A_133 = tpu.sem_alloc : memref<!tpu.dma_semaphore, #tpu.memory_space<semaphore_mem>>
        %dma_start3A = tpu.memref_slice %arg2[%multiple_of3A_124] : memref<320000xi32, #tpu.memory_space<hbm>> -> memref<2000xi32, #tpu.memory_space<hbm>>
        %dma_start3A_134 = tpu.memref_slice %arg2[%multiple_of3A_124] : memref<320000xi32, #tpu.memory_space<hbm>> -> memref<2000xi32, #tpu.memory_space<hbm>>
        tpu.enqueue_dma source(%dma_start3A_134 : memref<2000xi32, #tpu.memory_space<hbm>>) target(%arg12 : memref<2000xi32, #tpu.memory_space<vmem>>) target_semaphore(%run_scoped3A_133 : memref<!tpu.dma_semaphore, #tpu.memory_space<semaphore_mem>>)
        %dma_wait3A = tpu.memref_slice %arg2[%multiple_of3A_124] : memref<320000xi32, #tpu.memory_space<hbm>> -> memref<2000xi32, #tpu.memory_space<hbm>>
        %dma_wait3A_135 = tpu.memref_slice %arg2[%multiple_of3A_124] : memref<320000xi32, #tpu.memory_space<hbm>> -> memref<2000xi32, #tpu.memory_space<hbm>>
        tpu.wait_dma2 semaphore(%run_scoped3A_133 : memref<!tpu.dma_semaphore, #tpu.memory_space<semaphore_mem>>) src(%dma_wait3A_135 : memref<2000xi32, #tpu.memory_space<hbm>>) dst(%arg12 : memref<2000xi32, #tpu.memory_space<vmem>>)
        tpu.yield
      }) : () -> ()
      "tpu.region"() ({
        %run_scoped3A_133 = tpu.sem_alloc : memref<!tpu.dma_semaphore, #tpu.memory_space<semaphore_mem>>
        %dma_start3A = tpu.memref_slice %arg3[%multiple_of3A_124] : memref<320000xi32, #tpu.memory_space<hbm>> -> memref<2000xi32, #tpu.memory_space<hbm>>
        %dma_start3A_134 = tpu.memref_slice %arg3[%multiple_of3A_124] : memref<320000xi32, #tpu.memory_space<hbm>> -> memref<2000xi32, #tpu.memory_space<hbm>>
        tpu.enqueue_dma source(%dma_start3A_134 : memref<2000xi32, #tpu.memory_space<hbm>>) target(%arg13 : memref<2000xi32, #tpu.memory_space<vmem>>) target_semaphore(%run_scoped3A_133 : memref<!tpu.dma_semaphore, #tpu.memory_space<semaphore_mem>>)
        %dma_wait3A = tpu.memref_slice %arg3[%multiple_of3A_124] : memref<320000xi32, #tpu.memory_space<hbm>> -> memref<2000xi32, #tpu.memory_space<hbm>>
        %dma_wait3A_135 = tpu.memref_slice %arg3[%multiple_of3A_124] : memref<320000xi32, #tpu.memory_space<hbm>> -> memref<2000xi32, #tpu.memory_space<hbm>>
        tpu.wait_dma2 semaphore(%run_scoped3A_133 : memref<!tpu.dma_semaphore, #tpu.memory_space<semaphore_mem>>) src(%dma_wait3A_135 : memref<2000xi32, #tpu.memory_space<hbm>>) dst(%arg13 : memref<2000xi32, #tpu.memory_space<vmem>>)
        tpu.yield
      }) : () -> ()
      "tpu.region"() ({
        %run_scoped3A_133 = tpu.sem_alloc : memref<!tpu.dma_semaphore, #tpu.memory_space<semaphore_mem>>
        %dma_start3A = tpu.memref_slice %arg4[%multiple_of3A_124] : memref<320000xf32, #tpu.memory_space<hbm>> -> memref<2000xf32, #tpu.memory_space<hbm>>
        %dma_start3A_134 = tpu.memref_slice %arg4[%multiple_of3A_124] : memref<320000xf32, #tpu.memory_space<hbm>> -> memref<2000xf32, #tpu.memory_space<hbm>>
        tpu.enqueue_dma source(%dma_start3A_134 : memref<2000xf32, #tpu.memory_space<hbm>>) target(%arg14 : memref<2000xf32, #tpu.memory_space<vmem>>) target_semaphore(%run_scoped3A_133 : memref<!tpu.dma_semaphore, #tpu.memory_space<semaphore_mem>>)
        %dma_wait3A = tpu.memref_slice %arg4[%multiple_of3A_124] : memref<320000xf32, #tpu.memory_space<hbm>> -> memref<2000xf32, #tpu.memory_space<hbm>>
        %dma_wait3A_135 = tpu.memref_slice %arg4[%multiple_of3A_124] : memref<320000xf32, #tpu.memory_space<hbm>> -> memref<2000xf32, #tpu.memory_space<hbm>>
        tpu.wait_dma2 semaphore(%run_scoped3A_133 : memref<!tpu.dma_semaphore, #tpu.memory_space<semaphore_mem>>) src(%dma_wait3A_135 : memref<2000xf32, #tpu.memory_space<hbm>>) dst(%arg14 : memref<2000xf32, #tpu.memory_space<vmem>>)
        tpu.yield
      }) : () -> ()
      %scan3A_125 = arith.constant 0 : i32
      %scan3A_126 = arith.constant 0 : i32
      %scan3A_127 = arith.constant 125 : i32
      %scan3A_128 = arith.addi %scan3A_126, %scan3A_127 : i32
      %scan3A_129 = arith.constant 1 : i32
      %scan3A_130 = scf.for %scan3A_133 = %scan3A_126 to %scan3A_128 step %scan3A_129 iter_args(%scan3A_134 = %scan3A_125) -> (i32)  : i32 {
        %mul3A_135 = arith.constant 16 : i32
        %mul3A_136 = arith.muli %scan3A_133, %mul3A_135 : i32
        %get3A = arith.index_cast %mul3A_136 : i32 to index
        %get3A_137 = tpu.vector_load %arg12[%get3A] {strides = array<i32>} : memref<2000xi32, #tpu.memory_space<vmem>>, vector<16xi32>,
        %mul3A_138 = arith.constant 16 : i32
        %mul3A_139 = arith.muli %scan3A_133, %mul3A_138 : i32
        %get3A_140 = arith.index_cast %mul3A_139 : i32 to index
        %get3A_141 = tpu.vector_load %arg13[%get3A_140] {strides = array<i32>} : memref<2000xi32, #tpu.memory_space<vmem>>, vector<16xi32>,
        %mul3A_142 = arith.constant 16 : i32
        %mul3A_143 = arith.muli %scan3A_133, %mul3A_142 : i32
        %get3A_144 = arith.index_cast %mul3A_143 : i32 to index
        %get3A_145 = tpu.vector_load %arg14[%get3A_144] {strides = array<i32>} : memref<2000xf32, #tpu.memory_space<vmem>>, vector<16xf32>,
        %mul3A_146 = arith.constant 16 : i32
        %mul3A_147 = arith.muli %scan3A_133, %mul3A_146 : i32
        %add3A_148 = arith.addi %multiple_of3A_124, %mul3A_147 : i32
        %add3A_149 = vector.broadcast %add3A_148 : i32 to vector<16xi32>
        %add3A_150 = arith.addi %add3A_149, %iota3A : vector<16xi32>
        %gather3A = tpu.vector_load_idx %arg10[%get3A_137] : memref<10240xf32, #tpu.memory_space<vmem>>[vector<16xi32>], vector<16xf32>,
        %gather3A_151 = tpu.vector_load_idx %arg10[%get3A_141] : memref<10240xf32, #tpu.memory_space<vmem>>[vector<16xi32>], vector<16xf32>,
        %eq3A_152 = arith.cmpf oeq, %get3A_145, %gather3A : vector<16xf32>
        %gather3A_153 = tpu.vector_load_idx %arg11[%get3A_137] : memref<10240xi32, #tpu.memory_space<vmem>>[vector<16xi32>], vector<16xi32>,
        %lt3A = arith.cmpi slt, %add3A_150, %gather3A_153 : vector<16xi32>
        %and3A_154 = arith.andi %eq3A_152, %lt3A : vector<16xi1>
        %while3A_155 = scf.while (%while3A_162 = %and3A_154) : (vector<16xi1>) -> vector<16xi1> {
          %convert_element_type3A_163 = arith.extui %while3A_162 : vector<16xi1> to vector<16xi32>
          %reduce_max3A_164 = arith.constant true
          %reduce_max3A_165 = vector.broadcast %reduce_max3A_164 : i1 to vector<16xi1>
          %reduce_max3A_166 = arith.constant -2147483648 : i32
          %reduce_max3A_167 = vector.broadcast %reduce_max3A_166 : i32 to vector<16xi32>
          %reduce_max3A_168 = arith.xori %convert_element_type3A_163, %reduce_max3A_167 : vector<16xi32>
          %reduce_max3A_169 = tpu.scan <max>, %reduce_max3A_168 masked %reduce_max3A_165 : vector<16xi32>, vector<16xi1> -> vector<16xi32>
          %reduce_max3A_170 = arith.xori %reduce_max3A_169, %reduce_max3A_167 : vector<16xi32>
          %reduce_max3A_171 = vector.extract %reduce_max3A_170[15] : i32 from vector<16xi32>
          %gt3A = arith.constant 0 : i32
          %gt3A_172 = arith.cmpi sgt, %reduce_max3A_171, %gt3A : i32
          scf.condition(%gt3A_172) %while3A_162 : vector<16xi1>
        } do {
        ^bb0(%while3A_162: vector<16xi1>):
          tpu.vector_store_idx %arg11[%get3A_137], %add3A_150 masked %while3A_162 : memref<10240xi32, #tpu.memory_space<vmem>>[vector<16xi32>], vector<16xi32>, vector<16xi1>
          %gather3A_163 = tpu.vector_load_idx %arg11[%get3A_137] : memref<10240xi32, #tpu.memory_space<vmem>>[vector<16xi32>], vector<16xi32>,
          %lt3A_164 = arith.cmpi slt, %add3A_150, %gather3A_163 : vector<16xi32>
          %and3A_165 = arith.andi %while3A_162, %lt3A_164 : vector<16xi1>
          scf.yield %and3A_165 : vector<16xi1>
        }
        %eq3A_156 = arith.cmpf oeq, %get3A_145, %gather3A_151 : vector<16xf32>
        %gather3A_157 = tpu.vector_load_idx %arg11[%get3A_141] : memref<10240xi32, #tpu.memory_space<vmem>>[vector<16xi32>], vector<16xi32>,
        %lt3A_158 = arith.cmpi slt, %add3A_150, %gather3A_157 : vector<16xi32>
        %and3A_159 = arith.andi %eq3A_156, %lt3A_158 : vector<16xi1>
        %while3A_160 = scf.while (%while3A_162 = %and3A_159) : (vector<16xi1>) -> vector<16xi1> {
          %convert_element_type3A_163 = arith.extui %while3A_162 : vector<16xi1> to vector<16xi32>
          %reduce_max3A_164 = arith.constant true
          %reduce_max3A_165 = vector.broadcast %reduce_max3A_164 : i1 to vector<16xi1>
          %reduce_max3A_166 = arith.constant -2147483648 : i32
          %reduce_max3A_167 = vector.broadcast %reduce_max3A_166 : i32 to vector<16xi32>
          %reduce_max3A_168 = arith.xori %convert_element_type3A_163, %reduce_max3A_167 : vector<16xi32>
          %reduce_max3A_169 = tpu.scan <max>, %reduce_max3A_168 masked %reduce_max3A_165 : vector<16xi32>, vector<16xi1> -> vector<16xi32>
          %reduce_max3A_170 = arith.xori %reduce_max3A_169, %reduce_max3A_167 : vector<16xi32>
          %reduce_max3A_171 = vector.extract %reduce_max3A_170[15] : i32 from vector<16xi32>
          %gt3A = arith.constant 0 : i32
          %gt3A_172 = arith.cmpi sgt, %reduce_max3A_171, %gt3A : i32
          scf.condition(%gt3A_172) %while3A_162 : vector<16xi1>
        } do {
        ^bb0(%while3A_162: vector<16xi1>):
          tpu.vector_store_idx %arg11[%get3A_141], %add3A_150 masked %while3A_162 : memref<10240xi32, #tpu.memory_space<vmem>>[vector<16xi32>], vector<16xi32>, vector<16xi1>
          %gather3A_163 = tpu.vector_load_idx %arg11[%get3A_141] : memref<10240xi32, #tpu.memory_space<vmem>>[vector<16xi32>], vector<16xi32>,
          %lt3A_164 = arith.cmpi slt, %add3A_150, %gather3A_163 : vector<16xi32>
          %and3A_165 = arith.andi %while3A_162, %lt3A_164 : vector<16xi1>
          scf.yield %and3A_165 : vector<16xi1>
        }
        %scan3A_161 = arith.constant 0 : i32
        scf.yield %scan3A_161 : i32
      }
      %scan3A_131 = arith.constant 125 : i32
      %scan3A_132 = arith.constant 0 : i32
      scf.yield %scan3A_132 : i32
    }
    %scan3A_41 = arith.constant 10 : i32
    "tpu.region"() ({
      %run_scoped3A_119 = tpu.sem_alloc : memref<!tpu.dma_semaphore, #tpu.memory_space<semaphore_mem>>
      %dma_start3A = arith.constant 0 : i32
      %dma_start3A_120 = tpu.memref_slice %arg26[%arg1, %dma_start3A] : memref<16x10240xi32, #tpu.memory_space<vmem_shared>> -> memref<1x10240xi32, #tpu.memory_space<vmem_shared>>
      %dma_start3A_121 = tpu.memref_squeeze %dma_start3A_120 : memref<1x10240xi32, #tpu.memory_space<vmem_shared>> -> memref<10240xi32, #tpu.memory_space<vmem_shared>>
      %dma_start3A_122 = arith.constant 0 : i32
      %dma_start3A_123 = tpu.memref_slice %arg26[%arg1, %dma_start3A_122] : memref<16x10240xi32, #tpu.memory_space<vmem_shared>> -> memref<1x10240xi32, #tpu.memory_space<vmem_shared>>
      %dma_start3A_124 = tpu.memref_squeeze %dma_start3A_123 : memref<1x10240xi32, #tpu.memory_space<vmem_shared>> -> memref<10240xi32, #tpu.memory_space<vmem_shared>>
      tpu.enqueue_dma source(%arg11 : memref<10240xi32, #tpu.memory_space<vmem>>) target(%dma_start3A_124 : memref<10240xi32, #tpu.memory_space<vmem_shared>>) target_semaphore(%run_scoped3A_119 : memref<!tpu.dma_semaphore, #tpu.memory_space<semaphore_mem>>)
      %dma_wait3A = arith.constant 0 : i32
      %dma_wait3A_125 = tpu.memref_slice %arg26[%arg1, %dma_wait3A] : memref<16x10240xi32, #tpu.memory_space<vmem_shared>> -> memref<1x10240xi32, #tpu.memory_space<vmem_shared>>
      %dma_wait3A_126 = tpu.memref_squeeze %dma_wait3A_125 : memref<1x10240xi32, #tpu.memory_space<vmem_shared>> -> memref<10240xi32, #tpu.memory_space<vmem_shared>>
      %dma_wait3A_127 = arith.constant 0 : i32
      %dma_wait3A_128 = tpu.memref_slice %arg26[%arg1, %dma_wait3A_127] : memref<16x10240xi32, #tpu.memory_space<vmem_shared>> -> memref<1x10240xi32, #tpu.memory_space<vmem_shared>>
      %dma_wait3A_129 = tpu.memref_squeeze %dma_wait3A_128 : memref<1x10240xi32, #tpu.memory_space<vmem_shared>> -> memref<10240xi32, #tpu.memory_space<vmem_shared>>
      tpu.wait_dma2 semaphore(%run_scoped3A_119 : memref<!tpu.dma_semaphore, #tpu.memory_space<semaphore_mem>>) src(%arg11 : memref<10240xi32, #tpu.memory_space<vmem>>) dst(%dma_wait3A_129 : memref<10240xi32, #tpu.memory_space<vmem_shared>>)
      tpu.yield
    }) : () -> ()
    %barrier3A_42 = arith.constant 0 : index
    tpu.barrier barrier_id(%barrier3A_42)
    %run_scoped3A_43 = arith.constant 0 : i32
    "tpu.region"() ({
      %run_scoped3A_119 = tpu.sem_alloc : memref<!tpu.dma_semaphore, #tpu.memory_space<semaphore_mem>>
      %dma_start3A = tpu.memref_slice %arg26[%run_scoped3A_43, %multiple_of3A_3] : memref<16x10240xi32, #tpu.memory_space<vmem_shared>> -> memref<1x640xi32, #tpu.memory_space<vmem_shared>>
      %dma_start3A_120 = tpu.memref_squeeze %dma_start3A : memref<1x640xi32, #tpu.memory_space<vmem_shared>> -> memref<640xi32, #tpu.memory_space<vmem_shared>>
      %dma_start3A_121 = tpu.memref_slice %arg26[%run_scoped3A_43, %multiple_of3A_3] : memref<16x10240xi32, #tpu.memory_space<vmem_shared>> -> memref<1x640xi32, #tpu.memory_space<vmem_shared>>
      %dma_start3A_122 = tpu.memref_squeeze %dma_start3A_121 : memref<1x640xi32, #tpu.memory_space<vmem_shared>> -> memref<640xi32, #tpu.memory_space<vmem_shared>>
      tpu.enqueue_dma source(%dma_start3A_122 : memref<640xi32, #tpu.memory_space<vmem_shared>>) target(%arg16 : memref<640xi32, #tpu.memory_space<vmem>>) target_semaphore(%run_scoped3A_119 : memref<!tpu.dma_semaphore, #tpu.memory_space<semaphore_mem>>)
      %dma_wait3A = tpu.memref_slice %arg26[%run_scoped3A_43, %multiple_of3A_3] : memref<16x10240xi32, #tpu.memory_space<vmem_shared>> -> memref<1x640xi32, #tpu.memory_space<vmem_shared>>
      %dma_wait3A_123 = tpu.memref_squeeze %dma_wait3A : memref<1x640xi32, #tpu.memory_space<vmem_shared>> -> memref<640xi32, #tpu.memory_space<vmem_shared>>
      %dma_wait3A_124 = tpu.memref_slice %arg26[%run_scoped3A_43, %multiple_of3A_3] : memref<16x10240xi32, #tpu.memory_space<vmem_shared>> -> memref<1x640xi32, #tpu.memory_space<vmem_shared>>
      %dma_wait3A_125 = tpu.memref_squeeze %dma_wait3A_124 : memref<1x640xi32, #tpu.memory_space<vmem_shared>> -> memref<640xi32, #tpu.memory_space<vmem_shared>>
      tpu.wait_dma2 semaphore(%run_scoped3A_119 : memref<!tpu.dma_semaphore, #tpu.memory_space<semaphore_mem>>) src(%dma_wait3A_125 : memref<640xi32, #tpu.memory_space<vmem_shared>>) dst(%arg16 : memref<640xi32, #tpu.memory_space<vmem>>)
      tpu.yield
    }) : () -> ()
    %scan3A_44 = arith.constant 0 : i32
    %scan3A_45 = arith.constant 1 : i32
    %scan3A_46 = arith.constant 15 : i32
    %scan3A_47 = arith.addi %scan3A_45, %scan3A_46 : i32
    %scan3A_48 = arith.constant 1 : i32
    %scan3A_49 = scf.for %scan3A_119 = %scan3A_45 to %scan3A_47 step %scan3A_48 iter_args(%scan3A_120 = %scan3A_44) -> (i32)  : i32 {
      "tpu.region"() ({
        %run_scoped3A_129 = tpu.sem_alloc : memref<!tpu.dma_semaphore, #tpu.memory_space<semaphore_mem>>
        %dma_start3A = tpu.memref_slice %arg26[%scan3A_119, %multiple_of3A_3] : memref<16x10240xi32, #tpu.memory_space<vmem_shared>> -> memref<1x640xi32, #tpu.memory_space<vmem_shared>>
        %dma_start3A_130 = tpu.memref_squeeze %dma_start3A : memref<1x640xi32, #tpu.memory_space<vmem_shared>> -> memref<640xi32, #tpu.memory_space<vmem_shared>>
        %dma_start3A_131 = tpu.memref_slice %arg26[%scan3A_119, %multiple_of3A_3] : memref<16x10240xi32, #tpu.memory_space<vmem_shared>> -> memref<1x640xi32, #tpu.memory_space<vmem_shared>>
        %dma_start3A_132 = tpu.memref_squeeze %dma_start3A_131 : memref<1x640xi32, #tpu.memory_space<vmem_shared>> -> memref<640xi32, #tpu.memory_space<vmem_shared>>
        tpu.enqueue_dma source(%dma_start3A_132 : memref<640xi32, #tpu.memory_space<vmem_shared>>) target(%arg18 : memref<640xi32, #tpu.memory_space<vmem>>) target_semaphore(%run_scoped3A_129 : memref<!tpu.dma_semaphore, #tpu.memory_space<semaphore_mem>>)
        %dma_wait3A = tpu.memref_slice %arg26[%scan3A_119, %multiple_of3A_3] : memref<16x10240xi32, #tpu.memory_space<vmem_shared>> -> memref<1x640xi32, #tpu.memory_space<vmem_shared>>
        %dma_wait3A_133 = tpu.memref_squeeze %dma_wait3A : memref<1x640xi32, #tpu.memory_space<vmem_shared>> -> memref<640xi32, #tpu.memory_space<vmem_shared>>
        %dma_wait3A_134 = tpu.memref_slice %arg26[%scan3A_119, %multiple_of3A_3] : memref<16x10240xi32, #tpu.memory_space<vmem_shared>> -> memref<1x640xi32, #tpu.memory_space<vmem_shared>>
        %dma_wait3A_135 = tpu.memref_squeeze %dma_wait3A_134 : memref<1x640xi32, #tpu.memory_space<vmem_shared>> -> memref<640xi32, #tpu.memory_space<vmem_shared>>
        tpu.wait_dma2 semaphore(%run_scoped3A_129 : memref<!tpu.dma_semaphore, #tpu.memory_space<semaphore_mem>>) src(%dma_wait3A_135 : memref<640xi32, #tpu.memory_space<vmem_shared>>) dst(%arg18 : memref<640xi32, #tpu.memory_space<vmem>>)
        tpu.yield
      }) : () -> ()
      %scan3A_121 = arith.constant 0 : i32
      %scan3A_122 = arith.constant 0 : i32
      %scan3A_123 = arith.constant 40 : i32
      %scan3A_124 = arith.addi %scan3A_122, %scan3A_123 : i32
      %scan3A_125 = arith.constant 1 : i32
      %scan3A_126 = scf.for %scan3A_129 = %scan3A_122 to %scan3A_124 step %scan3A_125 iter_args(%scan3A_130 = %scan3A_121) -> (i32)  : i32 {
        %mul3A_131 = arith.constant 16 : i32
        %mul3A_132 = arith.muli %scan3A_129, %mul3A_131 : i32
        %get3A = arith.index_cast %mul3A_132 : i32 to index
        %get3A_133 = tpu.vector_load %arg16[%get3A] {strides = array<i32>} : memref<640xi32, #tpu.memory_space<vmem>>, vector<16xi32>,
        %get3A_134 = arith.index_cast %mul3A_132 : i32 to index
        %get3A_135 = tpu.vector_load %arg18[%get3A_134] {strides = array<i32>} : memref<640xi32, #tpu.memory_space<vmem>>, vector<16xi32>,
        %min3A = arith.minsi %get3A_133, %get3A_135 : vector<16xi32>
        %swap3A_136 = arith.index_cast %mul3A_132 : i32 to index
        %swap3A_137 = tpu.vector_load %arg16[%swap3A_136] {strides = array<i32>} : memref<640xi32, #tpu.memory_space<vmem>>, vector<16xi32>,
        tpu.vector_store %arg16[%swap3A_136], %min3A {strides = array<i32>} : memref<640xi32, #tpu.memory_space<vmem>>, vector<16xi32>,
        %scan3A_138 = arith.constant 0 : i32
        scf.yield %scan3A_138 : i32
      }
      %scan3A_127 = arith.constant 40 : i32
      %scan3A_128 = arith.constant 0 : i32
      scf.yield %scan3A_128 : i32
    }
    %scan3A_50 = arith.constant 15 : i32
    "tpu.region"() ({
      %run_scoped3A_119 = tpu.sem_alloc : memref<!tpu.dma_semaphore, #tpu.memory_space<semaphore_mem>>
      %dma_start3A = tpu.memref_slice %arg28[%multiple_of3A_3] : memref<10240xi32, #tpu.memory_space<vmem_shared>> -> memref<640xi32, #tpu.memory_space<vmem_shared>>
      %dma_start3A_120 = tpu.memref_slice %arg28[%multiple_of3A_3] : memref<10240xi32, #tpu.memory_space<vmem_shared>> -> memref<640xi32, #tpu.memory_space<vmem_shared>>
      tpu.enqueue_dma source(%arg16 : memref<640xi32, #tpu.memory_space<vmem>>) target(%dma_start3A_120 : memref<640xi32, #tpu.memory_space<vmem_shared>>) target_semaphore(%run_scoped3A_119 : memref<!tpu.dma_semaphore, #tpu.memory_space<semaphore_mem>>)
      %dma_wait3A = tpu.memref_slice %arg28[%multiple_of3A_3] : memref<10240xi32, #tpu.memory_space<vmem_shared>> -> memref<640xi32, #tpu.memory_space<vmem_shared>>
      %dma_wait3A_121 = tpu.memref_slice %arg28[%multiple_of3A_3] : memref<10240xi32, #tpu.memory_space<vmem_shared>> -> memref<640xi32, #tpu.memory_space<vmem_shared>>
      tpu.wait_dma2 semaphore(%run_scoped3A_119 : memref<!tpu.dma_semaphore, #tpu.memory_space<semaphore_mem>>) src(%arg16 : memref<640xi32, #tpu.memory_space<vmem>>) dst(%dma_wait3A_121 : memref<640xi32, #tpu.memory_space<vmem_shared>>)
      tpu.yield
    }) : () -> ()
    %barrier3A_51 = arith.constant 0 : index
    tpu.barrier barrier_id(%barrier3A_51)
    "tpu.region"() ({
      %run_scoped3A_119 = tpu.sem_alloc : memref<!tpu.dma_semaphore, #tpu.memory_space<semaphore_mem>>
      tpu.enqueue_dma source(%arg28 : memref<10240xi32, #tpu.memory_space<vmem_shared>>) target(%arg11 : memref<10240xi32, #tpu.memory_space<vmem>>) target_semaphore(%run_scoped3A_119 : memref<!tpu.dma_semaphore, #tpu.memory_space<semaphore_mem>>)
      tpu.wait_dma2 semaphore(%run_scoped3A_119 : memref<!tpu.dma_semaphore, #tpu.memory_space<semaphore_mem>>) src(%arg28 : memref<10240xi32, #tpu.memory_space<vmem_shared>>) dst(%arg11 : memref<10240xi32, #tpu.memory_space<vmem>>)
      tpu.yield
    }) : () -> ()
    %scan3A_52 = arith.constant 0 : i32
    %scan3A_53 = arith.constant 0 : i32
    %scan3A_54 = arith.constant 314 : i32
    %scan3A_55 = arith.addi %scan3A_53, %scan3A_54 : i32
    %scan3A_56 = arith.constant 1 : i32
    %scan3A_57 = scf.for %scan3A_119 = %scan3A_53 to %scan3A_55 step %scan3A_56 iter_args(%scan3A_120 = %scan3A_52) -> (i32)  : i32 {
      %broadcast_in_dim3A_121 = arith.constant 0xFF800000 : f32
      %broadcast_in_dim3A_122 = vector.broadcast %broadcast_in_dim3A_121 : f32 to vector<16xf32>
      %mul3A_123 = arith.constant 16 : i32
      %mul3A_124 = arith.muli %scan3A_119, %mul3A_123 : i32
      %swap3A_125 = arith.index_cast %mul3A_124 : i32 to index
      %swap3A_126 = tpu.vector_load %arg21[%swap3A_125] {strides = array<i32>} : memref<5024xf32, #tpu.memory_space<vmem>>, vector<16xf32>,
      tpu.vector_store %arg21[%swap3A_125], %broadcast_in_dim3A_122 {strides = array<i32>} : memref<5024xf32, #tpu.memory_space<vmem>>, vector<16xf32>,
      %scan3A_127 = arith.constant 0 : i32
      scf.yield %scan3A_127 : i32
    }
    %scan3A_58 = arith.constant 314 : i32
    %broadcast_in_dim3A = arith.constant 0 : i32
    %broadcast_in_dim3A_59 = vector.broadcast %broadcast_in_dim3A : i32 to vector<16xi32>
    %scan3A_60 = arith.constant 0 : i32
    %scan3A_61 = arith.constant 10 : i32
    %scan3A_62 = arith.addi %scan3A_60, %scan3A_61 : i32
    %scan3A_63 = arith.constant 1 : i32
    %scan3A_64 = scf.for %scan3A_119 = %scan3A_60 to %scan3A_62 step %scan3A_63 iter_args(%scan3A_120 = %broadcast_in_dim3A_59) -> (vector<16xi32>)  : i32 {
      %mul3A_121 = arith.constant 2000 : i32
      %mul3A_122 = arith.muli %scan3A_119, %mul3A_121 : i32
      %add3A_123 = arith.addi %multiple_of3A, %mul3A_122 : i32
      "tpu.region"() ({
        %run_scoped3A_130 = tpu.sem_alloc : memref<!tpu.dma_semaphore, #tpu.memory_space<semaphore_mem>>
        %dma_start3A = tpu.memref_slice %arg2[%add3A_123] : memref<320000xi32, #tpu.memory_space<hbm>> -> memref<2000xi32, #tpu.memory_space<hbm>>
        %dma_start3A_131 = tpu.memref_slice %arg2[%add3A_123] : memref<320000xi32, #tpu.memory_space<hbm>> -> memref<2000xi32, #tpu.memory_space<hbm>>
        tpu.enqueue_dma source(%dma_start3A_131 : memref<2000xi32, #tpu.memory_space<hbm>>) target(%arg12 : memref<2000xi32, #tpu.memory_space<vmem>>) target_semaphore(%run_scoped3A_130 : memref<!tpu.dma_semaphore, #tpu.memory_space<semaphore_mem>>)
        %dma_wait3A = tpu.memref_slice %arg2[%add3A_123] : memref<320000xi32, #tpu.memory_space<hbm>> -> memref<2000xi32, #tpu.memory_space<hbm>>
        %dma_wait3A_132 = tpu.memref_slice %arg2[%add3A_123] : memref<320000xi32, #tpu.memory_space<hbm>> -> memref<2000xi32, #tpu.memory_space<hbm>>
        tpu.wait_dma2 semaphore(%run_scoped3A_130 : memref<!tpu.dma_semaphore, #tpu.memory_space<semaphore_mem>>) src(%dma_wait3A_132 : memref<2000xi32, #tpu.memory_space<hbm>>) dst(%arg12 : memref<2000xi32, #tpu.memory_space<vmem>>)
        tpu.yield
      }) : () -> ()
      "tpu.region"() ({
        %run_scoped3A_130 = tpu.sem_alloc : memref<!tpu.dma_semaphore, #tpu.memory_space<semaphore_mem>>
        %dma_start3A = tpu.memref_slice %arg3[%add3A_123] : memref<320000xi32, #tpu.memory_space<hbm>> -> memref<2000xi32, #tpu.memory_space<hbm>>
        %dma_start3A_131 = tpu.memref_slice %arg3[%add3A_123] : memref<320000xi32, #tpu.memory_space<hbm>> -> memref<2000xi32, #tpu.memory_space<hbm>>
        tpu.enqueue_dma source(%dma_start3A_131 : memref<2000xi32, #tpu.memory_space<hbm>>) target(%arg13 : memref<2000xi32, #tpu.memory_space<vmem>>) target_semaphore(%run_scoped3A_130 : memref<!tpu.dma_semaphore, #tpu.memory_space<semaphore_mem>>)
        %dma_wait3A = tpu.memref_slice %arg3[%add3A_123] : memref<320000xi32, #tpu.memory_space<hbm>> -> memref<2000xi32, #tpu.memory_space<hbm>>
        %dma_wait3A_132 = tpu.memref_slice %arg3[%add3A_123] : memref<320000xi32, #tpu.memory_space<hbm>> -> memref<2000xi32, #tpu.memory_space<hbm>>
        tpu.wait_dma2 semaphore(%run_scoped3A_130 : memref<!tpu.dma_semaphore, #tpu.memory_space<semaphore_mem>>) src(%dma_wait3A_132 : memref<2000xi32, #tpu.memory_space<hbm>>) dst(%arg13 : memref<2000xi32, #tpu.memory_space<vmem>>)
        tpu.yield
      }) : () -> ()
      "tpu.region"() ({
        %run_scoped3A_130 = tpu.sem_alloc : memref<!tpu.dma_semaphore, #tpu.memory_space<semaphore_mem>>
        %dma_start3A = tpu.memref_slice %arg4[%add3A_123] : memref<320000xf32, #tpu.memory_space<hbm>> -> memref<2000xf32, #tpu.memory_space<hbm>>
        %dma_start3A_131 = tpu.memref_slice %arg4[%add3A_123] : memref<320000xf32, #tpu.memory_space<hbm>> -> memref<2000xf32, #tpu.memory_space<hbm>>
        tpu.enqueue_dma source(%dma_start3A_131 : memref<2000xf32, #tpu.memory_space<hbm>>) target(%arg14 : memref<2000xf32, #tpu.memory_space<vmem>>) target_semaphore(%run_scoped3A_130 : memref<!tpu.dma_semaphore, #tpu.memory_space<semaphore_mem>>)
        %dma_wait3A = tpu.memref_slice %arg4[%add3A_123] : memref<320000xf32, #tpu.memory_space<hbm>> -> memref<2000xf32, #tpu.memory_space<hbm>>
        %dma_wait3A_132 = tpu.memref_slice %arg4[%add3A_123] : memref<320000xf32, #tpu.memory_space<hbm>> -> memref<2000xf32, #tpu.memory_space<hbm>>
        tpu.wait_dma2 semaphore(%run_scoped3A_130 : memref<!tpu.dma_semaphore, #tpu.memory_space<semaphore_mem>>) src(%dma_wait3A_132 : memref<2000xf32, #tpu.memory_space<hbm>>) dst(%arg14 : memref<2000xf32, #tpu.memory_space<vmem>>)
        tpu.yield
      }) : () -> ()
      %scan3A_124 = arith.constant 0 : i32
      %scan3A_125 = arith.constant 125 : i32
      %scan3A_126 = arith.addi %scan3A_124, %scan3A_125 : i32
      %scan3A_127 = arith.constant 1 : i32
      %scan3A_128 = scf.for %scan3A_130 = %scan3A_124 to %scan3A_126 step %scan3A_127 iter_args(%scan3A_131 = %scan3A_120) -> (vector<16xi32>)  : i32 {
        %mul3A_132 = arith.constant 16 : i32
        %mul3A_133 = arith.muli %scan3A_130, %mul3A_132 : i32
        %get3A = arith.index_cast %mul3A_133 : i32 to index
        %get3A_134 = tpu.vector_load %arg12[%get3A] {strides = array<i32>} : memref<2000xi32, #tpu.memory_space<vmem>>, vector<16xi32>,
        %mul3A_135 = arith.constant 16 : i32
        %mul3A_136 = arith.muli %scan3A_130, %mul3A_135 : i32
        %get3A_137 = arith.index_cast %mul3A_136 : i32 to index
        %get3A_138 = tpu.vector_load %arg13[%get3A_137] {strides = array<i32>} : memref<2000xi32, #tpu.memory_space<vmem>>, vector<16xi32>,
        %mul3A_139 = arith.constant 16 : i32
        %mul3A_140 = arith.muli %scan3A_130, %mul3A_139 : i32
        %get3A_141 = arith.index_cast %mul3A_140 : i32 to index
        %get3A_142 = tpu.vector_load %arg14[%get3A_141] {strides = array<i32>} : memref<2000xf32, #tpu.memory_space<vmem>>, vector<16xf32>,
        %mul3A_143 = arith.constant 16 : i32
        %mul3A_144 = arith.muli %scan3A_130, %mul3A_143 : i32
        %add3A_145 = arith.addi %add3A_123, %mul3A_144 : i32
        %add3A_146 = vector.broadcast %add3A_145 : i32 to vector<16xi32>
        %add3A_147 = arith.addi %add3A_146, %iota3A : vector<16xi32>
        %gather3A = tpu.vector_load_idx %arg11[%get3A_134] : memref<10240xi32, #tpu.memory_space<vmem>>[vector<16xi32>], vector<16xi32>,
        %gather3A_148 = tpu.vector_load_idx %arg11[%get3A_138] : memref<10240xi32, #tpu.memory_space<vmem>>[vector<16xi32>], vector<16xi32>,
        %ne3A_149 = arith.cmpi ne, %get3A_134, %get3A_138 : vector<16xi32>
        %gt3A = arith.constant 0.000000e+00 : f32
        %gt3A_150 = vector.broadcast %gt3A : f32 to vector<16xf32>
        %gt3A_151 = arith.cmpf ogt, %get3A_142, %gt3A_150 : vector<16xf32>
        %and3A_152 = arith.andi %ne3A_149, %gt3A_151 : vector<16xi1>
        %eq3A_153 = arith.cmpi eq, %gather3A, %add3A_147 : vector<16xi32>
        %and3A_154 = arith.andi %and3A_152, %eq3A_153 : vector<16xi1>
        %eq3A_155 = arith.cmpi eq, %gather3A_148, %add3A_147 : vector<16xi32>
        %and3A_156 = arith.andi %and3A_154, %eq3A_155 : vector<16xi1>
        %convert_element_type3A_157 = arith.extui %and3A_156 : vector<16xi1> to vector<16xi32>
        %broadcast_in_dim3A_158 = arith.constant true
        %broadcast_in_dim3A_159 = vector.broadcast %broadcast_in_dim3A_158 : i1 to vector<16xi1>
        %masked_cumsum3A = tpu.scan <sum>, %convert_element_type3A_157 masked %broadcast_in_dim3A_159 : vector<16xi32>, vector<16xi1> -> vector<16xi32>
        %add3A_160 = arith.addi %scan3A_131, %masked_cumsum3A : vector<16xi32>
        %sub3A_161 = arith.subi %add3A_160, %convert_element_type3A_157 : vector<16xi32>
        tpu.vector_store_idx %arg19[%sub3A_161], %get3A_134 masked %and3A_156 : memref<5024xi32, #tpu.memory_space<vmem>>[vector<16xi32>], vector<16xi32>, vector<16xi1>
        tpu.vector_store_idx %arg20[%sub3A_161], %get3A_138 masked %and3A_156 : memref<5024xi32, #tpu.memory_space<vmem>>[vector<16xi32>], vector<16xi32>, vector<16xi1>
        tpu.vector_store_idx %arg21[%sub3A_161], %get3A_142 masked %and3A_156 : memref<5024xf32, #tpu.memory_space<vmem>>[vector<16xi32>], vector<16xf32>, vector<16xi1>
        tpu.vector_store_idx %arg22[%sub3A_161], %add3A_147 masked %and3A_156 : memref<5024xi32, #tpu.memory_space<vmem>>[vector<16xi32>], vector<16xi32>, vector<16xi1>
        %all_reduce_population_count3A = tpu.all_reduce %and3A_156 {dim = 0 : i64, kind = #tpu.reduction_kind<sum>} : vector<16xi1> -> vector<16xi32>
        %add3A_162 = arith.addi %scan3A_131, %all_reduce_population_count3A : vector<16xi32>
        scf.yield %add3A_162 : vector<16xi32>
      }
      %scan3A_129 = arith.constant 125 : i32
      scf.yield %scan3A_128 : vector<16xi32>
    }
    %scan3A_65 = arith.constant 10 : i32
    %reduce_max3A = arith.constant true
    %reduce_max3A_66 = vector.broadcast %reduce_max3A : i1 to vector<16xi1>
    %reduce_max3A_67 = arith.constant -2147483648 : i32
    %reduce_max3A_68 = vector.broadcast %reduce_max3A_67 : i32 to vector<16xi32>
    %reduce_max3A_69 = arith.xori %scan3A_64, %reduce_max3A_68 : vector<16xi32>
    %reduce_max3A_70 = tpu.scan <max>, %reduce_max3A_69 masked %reduce_max3A_66 : vector<16xi32>, vector<16xi1> -> vector<16xi32>
    %reduce_max3A_71 = arith.xori %reduce_max3A_70, %reduce_max3A_68 : vector<16xi32>
    %reduce_max3A_72 = vector.extract %reduce_max3A_71[15] : i32 from vector<16xi32>
    %swap3A = arith.constant 0 : index
    %swap3A_73 = tpu.vector_load %arg24[%swap3A] {strides = array<i32>} : memref<16xi32, #tpu.memory_space<vmem>>, vector<16xi32>,
    tpu.vector_store %arg24[%swap3A], %scan3A_64 {strides = array<i32>} : memref<16xi32, #tpu.memory_space<vmem>>, vector<16xi32>,
    "tpu.region"() ({
      %run_scoped3A_119 = tpu.sem_alloc : memref<!tpu.dma_semaphore, #tpu.memory_space<semaphore_mem>>
      %dma_start3A = tpu.memref_slice %arg33[%multiple_of3A_6] : memref<256xi32, #tpu.memory_space<vmem_shared>> -> memref<16xi32, #tpu.memory_space<vmem_shared>>
      %dma_start3A_120 = tpu.memref_slice %arg33[%multiple_of3A_6] : memref<256xi32, #tpu.memory_space<vmem_shared>> -> memref<16xi32, #tpu.memory_space<vmem_shared>>
      tpu.enqueue_dma source(%arg24 : memref<16xi32, #tpu.memory_space<vmem>>) target(%dma_start3A_120 : memref<16xi32, #tpu.memory_space<vmem_shared>>) target_semaphore(%run_scoped3A_119 : memref<!tpu.dma_semaphore, #tpu.memory_space<semaphore_mem>>)
      %dma_wait3A = tpu.memref_slice %arg33[%multiple_of3A_6] : memref<256xi32, #tpu.memory_space<vmem_shared>> -> memref<16xi32, #tpu.memory_space<vmem_shared>>
      %dma_wait3A_121 = tpu.memref_slice %arg33[%multiple_of3A_6] : memref<256xi32, #tpu.memory_space<vmem_shared>> -> memref<16xi32, #tpu.memory_space<vmem_shared>>
      tpu.wait_dma2 semaphore(%run_scoped3A_119 : memref<!tpu.dma_semaphore, #tpu.memory_space<semaphore_mem>>) src(%arg24 : memref<16xi32, #tpu.memory_space<vmem>>) dst(%dma_wait3A_121 : memref<16xi32, #tpu.memory_space<vmem_shared>>)
      tpu.yield
    }) : () -> ()
    "tpu.region"() ({
      %run_scoped3A_119 = tpu.sem_alloc : memref<!tpu.dma_semaphore, #tpu.memory_space<semaphore_mem>>
      %dma_start3A = tpu.memref_slice %arg9[%multiple_of3A_6] : memref<256xi32, #tpu.memory_space<hbm>> -> memref<16xi32, #tpu.memory_space<hbm>>
      %dma_start3A_120 = tpu.memref_slice %arg9[%multiple_of3A_6] : memref<256xi32, #tpu.memory_space<hbm>> -> memref<16xi32, #tpu.memory_space<hbm>>
      tpu.enqueue_dma source(%arg24 : memref<16xi32, #tpu.memory_space<vmem>>) target(%dma_start3A_120 : memref<16xi32, #tpu.memory_space<hbm>>) target_semaphore(%run_scoped3A_119 : memref<!tpu.dma_semaphore, #tpu.memory_space<semaphore_mem>>)
      %dma_wait3A = tpu.memref_slice %arg9[%multiple_of3A_6] : memref<256xi32, #tpu.memory_space<hbm>> -> memref<16xi32, #tpu.memory_space<hbm>>
      %dma_wait3A_121 = tpu.memref_slice %arg9[%multiple_of3A_6] : memref<256xi32, #tpu.memory_space<hbm>> -> memref<16xi32, #tpu.memory_space<hbm>>
      tpu.wait_dma2 semaphore(%run_scoped3A_119 : memref<!tpu.dma_semaphore, #tpu.memory_space<semaphore_mem>>) src(%arg24 : memref<16xi32, #tpu.memory_space<vmem>>) dst(%dma_wait3A_121 : memref<16xi32, #tpu.memory_space<hbm>>)
      tpu.yield
    }) : () -> ()
    %barrier3A_74 = arith.constant 0 : index
    tpu.barrier barrier_id(%barrier3A_74)
    "tpu.region"() ({
      %run_scoped3A_119 = tpu.sem_alloc : memref<!tpu.dma_semaphore, #tpu.memory_space<semaphore_mem>>
      tpu.enqueue_dma source(%arg33 : memref<256xi32, #tpu.memory_space<vmem_shared>>) target(%arg23 : memref<256xi32, #tpu.memory_space<vmem>>) target_semaphore(%run_scoped3A_119 : memref<!tpu.dma_semaphore, #tpu.memory_space<semaphore_mem>>)
      tpu.wait_dma2 semaphore(%run_scoped3A_119 : memref<!tpu.dma_semaphore, #tpu.memory_space<semaphore_mem>>) src(%arg33 : memref<256xi32, #tpu.memory_space<vmem_shared>>) dst(%arg23 : memref<256xi32, #tpu.memory_space<vmem>>)
      tpu.yield
    }) : () -> ()
    %while3A = arith.constant 0 : i32
    %while3A_75 = arith.constant 0 : i32
    %while3A_76 = arith.subi %arg1, %while3A : i32
    %while3A_77 = arith.addi %while3A, %while3A_76 : i32
    %while3A_78 = arith.constant 1 : i32
    %while3A_79 = arith.divsi %while3A_76, %while3A_78 : i32
    %while3A_80 = arith.muli %while3A_79, %while3A_78 : i32
    %while3A_81 = arith.addi %while3A, %while3A_80 : i32
    %while3A_82 = arith.constant 1 : i32
    %while3A_83 = scf.for %while3A_119 = %while3A to %while3A_81 step %while3A_82 iter_args(%while3A_120 = %while3A_75) -> (i32)  : i32 {
      %mul3A_121 = arith.constant 16 : i32
      %mul3A_122 = arith.muli %while3A_119, %mul3A_121 : i32
      %get3A = arith.index_cast %mul3A_122 : i32 to index
      %get3A_123 = tpu.vector_load %arg23[%get3A] {strides = array<i32>} : memref<256xi32, #tpu.memory_space<vmem>>, vector<16xi32>,
      %slice3A = vector.extract_strided_slice %get3A_123 {offsets = [0], sizes = [1], strides = [1]} : vector<16xi32> to vector<1xi32>
      %squeeze3A = vector.extract %slice3A[0] : i32 from vector<1xi32>
      %add3A_124 = arith.constant 15 : i32
      %add3A_125 = arith.addi %squeeze3A, %add3A_124 : i32
      %jit3A_126 = arith.constant 16 : i32
      %div3A_127 = arith.divsi %add3A_125, %jit3A_126 : i32
      %sign3A_128 = arith.constant 0 : i32
      %sign3A_129 = arith.cmpi sgt, %add3A_125, %sign3A_128 : i32
      %sign3A_130 = arith.extui %sign3A_129 : i1 to i32
      %sign3A_131 = arith.constant 0 : i32
      %sign3A_132 = arith.cmpi slt, %add3A_125, %sign3A_131 : i32
      %sign3A_133 = arith.extui %sign3A_132 : i1 to i32
      %sign3A_134 = arith.subi %sign3A_130, %sign3A_133 : i32
      %sign3A_135 = arith.constant 0 : i32
      %sign3A_136 = arith.cmpi sgt, %jit3A_126, %sign3A_135 : i32
      %sign3A_137 = arith.extui %sign3A_136 : i1 to i32
      %sign3A_138 = arith.constant 0 : i32
      %sign3A_139 = arith.cmpi slt, %jit3A_126, %sign3A_138 : i32
      %sign3A_140 = arith.extui %sign3A_139 : i1 to i32
      %sign3A_141 = arith.subi %sign3A_137, %sign3A_140 : i32
      %ne3A_142 = arith.cmpi ne, %sign3A_134, %sign3A_141 : i32
      %rem3A_143 = arith.remsi %add3A_125, %jit3A_126 : i32
      %ne3A_144 = arith.constant 0 : i32
      %ne3A_145 = arith.cmpi ne, %rem3A_143, %ne3A_144 : i32
      %and3A_146 = arith.andi %ne3A_142, %ne3A_145 : i1
      %sub3A_147 = arith.constant 1 : i32
      %sub3A_148 = arith.subi %div3A_127, %sub3A_147 : i32
      %select_n3A_149 = arith.select %and3A_146, %sub3A_148, %div3A_127 : i32
      %mul3A_150 = arith.constant 16 : i32
      %mul3A_151 = arith.muli %select_n3A_149, %mul3A_150 : i32
      %add3A_152 = arith.addi %while3A_120, %mul3A_151 : i32
      scf.yield %add3A_152 : i32
    }
    %while3A_84 = arith.constant 1 : i32
    %while3A_85 = scf.for %while3A_119 = %while3A_81 to %while3A_77 step %while3A_84 iter_args(%while3A_120 = %while3A_83) -> (i32)  : i32 {
      %mul3A_121 = arith.constant 16 : i32
      %mul3A_122 = arith.muli %while3A_119, %mul3A_121 : i32
      %get3A = arith.index_cast %mul3A_122 : i32 to index
      %get3A_123 = tpu.vector_load %arg23[%get3A] {strides = array<i32>} : memref<256xi32, #tpu.memory_space<vmem>>, vector<16xi32>,
      %slice3A = vector.extract_strided_slice %get3A_123 {offsets = [0], sizes = [1], strides = [1]} : vector<16xi32> to vector<1xi32>
      %squeeze3A = vector.extract %slice3A[0] : i32 from vector<1xi32>
      %add3A_124 = arith.constant 15 : i32
      %add3A_125 = arith.addi %squeeze3A, %add3A_124 : i32
      %jit3A_126 = arith.constant 16 : i32
      %div3A_127 = arith.divsi %add3A_125, %jit3A_126 : i32
      %sign3A_128 = arith.constant 0 : i32
      %sign3A_129 = arith.cmpi sgt, %add3A_125, %sign3A_128 : i32
      %sign3A_130 = arith.extui %sign3A_129 : i1 to i32
      %sign3A_131 = arith.constant 0 : i32
      %sign3A_132 = arith.cmpi slt, %add3A_125, %sign3A_131 : i32
      %sign3A_133 = arith.extui %sign3A_132 : i1 to i32
      %sign3A_134 = arith.subi %sign3A_130, %sign3A_133 : i32
      %sign3A_135 = arith.constant 0 : i32
      %sign3A_136 = arith.cmpi sgt, %jit3A_126, %sign3A_135 : i32
      %sign3A_137 = arith.extui %sign3A_136 : i1 to i32
      %sign3A_138 = arith.constant 0 : i32
      %sign3A_139 = arith.cmpi slt, %jit3A_126, %sign3A_138 : i32
      %sign3A_140 = arith.extui %sign3A_139 : i1 to i32
      %sign3A_141 = arith.subi %sign3A_137, %sign3A_140 : i32
      %ne3A_142 = arith.cmpi ne, %sign3A_134, %sign3A_141 : i32
      %rem3A_143 = arith.remsi %add3A_125, %jit3A_126 : i32
      %ne3A_144 = arith.constant 0 : i32
      %ne3A_145 = arith.cmpi ne, %rem3A_143, %ne3A_144 : i32
      %and3A_146 = arith.andi %ne3A_142, %ne3A_145 : i1
      %sub3A_147 = arith.constant 1 : i32
      %sub3A_148 = arith.subi %div3A_127, %sub3A_147 : i32
      %select_n3A_149 = arith.select %and3A_146, %sub3A_148, %div3A_127 : i32
      %mul3A_150 = arith.constant 16 : i32
      %mul3A_151 = arith.muli %select_n3A_149, %mul3A_150 : i32
      %add3A_152 = arith.addi %while3A_120, %mul3A_151 : i32
      scf.yield %add3A_152 : i32
    }
    %multiple_of3A_86 = tpu.assume_multiple %while3A_85, 16 : i32
    %add3A = arith.constant 15 : i32
    %add3A_87 = arith.addi %reduce_max3A_72, %add3A : i32
    %jit3A = arith.constant 16 : i32
    %div3A = arith.divsi %add3A_87, %jit3A : i32
    %sign3A = arith.constant 0 : i32
    %sign3A_88 = arith.cmpi sgt, %add3A_87, %sign3A : i32
    %sign3A_89 = arith.extui %sign3A_88 : i1 to i32
    %sign3A_90 = arith.constant 0 : i32
    %sign3A_91 = arith.cmpi slt, %add3A_87, %sign3A_90 : i32
    %sign3A_92 = arith.extui %sign3A_91 : i1 to i32
    %sign3A_93 = arith.subi %sign3A_89, %sign3A_92 : i32
    %sign3A_94 = arith.constant 0 : i32
    %sign3A_95 = arith.cmpi sgt, %jit3A, %sign3A_94 : i32
    %sign3A_96 = arith.extui %sign3A_95 : i1 to i32
    %sign3A_97 = arith.constant 0 : i32
    %sign3A_98 = arith.cmpi slt, %jit3A, %sign3A_97 : i32
    %sign3A_99 = arith.extui %sign3A_98 : i1 to i32
    %sign3A_100 = arith.subi %sign3A_96, %sign3A_99 : i32
    %ne3A = arith.cmpi ne, %sign3A_93, %sign3A_100 : i32
    %rem3A = arith.remsi %add3A_87, %jit3A : i32
    %ne3A_101 = arith.constant 0 : i32
    %ne3A_102 = arith.cmpi ne, %rem3A, %ne3A_101 : i32
    %and3A = arith.andi %ne3A, %ne3A_102 : i1
    %sub3A = arith.constant 1 : i32
    %sub3A_103 = arith.subi %div3A, %sub3A : i32
    %select_n3A = arith.select %and3A, %sub3A_103, %div3A : i32
    %while3A_104 = arith.constant 0 : i32
    %while3A_105 = arith.constant 0 : i32
    %while3A_106 = arith.subi %select_n3A, %while3A_104 : i32
    %while3A_107 = arith.addi %while3A_104, %while3A_106 : i32
    %while3A_108 = arith.constant 1 : i32
    %while3A_109 = arith.divsi %while3A_106, %while3A_108 : i32
    %while3A_110 = arith.muli %while3A_109, %while3A_108 : i32
    %while3A_111 = arith.addi %while3A_104, %while3A_110 : i32
    %while3A_112 = arith.constant 1 : i32
    %while3A_113 = scf.for %while3A_119 = %while3A_104 to %while3A_111 step %while3A_112 iter_args(%while3A_120 = %while3A_105) -> (i32)  : i32 {
      %mul3A_121 = arith.constant 16 : i32
      %mul3A_122 = arith.muli %while3A_119, %mul3A_121 : i32
      %multiple_of3A_123 = tpu.assume_multiple %mul3A_122, 16 : i32
      %mul3A_124 = arith.constant 16 : i32
      %mul3A_125 = arith.muli %while3A_119, %mul3A_124 : i32
      %add3A_126 = arith.addi %multiple_of3A_86, %mul3A_125 : i32
      %multiple_of3A_127 = tpu.assume_multiple %add3A_126, 16 : i32
      "tpu.region"() ({
        %run_scoped3A_129 = tpu.sem_alloc : memref<!tpu.dma_semaphore, #tpu.memory_space<semaphore_mem>>
        %dma_start3A = tpu.memref_slice %arg19[%multiple_of3A_123] : memref<5024xi32, #tpu.memory_space<vmem>> -> memref<16xi32, #tpu.memory_space<vmem>>
        %dma_start3A_130 = tpu.memref_slice %arg29[%multiple_of3A_127] : memref<5376xi32, #tpu.memory_space<vmem_shared>> -> memref<16xi32, #tpu.memory_space<vmem_shared>>
        %dma_start3A_131 = tpu.memref_slice %arg29[%multiple_of3A_127] : memref<5376xi32, #tpu.memory_space<vmem_shared>> -> memref<16xi32, #tpu.memory_space<vmem_shared>>
        %dma_start3A_132 = tpu.memref_slice %arg19[%multiple_of3A_123] : memref<5024xi32, #tpu.memory_space<vmem>> -> memref<16xi32, #tpu.memory_space<vmem>>
        tpu.enqueue_dma source(%dma_start3A_132 : memref<16xi32, #tpu.memory_space<vmem>>) target(%dma_start3A_131 : memref<16xi32, #tpu.memory_space<vmem_shared>>) target_semaphore(%run_scoped3A_129 : memref<!tpu.dma_semaphore, #tpu.memory_space<semaphore_mem>>)
        %dma_wait3A = tpu.memref_slice %arg19[%multiple_of3A_123] : memref<5024xi32, #tpu.memory_space<vmem>> -> memref<16xi32, #tpu.memory_space<vmem>>
        %dma_wait3A_133 = tpu.memref_slice %arg29[%multiple_of3A_127] : memref<5376xi32, #tpu.memory_space<vmem_shared>> -> memref<16xi32, #tpu.memory_space<vmem_shared>>
        %dma_wait3A_134 = tpu.memref_slice %arg29[%multiple_of3A_127] : memref<5376xi32, #tpu.memory_space<vmem_shared>> -> memref<16xi32, #tpu.memory_space<vmem_shared>>
        %dma_wait3A_135 = tpu.memref_slice %arg19[%multiple_of3A_123] : memref<5024xi32, #tpu.memory_space<vmem>> -> memref<16xi32, #tpu.memory_space<vmem>>
        tpu.wait_dma2 semaphore(%run_scoped3A_129 : memref<!tpu.dma_semaphore, #tpu.memory_space<semaphore_mem>>) src(%dma_wait3A_135 : memref<16xi32, #tpu.memory_space<vmem>>) dst(%dma_wait3A_134 : memref<16xi32, #tpu.memory_space<vmem_shared>>)
        tpu.yield
      }) : () -> ()
      "tpu.region"() ({
        %run_scoped3A_129 = tpu.sem_alloc : memref<!tpu.dma_semaphore, #tpu.memory_space<semaphore_mem>>
        %dma_start3A = tpu.memref_slice %arg20[%multiple_of3A_123] : memref<5024xi32, #tpu.memory_space<vmem>> -> memref<16xi32, #tpu.memory_space<vmem>>
        %dma_start3A_130 = tpu.memref_slice %arg30[%multiple_of3A_127] : memref<5376xi32, #tpu.memory_space<vmem_shared>> -> memref<16xi32, #tpu.memory_space<vmem_shared>>
        %dma_start3A_131 = tpu.memref_slice %arg30[%multiple_of3A_127] : memref<5376xi32, #tpu.memory_space<vmem_shared>> -> memref<16xi32, #tpu.memory_space<vmem_shared>>
        %dma_start3A_132 = tpu.memref_slice %arg20[%multiple_of3A_123] : memref<5024xi32, #tpu.memory_space<vmem>> -> memref<16xi32, #tpu.memory_space<vmem>>
        tpu.enqueue_dma source(%dma_start3A_132 : memref<16xi32, #tpu.memory_space<vmem>>) target(%dma_start3A_131 : memref<16xi32, #tpu.memory_space<vmem_shared>>) target_semaphore(%run_scoped3A_129 : memref<!tpu.dma_semaphore, #tpu.memory_space<semaphore_mem>>)
        %dma_wait3A = tpu.memref_slice %arg20[%multiple_of3A_123] : memref<5024xi32, #tpu.memory_space<vmem>> -> memref<16xi32, #tpu.memory_space<vmem>>
        %dma_wait3A_133 = tpu.memref_slice %arg30[%multiple_of3A_127] : memref<5376xi32, #tpu.memory_space<vmem_shared>> -> memref<16xi32, #tpu.memory_space<vmem_shared>>
        %dma_wait3A_134 = tpu.memref_slice %arg30[%multiple_of3A_127] : memref<5376xi32, #tpu.memory_space<vmem_shared>> -> memref<16xi32, #tpu.memory_space<vmem_shared>>
        %dma_wait3A_135 = tpu.memref_slice %arg20[%multiple_of3A_123] : memref<5024xi32, #tpu.memory_space<vmem>> -> memref<16xi32, #tpu.memory_space<vmem>>
        tpu.wait_dma2 semaphore(%run_scoped3A_129 : memref<!tpu.dma_semaphore, #tpu.memory_space<semaphore_mem>>) src(%dma_wait3A_135 : memref<16xi32, #tpu.memory_space<vmem>>) dst(%dma_wait3A_134 : memref<16xi32, #tpu.memory_space<vmem_shared>>)
        tpu.yield
      }) : () -> ()
      "tpu.region"() ({
        %run_scoped3A_129 = tpu.sem_alloc : memref<!tpu.dma_semaphore, #tpu.memory_space<semaphore_mem>>
        %dma_start3A = tpu.memref_slice %arg21[%multiple_of3A_123] : memref<5024xf32, #tpu.memory_space<vmem>> -> memref<16xf32, #tpu.memory_space<vmem>>
        %dma_start3A_130 = tpu.memref_slice %arg31[%multiple_of3A_127] : memref<5376xf32, #tpu.memory_space<vmem_shared>> -> memref<16xf32, #tpu.memory_space<vmem_shared>>
        %dma_start3A_131 = tpu.memref_slice %arg31[%multiple_of3A_127] : memref<5376xf32, #tpu.memory_space<vmem_shared>> -> memref<16xf32, #tpu.memory_space<vmem_shared>>
        %dma_start3A_132 = tpu.memref_slice %arg21[%multiple_of3A_123] : memref<5024xf32, #tpu.memory_space<vmem>> -> memref<16xf32, #tpu.memory_space<vmem>>
        tpu.enqueue_dma source(%dma_start3A_132 : memref<16xf32, #tpu.memory_space<vmem>>) target(%dma_start3A_131 : memref<16xf32, #tpu.memory_space<vmem_shared>>) target_semaphore(%run_scoped3A_129 : memref<!tpu.dma_semaphore, #tpu.memory_space<semaphore_mem>>)
        %dma_wait3A = tpu.memref_slice %arg21[%multiple_of3A_123] : memref<5024xf32, #tpu.memory_space<vmem>> -> memref<16xf32, #tpu.memory_space<vmem>>
        %dma_wait3A_133 = tpu.memref_slice %arg31[%multiple_of3A_127] : memref<5376xf32, #tpu.memory_space<vmem_shared>> -> memref<16xf32, #tpu.memory_space<vmem_shared>>
        %dma_wait3A_134 = tpu.memref_slice %arg31[%multiple_of3A_127] : memref<5376xf32, #tpu.memory_space<vmem_shared>> -> memref<16xf32, #tpu.memory_space<vmem_shared>>
        %dma_wait3A_135 = tpu.memref_slice %arg21[%multiple_of3A_123] : memref<5024xf32, #tpu.memory_space<vmem>> -> memref<16xf32, #tpu.memory_space<vmem>>
        tpu.wait_dma2 semaphore(%run_scoped3A_129 : memref<!tpu.dma_semaphore, #tpu.memory_space<semaphore_mem>>) src(%dma_wait3A_135 : memref<16xf32, #tpu.memory_space<vmem>>) dst(%dma_wait3A_134 : memref<16xf32, #tpu.memory_space<vmem_shared>>)
        tpu.yield
      }) : () -> ()
      "tpu.region"() ({
        %run_scoped3A_129 = tpu.sem_alloc : memref<!tpu.dma_semaphore, #tpu.memory_space<semaphore_mem>>
        %dma_start3A = tpu.memref_slice %arg22[%multiple_of3A_123] : memref<5024xi32, #tpu.memory_space<vmem>> -> memref<16xi32, #tpu.memory_space<vmem>>
        %dma_start3A_130 = tpu.memref_slice %arg32[%multiple_of3A_127] : memref<5376xi32, #tpu.memory_space<vmem_shared>> -> memref<16xi32, #tpu.memory_space<vmem_shared>>
        %dma_start3A_131 = tpu.memref_slice %arg32[%multiple_of3A_127] : memref<5376xi32, #tpu.memory_space<vmem_shared>> -> memref<16xi32, #tpu.memory_space<vmem_shared>>
        %dma_start3A_132 = tpu.memref_slice %arg22[%multiple_of3A_123] : memref<5024xi32, #tpu.memory_space<vmem>> -> memref<16xi32, #tpu.memory_space<vmem>>
        tpu.enqueue_dma source(%dma_start3A_132 : memref<16xi32, #tpu.memory_space<vmem>>) target(%dma_start3A_131 : memref<16xi32, #tpu.memory_space<vmem_shared>>) target_semaphore(%run_scoped3A_129 : memref<!tpu.dma_semaphore, #tpu.memory_space<semaphore_mem>>)
        %dma_wait3A = tpu.memref_slice %arg22[%multiple_of3A_123] : memref<5024xi32, #tpu.memory_space<vmem>> -> memref<16xi32, #tpu.memory_space<vmem>>
        %dma_wait3A_133 = tpu.memref_slice %arg32[%multiple_of3A_127] : memref<5376xi32, #tpu.memory_space<vmem_shared>> -> memref<16xi32, #tpu.memory_space<vmem_shared>>
        %dma_wait3A_134 = tpu.memref_slice %arg32[%multiple_of3A_127] : memref<5376xi32, #tpu.memory_space<vmem_shared>> -> memref<16xi32, #tpu.memory_space<vmem_shared>>
        %dma_wait3A_135 = tpu.memref_slice %arg22[%multiple_of3A_123] : memref<5024xi32, #tpu.memory_space<vmem>> -> memref<16xi32, #tpu.memory_space<vmem>>
        tpu.wait_dma2 semaphore(%run_scoped3A_129 : memref<!tpu.dma_semaphore, #tpu.memory_space<semaphore_mem>>) src(%dma_wait3A_135 : memref<16xi32, #tpu.memory_space<vmem>>) dst(%dma_wait3A_134 : memref<16xi32, #tpu.memory_space<vmem_shared>>)
        tpu.yield
      }) : () -> ()
      %while3A_128 = arith.constant 0 : i32
      scf.yield %while3A_128 : i32
    }
    %while3A_114 = arith.constant 1 : i32
    %while3A_115 = scf.for %while3A_119 = %while3A_111 to %while3A_107 step %while3A_114 iter_args(%while3A_120 = %while3A_113) -> (i32)  : i32 {
      %mul3A_121 = arith.constant 16 : i32
      %mul3A_122 = arith.muli %while3A_119, %mul3A_121 : i32
      %multiple_of3A_123 = tpu.assume_multiple %mul3A_122, 16 : i32
      %mul3A_124 = arith.constant 16 : i32
      %mul3A_125 = arith.muli %while3A_119, %mul3A_124 : i32
      %add3A_126 = arith.addi %multiple_of3A_86, %mul3A_125 : i32
      %multiple_of3A_127 = tpu.assume_multiple %add3A_126, 16 : i32
      "tpu.region"() ({
        %run_scoped3A_129 = tpu.sem_alloc : memref<!tpu.dma_semaphore, #tpu.memory_space<semaphore_mem>>
        %dma_start3A = tpu.memref_slice %arg19[%multiple_of3A_123] : memref<5024xi32, #tpu.memory_space<vmem>> -> memref<16xi32, #tpu.memory_space<vmem>>
        %dma_start3A_130 = tpu.memref_slice %arg29[%multiple_of3A_127] : memref<5376xi32, #tpu.memory_space<vmem_shared>> -> memref<16xi32, #tpu.memory_space<vmem_shared>>
        %dma_start3A_131 = tpu.memref_slice %arg29[%multiple_of3A_127] : memref<5376xi32, #tpu.memory_space<vmem_shared>> -> memref<16xi32, #tpu.memory_space<vmem_shared>>
        %dma_start3A_132 = tpu.memref_slice %arg19[%multiple_of3A_123] : memref<5024xi32, #tpu.memory_space<vmem>> -> memref<16xi32, #tpu.memory_space<vmem>>
        tpu.enqueue_dma source(%dma_start3A_132 : memref<16xi32, #tpu.memory_space<vmem>>) target(%dma_start3A_131 : memref<16xi32, #tpu.memory_space<vmem_shared>>) target_semaphore(%run_scoped3A_129 : memref<!tpu.dma_semaphore, #tpu.memory_space<semaphore_mem>>)
        %dma_wait3A = tpu.memref_slice %arg19[%multiple_of3A_123] : memref<5024xi32, #tpu.memory_space<vmem>> -> memref<16xi32, #tpu.memory_space<vmem>>
        %dma_wait3A_133 = tpu.memref_slice %arg29[%multiple_of3A_127] : memref<5376xi32, #tpu.memory_space<vmem_shared>> -> memref<16xi32, #tpu.memory_space<vmem_shared>>
        %dma_wait3A_134 = tpu.memref_slice %arg29[%multiple_of3A_127] : memref<5376xi32, #tpu.memory_space<vmem_shared>> -> memref<16xi32, #tpu.memory_space<vmem_shared>>
        %dma_wait3A_135 = tpu.memref_slice %arg19[%multiple_of3A_123] : memref<5024xi32, #tpu.memory_space<vmem>> -> memref<16xi32, #tpu.memory_space<vmem>>
        tpu.wait_dma2 semaphore(%run_scoped3A_129 : memref<!tpu.dma_semaphore, #tpu.memory_space<semaphore_mem>>) src(%dma_wait3A_135 : memref<16xi32, #tpu.memory_space<vmem>>) dst(%dma_wait3A_134 : memref<16xi32, #tpu.memory_space<vmem_shared>>)
        tpu.yield
      }) : () -> ()
      "tpu.region"() ({
        %run_scoped3A_129 = tpu.sem_alloc : memref<!tpu.dma_semaphore, #tpu.memory_space<semaphore_mem>>
        %dma_start3A = tpu.memref_slice %arg20[%multiple_of3A_123] : memref<5024xi32, #tpu.memory_space<vmem>> -> memref<16xi32, #tpu.memory_space<vmem>>
        %dma_start3A_130 = tpu.memref_slice %arg30[%multiple_of3A_127] : memref<5376xi32, #tpu.memory_space<vmem_shared>> -> memref<16xi32, #tpu.memory_space<vmem_shared>>
        %dma_start3A_131 = tpu.memref_slice %arg30[%multiple_of3A_127] : memref<5376xi32, #tpu.memory_space<vmem_shared>> -> memref<16xi32, #tpu.memory_space<vmem_shared>>
        %dma_start3A_132 = tpu.memref_slice %arg20[%multiple_of3A_123] : memref<5024xi32, #tpu.memory_space<vmem>> -> memref<16xi32, #tpu.memory_space<vmem>>
        tpu.enqueue_dma source(%dma_start3A_132 : memref<16xi32, #tpu.memory_space<vmem>>) target(%dma_start3A_131 : memref<16xi32, #tpu.memory_space<vmem_shared>>) target_semaphore(%run_scoped3A_129 : memref<!tpu.dma_semaphore, #tpu.memory_space<semaphore_mem>>)
        %dma_wait3A = tpu.memref_slice %arg20[%multiple_of3A_123] : memref<5024xi32, #tpu.memory_space<vmem>> -> memref<16xi32, #tpu.memory_space<vmem>>
        %dma_wait3A_133 = tpu.memref_slice %arg30[%multiple_of3A_127] : memref<5376xi32, #tpu.memory_space<vmem_shared>> -> memref<16xi32, #tpu.memory_space<vmem_shared>>
        %dma_wait3A_134 = tpu.memref_slice %arg30[%multiple_of3A_127] : memref<5376xi32, #tpu.memory_space<vmem_shared>> -> memref<16xi32, #tpu.memory_space<vmem_shared>>
        %dma_wait3A_135 = tpu.memref_slice %arg20[%multiple_of3A_123] : memref<5024xi32, #tpu.memory_space<vmem>> -> memref<16xi32, #tpu.memory_space<vmem>>
        tpu.wait_dma2 semaphore(%run_scoped3A_129 : memref<!tpu.dma_semaphore, #tpu.memory_space<semaphore_mem>>) src(%dma_wait3A_135 : memref<16xi32, #tpu.memory_space<vmem>>) dst(%dma_wait3A_134 : memref<16xi32, #tpu.memory_space<vmem_shared>>)
        tpu.yield
      }) : () -> ()
      "tpu.region"() ({
        %run_scoped3A_129 = tpu.sem_alloc : memref<!tpu.dma_semaphore, #tpu.memory_space<semaphore_mem>>
        %dma_start3A = tpu.memref_slice %arg21[%multiple_of3A_123] : memref<5024xf32, #tpu.memory_space<vmem>> -> memref<16xf32, #tpu.memory_space<vmem>>
        %dma_start3A_130 = tpu.memref_slice %arg31[%multiple_of3A_127] : memref<5376xf32, #tpu.memory_space<vmem_shared>> -> memref<16xf32, #tpu.memory_space<vmem_shared>>
        %dma_start3A_131 = tpu.memref_slice %arg31[%multiple_of3A_127] : memref<5376xf32, #tpu.memory_space<vmem_shared>> -> memref<16xf32, #tpu.memory_space<vmem_shared>>
        %dma_start3A_132 = tpu.memref_slice %arg21[%multiple_of3A_123] : memref<5024xf32, #tpu.memory_space<vmem>> -> memref<16xf32, #tpu.memory_space<vmem>>
        tpu.enqueue_dma source(%dma_start3A_132 : memref<16xf32, #tpu.memory_space<vmem>>) target(%dma_start3A_131 : memref<16xf32, #tpu.memory_space<vmem_shared>>) target_semaphore(%run_scoped3A_129 : memref<!tpu.dma_semaphore, #tpu.memory_space<semaphore_mem>>)
        %dma_wait3A = tpu.memref_slice %arg21[%multiple_of3A_123] : memref<5024xf32, #tpu.memory_space<vmem>> -> memref<16xf32, #tpu.memory_space<vmem>>
        %dma_wait3A_133 = tpu.memref_slice %arg31[%multiple_of3A_127] : memref<5376xf32, #tpu.memory_space<vmem_shared>> -> memref<16xf32, #tpu.memory_space<vmem_shared>>
        %dma_wait3A_134 = tpu.memref_slice %arg31[%multiple_of3A_127] : memref<5376xf32, #tpu.memory_space<vmem_shared>> -> memref<16xf32, #tpu.memory_space<vmem_shared>>
        %dma_wait3A_135 = tpu.memref_slice %arg21[%multiple_of3A_123] : memref<5024xf32, #tpu.memory_space<vmem>> -> memref<16xf32, #tpu.memory_space<vmem>>
        tpu.wait_dma2 semaphore(%run_scoped3A_129 : memref<!tpu.dma_semaphore, #tpu.memory_space<semaphore_mem>>) src(%dma_wait3A_135 : memref<16xf32, #tpu.memory_space<vmem>>) dst(%dma_wait3A_134 : memref<16xf32, #tpu.memory_space<vmem_shared>>)
        tpu.yield
      }) : () -> ()
      "tpu.region"() ({
        %run_scoped3A_129 = tpu.sem_alloc : memref<!tpu.dma_semaphore, #tpu.memory_space<semaphore_mem>>
        %dma_start3A = tpu.memref_slice %arg22[%multiple_of3A_123] : memref<5024xi32, #tpu.memory_space<vmem>> -> memref<16xi32, #tpu.memory_space<vmem>>
        %dma_start3A_130 = tpu.memref_slice %arg32[%multiple_of3A_127] : memref<5376xi32, #tpu.memory_space<vmem_shared>> -> memref<16xi32, #tpu.memory_space<vmem_shared>>
        %dma_start3A_131 = tpu.memref_slice %arg32[%multiple_of3A_127] : memref<5376xi32, #tpu.memory_space<vmem_shared>> -> memref<16xi32, #tpu.memory_space<vmem_shared>>
        %dma_start3A_132 = tpu.memref_slice %arg22[%multiple_of3A_123] : memref<5024xi32, #tpu.memory_space<vmem>> -> memref<16xi32, #tpu.memory_space<vmem>>
        tpu.enqueue_dma source(%dma_start3A_132 : memref<16xi32, #tpu.memory_space<vmem>>) target(%dma_start3A_131 : memref<16xi32, #tpu.memory_space<vmem_shared>>) target_semaphore(%run_scoped3A_129 : memref<!tpu.dma_semaphore, #tpu.memory_space<semaphore_mem>>)
        %dma_wait3A = tpu.memref_slice %arg22[%multiple_of3A_123] : memref<5024xi32, #tpu.memory_space<vmem>> -> memref<16xi32, #tpu.memory_space<vmem>>
        %dma_wait3A_133 = tpu.memref_slice %arg32[%multiple_of3A_127] : memref<5376xi32, #tpu.memory_space<vmem_shared>> -> memref<16xi32, #tpu.memory_space<vmem_shared>>
        %dma_wait3A_134 = tpu.memref_slice %arg32[%multiple_of3A_127] : memref<5376xi32, #tpu.memory_space<vmem_shared>> -> memref<16xi32, #tpu.memory_space<vmem_shared>>
        %dma_wait3A_135 = tpu.memref_slice %arg22[%multiple_of3A_123] : memref<5024xi32, #tpu.memory_space<vmem>> -> memref<16xi32, #tpu.memory_space<vmem>>
        tpu.wait_dma2 semaphore(%run_scoped3A_129 : memref<!tpu.dma_semaphore, #tpu.memory_space<semaphore_mem>>) src(%dma_wait3A_135 : memref<16xi32, #tpu.memory_space<vmem>>) dst(%dma_wait3A_134 : memref<16xi32, #tpu.memory_space<vmem_shared>>)
        tpu.yield
      }) : () -> ()
      %while3A_128 = arith.constant 0 : i32
      scf.yield %while3A_128 : i32
    }
    %barrier3A_116 = arith.constant 0 : index
    tpu.barrier barrier_id(%barrier3A_116)
    %eq3A = arith.constant 0 : i32
    %eq3A_117 = arith.cmpi eq, %arg1, %eq3A : i32
    %convert_element_type3A = arith.extui %eq3A_117 : i1 to i32
    %cond3A = arith.constant 0 : i32
    %cond3A_118 = arith.cmpi ne, %convert_element_type3A, %cond3A : i32
    scf.if %cond3A_118 {
      "tpu.region"() ({
        %run_scoped3A_119 = tpu.sem_alloc : memref<!tpu.dma_semaphore, #tpu.memory_space<semaphore_mem>>
        tpu.enqueue_dma source(%arg29 : memref<5376xi32, #tpu.memory_space<vmem_shared>>) target(%arg5 : memref<5376xi32, #tpu.memory_space<hbm>>) target_semaphore(%run_scoped3A_119 : memref<!tpu.dma_semaphore, #tpu.memory_space<semaphore_mem>>)
        tpu.wait_dma2 semaphore(%run_scoped3A_119 : memref<!tpu.dma_semaphore, #tpu.memory_space<semaphore_mem>>) src(%arg29 : memref<5376xi32, #tpu.memory_space<vmem_shared>>) dst(%arg5 : memref<5376xi32, #tpu.memory_space<hbm>>)
        tpu.yield
      }) : () -> ()
      "tpu.region"() ({
        %run_scoped3A_119 = tpu.sem_alloc : memref<!tpu.dma_semaphore, #tpu.memory_space<semaphore_mem>>
        tpu.enqueue_dma source(%arg30 : memref<5376xi32, #tpu.memory_space<vmem_shared>>) target(%arg6 : memref<5376xi32, #tpu.memory_space<hbm>>) target_semaphore(%run_scoped3A_119 : memref<!tpu.dma_semaphore, #tpu.memory_space<semaphore_mem>>)
        tpu.wait_dma2 semaphore(%run_scoped3A_119 : memref<!tpu.dma_semaphore, #tpu.memory_space<semaphore_mem>>) src(%arg30 : memref<5376xi32, #tpu.memory_space<vmem_shared>>) dst(%arg6 : memref<5376xi32, #tpu.memory_space<hbm>>)
        tpu.yield
      }) : () -> ()
      "tpu.region"() ({
        %run_scoped3A_119 = tpu.sem_alloc : memref<!tpu.dma_semaphore, #tpu.memory_space<semaphore_mem>>
        tpu.enqueue_dma source(%arg31 : memref<5376xf32, #tpu.memory_space<vmem_shared>>) target(%arg7 : memref<5376xf32, #tpu.memory_space<hbm>>) target_semaphore(%run_scoped3A_119 : memref<!tpu.dma_semaphore, #tpu.memory_space<semaphore_mem>>)
        tpu.wait_dma2 semaphore(%run_scoped3A_119 : memref<!tpu.dma_semaphore, #tpu.memory_space<semaphore_mem>>) src(%arg31 : memref<5376xf32, #tpu.memory_space<vmem_shared>>) dst(%arg7 : memref<5376xf32, #tpu.memory_space<hbm>>)
        tpu.yield
      }) : () -> ()
      "tpu.region"() ({
        %run_scoped3A_119 = tpu.sem_alloc : memref<!tpu.dma_semaphore, #tpu.memory_space<semaphore_mem>>
        tpu.enqueue_dma source(%arg32 : memref<5376xi32, #tpu.memory_space<vmem_shared>>) target(%arg8 : memref<5376xi32, #tpu.memory_space<hbm>>) target_semaphore(%run_scoped3A_119 : memref<!tpu.dma_semaphore, #tpu.memory_space<semaphore_mem>>)
        tpu.wait_dma2 semaphore(%run_scoped3A_119 : memref<!tpu.dma_semaphore, #tpu.memory_space<semaphore_mem>>) src(%arg32 : memref<5376xi32, #tpu.memory_space<vmem_shared>>) dst(%arg8 : memref<5376xi32, #tpu.memory_space<hbm>>)
        tpu.yield
      }) : () -> ()
    } else {
    }
    return
  }
}

#map = affine_map<(d0, d1) -> (0)>
#map1 = affine_map<(d0, d1) -> (0, 0)>
module attributes {stable_mosaic.version = 14 : i64} {
  func.func @_gather_body(%arg0: i32, %arg1: i32, %arg2: memref<320000xi32, #tpu.memory_space<hbm>>, %arg3: memref<320000xi32, #tpu.memory_space<hbm>>, %arg4: memref<10000xf32, #tpu.memory_space<hbm>>, %arg5: memref<10000x128xf32, #tpu.memory_space<hbm>>, %arg6: memref<320000x128xf32, #tpu.memory_space<hbm>>, %arg7: memref<320000xf32, #tpu.memory_space<hbm>>, %arg8: memref<320000xf32, #tpu.memory_space<hbm>>, %arg9: memref<10240xf32, #tpu.memory_space<vmem>>, %arg10: memref<2000xi32, #tpu.memory_space<vmem>>, %arg11: memref<2000xi32, #tpu.memory_space<vmem>>, %arg12: memref<2000xf32, #tpu.memory_space<vmem>>, %arg13: memref<2000xf32, #tpu.memory_space<vmem>>, %arg14: memref<200xi32, #tpu.memory_space<vmem>>, %arg15: memref<200x128xf32, #tpu.memory_space<vmem>>, %arg16: memref<200x128xf32, #tpu.memory_space<vmem>>, %arg17: memref<!tpu.dma_semaphore, #tpu.memory_space<semaphore_mem>>, %arg18: memref<!tpu.dma_semaphore, #tpu.memory_space<semaphore_mem>>) attributes {dimension_semantics = [#tpu.dimension_semantics<core_parallel>, #tpu.dimension_semantics<subcore_parallel>], iteration_bounds = array<i64: 1, 16>, scalar_prefetch = 0 : i64, scratch_operands = 10 : i64, tpu.core_type = #tpu.core_type<sc_vector_subcore>, window_params = [{transform_indices = #map}, {transform_indices = #map}, {transform_indices = #map}, {transform_indices = #map1}, {transform_indices = #map1}, {transform_indices = #map}, {transform_indices = #map}]} {
    %mul3A = arith.constant 20000 : i32
    %mul3A_0 = arith.muli %arg1, %mul3A : i32
    %multiple_of3A = tpu.assume_multiple %mul3A_0, 16 : i32
    "tpu.region"() ({
      %run_scoped3A = tpu.sem_alloc : memref<!tpu.dma_semaphore, #tpu.memory_space<semaphore_mem>>
      %dma_start3A = arith.constant 0 : i32
      %dma_start3A_14 = tpu.memref_slice %arg9[%dma_start3A] : memref<10240xf32, #tpu.memory_space<vmem>> -> memref<10000xf32, #tpu.memory_space<vmem>>
      %dma_start3A_15 = arith.constant 0 : i32
      %dma_start3A_16 = tpu.memref_slice %arg9[%dma_start3A_15] : memref<10240xf32, #tpu.memory_space<vmem>> -> memref<10000xf32, #tpu.memory_space<vmem>>
      tpu.enqueue_dma source(%arg4 : memref<10000xf32, #tpu.memory_space<hbm>>) target(%dma_start3A_16 : memref<10000xf32, #tpu.memory_space<vmem>>) target_semaphore(%run_scoped3A : memref<!tpu.dma_semaphore, #tpu.memory_space<semaphore_mem>>)
      %dma_wait3A = arith.constant 0 : i32
      %dma_wait3A_17 = tpu.memref_slice %arg9[%dma_wait3A] : memref<10240xf32, #tpu.memory_space<vmem>> -> memref<10000xf32, #tpu.memory_space<vmem>>
      %dma_wait3A_18 = arith.constant 0 : i32
      %dma_wait3A_19 = tpu.memref_slice %arg9[%dma_wait3A_18] : memref<10240xf32, #tpu.memory_space<vmem>> -> memref<10000xf32, #tpu.memory_space<vmem>>
      tpu.wait_dma2 semaphore(%run_scoped3A : memref<!tpu.dma_semaphore, #tpu.memory_space<semaphore_mem>>) src(%arg4 : memref<10000xf32, #tpu.memory_space<hbm>>) dst(%dma_wait3A_19 : memref<10000xf32, #tpu.memory_space<vmem>>)
      tpu.yield
    }) : () -> ()
    %scan3A = arith.constant 0 : i32
    %scan3A_1 = arith.constant 0 : i32
    %scan3A_2 = arith.constant 10 : i32
    %scan3A_3 = arith.addi %scan3A_1, %scan3A_2 : i32
    %scan3A_4 = arith.constant 1 : i32
    %scan3A_5 = scf.for %scan3A_14 = %scan3A_1 to %scan3A_3 step %scan3A_4 iter_args(%scan3A_15 = %scan3A) -> (i32)  : i32 {
      %mul3A_16 = arith.constant 2000 : i32
      %mul3A_17 = arith.muli %scan3A_14, %mul3A_16 : i32
      %add3A = arith.addi %multiple_of3A, %mul3A_17 : i32
      %multiple_of3A_18 = tpu.assume_multiple %add3A, 16 : i32
      "tpu.region"() ({
        %run_scoped3A = tpu.sem_alloc : memref<!tpu.dma_semaphore, #tpu.memory_space<semaphore_mem>>
        %dma_start3A = tpu.memref_slice %arg2[%multiple_of3A_18] : memref<320000xi32, #tpu.memory_space<hbm>> -> memref<2000xi32, #tpu.memory_space<hbm>>
        %dma_start3A_27 = tpu.memref_slice %arg2[%multiple_of3A_18] : memref<320000xi32, #tpu.memory_space<hbm>> -> memref<2000xi32, #tpu.memory_space<hbm>>
        tpu.enqueue_dma source(%dma_start3A_27 : memref<2000xi32, #tpu.memory_space<hbm>>) target(%arg10 : memref<2000xi32, #tpu.memory_space<vmem>>) target_semaphore(%run_scoped3A : memref<!tpu.dma_semaphore, #tpu.memory_space<semaphore_mem>>)
        %dma_wait3A = tpu.memref_slice %arg2[%multiple_of3A_18] : memref<320000xi32, #tpu.memory_space<hbm>> -> memref<2000xi32, #tpu.memory_space<hbm>>
        %dma_wait3A_28 = tpu.memref_slice %arg2[%multiple_of3A_18] : memref<320000xi32, #tpu.memory_space<hbm>> -> memref<2000xi32, #tpu.memory_space<hbm>>
        tpu.wait_dma2 semaphore(%run_scoped3A : memref<!tpu.dma_semaphore, #tpu.memory_space<semaphore_mem>>) src(%dma_wait3A_28 : memref<2000xi32, #tpu.memory_space<hbm>>) dst(%arg10 : memref<2000xi32, #tpu.memory_space<vmem>>)
        tpu.yield
      }) : () -> ()
      "tpu.region"() ({
        %run_scoped3A = tpu.sem_alloc : memref<!tpu.dma_semaphore, #tpu.memory_space<semaphore_mem>>
        %dma_start3A = tpu.memref_slice %arg3[%multiple_of3A_18] : memref<320000xi32, #tpu.memory_space<hbm>> -> memref<2000xi32, #tpu.memory_space<hbm>>
        %dma_start3A_27 = tpu.memref_slice %arg3[%multiple_of3A_18] : memref<320000xi32, #tpu.memory_space<hbm>> -> memref<2000xi32, #tpu.memory_space<hbm>>
        tpu.enqueue_dma source(%dma_start3A_27 : memref<2000xi32, #tpu.memory_space<hbm>>) target(%arg11 : memref<2000xi32, #tpu.memory_space<vmem>>) target_semaphore(%run_scoped3A : memref<!tpu.dma_semaphore, #tpu.memory_space<semaphore_mem>>)
        %dma_wait3A = tpu.memref_slice %arg3[%multiple_of3A_18] : memref<320000xi32, #tpu.memory_space<hbm>> -> memref<2000xi32, #tpu.memory_space<hbm>>
        %dma_wait3A_28 = tpu.memref_slice %arg3[%multiple_of3A_18] : memref<320000xi32, #tpu.memory_space<hbm>> -> memref<2000xi32, #tpu.memory_space<hbm>>
        tpu.wait_dma2 semaphore(%run_scoped3A : memref<!tpu.dma_semaphore, #tpu.memory_space<semaphore_mem>>) src(%dma_wait3A_28 : memref<2000xi32, #tpu.memory_space<hbm>>) dst(%arg11 : memref<2000xi32, #tpu.memory_space<vmem>>)
        tpu.yield
      }) : () -> ()
      %scan3A_19 = arith.constant 0 : i32
      %scan3A_20 = arith.constant 0 : i32
      %scan3A_21 = arith.constant 125 : i32
      %scan3A_22 = arith.addi %scan3A_20, %scan3A_21 : i32
      %scan3A_23 = arith.constant 1 : i32
      %scan3A_24 = scf.for %scan3A_27 = %scan3A_20 to %scan3A_22 step %scan3A_23 iter_args(%scan3A_28 = %scan3A_19) -> (i32)  : i32 {
        %mul3A_29 = arith.constant 16 : i32
        %mul3A_30 = arith.muli %scan3A_27, %mul3A_29 : i32
        %get3A = arith.index_cast %mul3A_30 : i32 to index
        %get3A_31 = tpu.vector_load %arg10[%get3A] {strides = array<i32>} : memref<2000xi32, #tpu.memory_space<vmem>>, vector<16xi32>,
        %gather3A = tpu.vector_load_idx %arg9[%get3A_31] : memref<10240xf32, #tpu.memory_space<vmem>>[vector<16xi32>], vector<16xf32>,
        %swap3A = arith.index_cast %mul3A_30 : i32 to index
        %swap3A_32 = tpu.vector_load %arg12[%swap3A] {strides = array<i32>} : memref<2000xf32, #tpu.memory_space<vmem>>, vector<16xf32>,
        tpu.vector_store %arg12[%swap3A], %gather3A {strides = array<i32>} : memref<2000xf32, #tpu.memory_space<vmem>>, vector<16xf32>,
        %get3A_33 = arith.index_cast %mul3A_30 : i32 to index
        %get3A_34 = tpu.vector_load %arg11[%get3A_33] {strides = array<i32>} : memref<2000xi32, #tpu.memory_space<vmem>>, vector<16xi32>,
        %gather3A_35 = tpu.vector_load_idx %arg9[%get3A_34] : memref<10240xf32, #tpu.memory_space<vmem>>[vector<16xi32>], vector<16xf32>,
        %swap3A_36 = arith.index_cast %mul3A_30 : i32 to index
        %swap3A_37 = tpu.vector_load %arg13[%swap3A_36] {strides = array<i32>} : memref<2000xf32, #tpu.memory_space<vmem>>, vector<16xf32>,
        tpu.vector_store %arg13[%swap3A_36], %gather3A_35 {strides = array<i32>} : memref<2000xf32, #tpu.memory_space<vmem>>, vector<16xf32>,
        %scan3A_38 = arith.constant 0 : i32
        scf.yield %scan3A_38 : i32
      }
      %scan3A_25 = arith.constant 125 : i32
      "tpu.region"() ({
        %run_scoped3A = tpu.sem_alloc : memref<!tpu.dma_semaphore, #tpu.memory_space<semaphore_mem>>
        %dma_start3A = tpu.memref_slice %arg7[%multiple_of3A_18] : memref<320000xf32, #tpu.memory_space<hbm>> -> memref<2000xf32, #tpu.memory_space<hbm>>
        %dma_start3A_27 = tpu.memref_slice %arg7[%multiple_of3A_18] : memref<320000xf32, #tpu.memory_space<hbm>> -> memref<2000xf32, #tpu.memory_space<hbm>>
        tpu.enqueue_dma source(%arg12 : memref<2000xf32, #tpu.memory_space<vmem>>) target(%dma_start3A_27 : memref<2000xf32, #tpu.memory_space<hbm>>) target_semaphore(%run_scoped3A : memref<!tpu.dma_semaphore, #tpu.memory_space<semaphore_mem>>)
        %dma_wait3A = tpu.memref_slice %arg7[%multiple_of3A_18] : memref<320000xf32, #tpu.memory_space<hbm>> -> memref<2000xf32, #tpu.memory_space<hbm>>
        %dma_wait3A_28 = tpu.memref_slice %arg7[%multiple_of3A_18] : memref<320000xf32, #tpu.memory_space<hbm>> -> memref<2000xf32, #tpu.memory_space<hbm>>
        tpu.wait_dma2 semaphore(%run_scoped3A : memref<!tpu.dma_semaphore, #tpu.memory_space<semaphore_mem>>) src(%arg12 : memref<2000xf32, #tpu.memory_space<vmem>>) dst(%dma_wait3A_28 : memref<2000xf32, #tpu.memory_space<hbm>>)
        tpu.yield
      }) : () -> ()
      "tpu.region"() ({
        %run_scoped3A = tpu.sem_alloc : memref<!tpu.dma_semaphore, #tpu.memory_space<semaphore_mem>>
        %dma_start3A = tpu.memref_slice %arg8[%multiple_of3A_18] : memref<320000xf32, #tpu.memory_space<hbm>> -> memref<2000xf32, #tpu.memory_space<hbm>>
        %dma_start3A_27 = tpu.memref_slice %arg8[%multiple_of3A_18] : memref<320000xf32, #tpu.memory_space<hbm>> -> memref<2000xf32, #tpu.memory_space<hbm>>
        tpu.enqueue_dma source(%arg13 : memref<2000xf32, #tpu.memory_space<vmem>>) target(%dma_start3A_27 : memref<2000xf32, #tpu.memory_space<hbm>>) target_semaphore(%run_scoped3A : memref<!tpu.dma_semaphore, #tpu.memory_space<semaphore_mem>>)
        %dma_wait3A = tpu.memref_slice %arg8[%multiple_of3A_18] : memref<320000xf32, #tpu.memory_space<hbm>> -> memref<2000xf32, #tpu.memory_space<hbm>>
        %dma_wait3A_28 = tpu.memref_slice %arg8[%multiple_of3A_18] : memref<320000xf32, #tpu.memory_space<hbm>> -> memref<2000xf32, #tpu.memory_space<hbm>>
        tpu.wait_dma2 semaphore(%run_scoped3A : memref<!tpu.dma_semaphore, #tpu.memory_space<semaphore_mem>>) src(%arg13 : memref<2000xf32, #tpu.memory_space<vmem>>) dst(%dma_wait3A_28 : memref<2000xf32, #tpu.memory_space<hbm>>)
        tpu.yield
      }) : () -> ()
      %scan3A_26 = arith.constant 0 : i32
      scf.yield %scan3A_26 : i32
    }
    %scan3A_6 = arith.constant 10 : i32
    %scan3A_7 = arith.constant 0 : i32
    %scan3A_8 = arith.constant 0 : i32
    %scan3A_9 = arith.constant 100 : i32
    %scan3A_10 = arith.addi %scan3A_8, %scan3A_9 : i32
    %scan3A_11 = arith.constant 1 : i32
    %scan3A_12 = scf.for %scan3A_14 = %scan3A_8 to %scan3A_10 step %scan3A_11 iter_args(%scan3A_15 = %scan3A_7) -> (i32)  : i32 {
      %mul3A_16 = arith.constant 200 : i32
      %mul3A_17 = arith.muli %scan3A_14, %mul3A_16 : i32
      %add3A = arith.addi %multiple_of3A, %mul3A_17 : i32
      %multiple_of3A_18 = tpu.assume_multiple %add3A, 8 : i32
      "tpu.region"() ({
        %run_scoped3A = tpu.sem_alloc : memref<!tpu.dma_semaphore, #tpu.memory_space<semaphore_mem>>
        %dma_start3A_37 = tpu.memref_slice %arg2[%multiple_of3A_18] : memref<320000xi32, #tpu.memory_space<hbm>> -> memref<200xi32, #tpu.memory_space<hbm>>
        %dma_start3A_38 = tpu.memref_slice %arg2[%multiple_of3A_18] : memref<320000xi32, #tpu.memory_space<hbm>> -> memref<200xi32, #tpu.memory_space<hbm>>
        tpu.enqueue_dma source(%dma_start3A_38 : memref<200xi32, #tpu.memory_space<hbm>>) target(%arg14 : memref<200xi32, #tpu.memory_space<vmem>>) target_semaphore(%run_scoped3A : memref<!tpu.dma_semaphore, #tpu.memory_space<semaphore_mem>>)
        %dma_wait3A_39 = tpu.memref_slice %arg2[%multiple_of3A_18] : memref<320000xi32, #tpu.memory_space<hbm>> -> memref<200xi32, #tpu.memory_space<hbm>>
        %dma_wait3A_40 = tpu.memref_slice %arg2[%multiple_of3A_18] : memref<320000xi32, #tpu.memory_space<hbm>> -> memref<200xi32, #tpu.memory_space<hbm>>
        tpu.wait_dma2 semaphore(%run_scoped3A : memref<!tpu.dma_semaphore, #tpu.memory_space<semaphore_mem>>) src(%dma_wait3A_40 : memref<200xi32, #tpu.memory_space<hbm>>) dst(%arg14 : memref<200xi32, #tpu.memory_space<vmem>>)
        tpu.yield
      }) : () -> ()
      %dma_start3A = arith.constant 0 : i32
      %dma_start3A_19 = arith.constant 0 : i32
      %dma_start3A_20 = tpu.memref_slice %arg5[%dma_start3A, %dma_start3A_19] : memref<10000x128xf32, #tpu.memory_space<hbm>> -> memref<10000x128xf32, #tpu.memory_space<hbm>>
      tpu.enqueue_indirect_dma source(%dma_start3A_20 : memref<10000x128xf32, #tpu.memory_space<hbm>>) target(%arg15 : memref<200x128xf32, #tpu.memory_space<vmem>>) offsets(%arg14 : memref<200xi32, #tpu.memory_space<vmem>>) semaphore(%arg17 : memref<!tpu.dma_semaphore, #tpu.memory_space<semaphore_mem>>)
      %dma_wait3A = arith.constant 0 : i32
      %dma_wait3A_21 = arith.constant 0 : i32
      %dma_wait3A_22 = tpu.memref_slice %arg5[%dma_wait3A, %dma_wait3A_21] : memref<10000x128xf32, #tpu.memory_space<hbm>> -> memref<10000x128xf32, #tpu.memory_space<hbm>>
      tpu.wait_indirect_dma semaphore(%arg17 : memref<!tpu.dma_semaphore, #tpu.memory_space<semaphore_mem>>) src(%dma_wait3A_22 : memref<10000x128xf32, #tpu.memory_space<hbm>>) dst(%arg15 : memref<200x128xf32, #tpu.memory_space<vmem>>)
      "tpu.region"() ({
        %run_scoped3A = tpu.sem_alloc : memref<!tpu.dma_semaphore, #tpu.memory_space<semaphore_mem>>
        %dma_start3A_37 = tpu.memref_slice %arg3[%multiple_of3A_18] : memref<320000xi32, #tpu.memory_space<hbm>> -> memref<200xi32, #tpu.memory_space<hbm>>
        %dma_start3A_38 = tpu.memref_slice %arg3[%multiple_of3A_18] : memref<320000xi32, #tpu.memory_space<hbm>> -> memref<200xi32, #tpu.memory_space<hbm>>
        tpu.enqueue_dma source(%dma_start3A_38 : memref<200xi32, #tpu.memory_space<hbm>>) target(%arg14 : memref<200xi32, #tpu.memory_space<vmem>>) target_semaphore(%run_scoped3A : memref<!tpu.dma_semaphore, #tpu.memory_space<semaphore_mem>>)
        %dma_wait3A_39 = tpu.memref_slice %arg3[%multiple_of3A_18] : memref<320000xi32, #tpu.memory_space<hbm>> -> memref<200xi32, #tpu.memory_space<hbm>>
        %dma_wait3A_40 = tpu.memref_slice %arg3[%multiple_of3A_18] : memref<320000xi32, #tpu.memory_space<hbm>> -> memref<200xi32, #tpu.memory_space<hbm>>
        tpu.wait_dma2 semaphore(%run_scoped3A : memref<!tpu.dma_semaphore, #tpu.memory_space<semaphore_mem>>) src(%dma_wait3A_40 : memref<200xi32, #tpu.memory_space<hbm>>) dst(%arg14 : memref<200xi32, #tpu.memory_space<vmem>>)
        tpu.yield
      }) : () -> ()
      %dma_start3A_23 = arith.constant 0 : i32
      %dma_start3A_24 = arith.constant 0 : i32
      %dma_start3A_25 = tpu.memref_slice %arg5[%dma_start3A_23, %dma_start3A_24] : memref<10000x128xf32, #tpu.memory_space<hbm>> -> memref<10000x128xf32, #tpu.memory_space<hbm>>
      tpu.enqueue_indirect_dma source(%dma_start3A_25 : memref<10000x128xf32, #tpu.memory_space<hbm>>) target(%arg16 : memref<200x128xf32, #tpu.memory_space<vmem>>) offsets(%arg14 : memref<200xi32, #tpu.memory_space<vmem>>) semaphore(%arg18 : memref<!tpu.dma_semaphore, #tpu.memory_space<semaphore_mem>>)
      %dma_wait3A_26 = arith.constant 0 : i32
      %dma_wait3A_27 = arith.constant 0 : i32
      %dma_wait3A_28 = tpu.memref_slice %arg5[%dma_wait3A_26, %dma_wait3A_27] : memref<10000x128xf32, #tpu.memory_space<hbm>> -> memref<10000x128xf32, #tpu.memory_space<hbm>>
      tpu.wait_indirect_dma semaphore(%arg18 : memref<!tpu.dma_semaphore, #tpu.memory_space<semaphore_mem>>) src(%dma_wait3A_28 : memref<10000x128xf32, #tpu.memory_space<hbm>>) dst(%arg16 : memref<200x128xf32, #tpu.memory_space<vmem>>)
      %scan3A_29 = arith.constant 0 : i32
      %scan3A_30 = arith.constant 0 : i32
      %scan3A_31 = arith.constant 200 : i32
      %scan3A_32 = arith.addi %scan3A_30, %scan3A_31 : i32
      %scan3A_33 = arith.constant 1 : i32
      %scan3A_34 = scf.for %scan3A_37 = %scan3A_30 to %scan3A_32 step %scan3A_33 iter_args(%scan3A_38 = %scan3A_29) -> (i32)  : i32 {
        %scan3A_39 = arith.constant 0 : i32
        %scan3A_40 = arith.constant 0 : i32
        %scan3A_41 = arith.constant 8 : i32
        %scan3A_42 = arith.addi %scan3A_40, %scan3A_41 : i32
        %scan3A_43 = arith.constant 1 : i32
        %scan3A_44 = scf.for %scan3A_47 = %scan3A_40 to %scan3A_42 step %scan3A_43 iter_args(%scan3A_48 = %scan3A_39) -> (i32)  : i32 {
          %mul3A_49 = arith.constant 16 : i32
          %mul3A_50 = arith.muli %scan3A_47, %mul3A_49 : i32
          %get3A = arith.index_cast %scan3A_37 : i32 to index
          %get3A_51 = arith.index_cast %mul3A_50 : i32 to index
          %get3A_52 = tpu.vector_load %arg15[%get3A, %get3A_51] {strides = array<i32>} : memref<200x128xf32, #tpu.memory_space<vmem>>, vector<16xf32>,
          %get3A_53 = arith.index_cast %scan3A_37 : i32 to index
          %get3A_54 = arith.index_cast %mul3A_50 : i32 to index
          %get3A_55 = tpu.vector_load %arg16[%get3A_53, %get3A_54] {strides = array<i32>} : memref<200x128xf32, #tpu.memory_space<vmem>>, vector<16xf32>,
          %add3A_56 = arith.addf %get3A_52, %get3A_55 : vector<16xf32>
          %swap3A = arith.index_cast %scan3A_37 : i32 to index
          %swap3A_57 = arith.index_cast %mul3A_50 : i32 to index
          %swap3A_58 = tpu.vector_load %arg15[%swap3A, %swap3A_57] {strides = array<i32>} : memref<200x128xf32, #tpu.memory_space<vmem>>, vector<16xf32>,
          tpu.vector_store %arg15[%swap3A, %swap3A_57], %add3A_56 {strides = array<i32>} : memref<200x128xf32, #tpu.memory_space<vmem>>, vector<16xf32>,
          %scan3A_59 = arith.constant 0 : i32
          scf.yield %scan3A_59 : i32
        }
        %scan3A_45 = arith.constant 8 : i32
        %scan3A_46 = arith.constant 0 : i32
        scf.yield %scan3A_46 : i32
      }
      %scan3A_35 = arith.constant 200 : i32
      "tpu.region"() ({
        %run_scoped3A = tpu.sem_alloc : memref<!tpu.dma_semaphore, #tpu.memory_space<semaphore_mem>>
        %dma_start3A_37 = arith.constant 0 : i32
        %dma_start3A_38 = tpu.memref_slice %arg6[%multiple_of3A_18, %dma_start3A_37] : memref<320000x128xf32, #tpu.memory_space<hbm>> -> memref<200x128xf32, #tpu.memory_space<hbm>>
        %dma_start3A_39 = arith.constant 0 : i32
        %dma_start3A_40 = tpu.memref_slice %arg6[%multiple_of3A_18, %dma_start3A_39] : memref<320000x128xf32, #tpu.memory_space<hbm>> -> memref<200x128xf32, #tpu.memory_space<hbm>>
        tpu.enqueue_dma source(%arg15 : memref<200x128xf32, #tpu.memory_space<vmem>>) target(%dma_start3A_40 : memref<200x128xf32, #tpu.memory_space<hbm>>) target_semaphore(%run_scoped3A : memref<!tpu.dma_semaphore, #tpu.memory_space<semaphore_mem>>)
        %dma_wait3A_41 = arith.constant 0 : i32
        %dma_wait3A_42 = tpu.memref_slice %arg6[%multiple_of3A_18, %dma_wait3A_41] : memref<320000x128xf32, #tpu.memory_space<hbm>> -> memref<200x128xf32, #tpu.memory_space<hbm>>
        %dma_wait3A_43 = arith.constant 0 : i32
        %dma_wait3A_44 = tpu.memref_slice %arg6[%multiple_of3A_18, %dma_wait3A_43] : memref<320000x128xf32, #tpu.memory_space<hbm>> -> memref<200x128xf32, #tpu.memory_space<hbm>>
        tpu.wait_dma2 semaphore(%run_scoped3A : memref<!tpu.dma_semaphore, #tpu.memory_space<semaphore_mem>>) src(%arg15 : memref<200x128xf32, #tpu.memory_space<vmem>>) dst(%dma_wait3A_44 : memref<200x128xf32, #tpu.memory_space<hbm>>)
        tpu.yield
      }) : () -> ()
      %scan3A_36 = arith.constant 0 : i32
      scf.yield %scan3A_36 : i32
    }
    %scan3A_13 = arith.constant 100 : i32
    return
  }
}

#map = affine_map<(d0, d1) -> (0)>
#map1 = affine_map<(d0, d1) -> (0, 0)>
module attributes {stable_mosaic.version = 14 : i64} {
  func.func @_sc2_body(%arg0: i32, %arg1: i32, %arg2: memref<5376xi32, #tpu.memory_space<hbm>>, %arg3: memref<5376xi32, #tpu.memory_space<hbm>>, %arg4: memref<5376xf32, #tpu.memory_space<hbm>>, %arg5: memref<5376xi32, #tpu.memory_space<hbm>>, %arg6: memref<256xi32, #tpu.memory_space<hbm>>, %arg7: memref<10000x128xf32, #tpu.memory_space<hbm>>, %arg8: memref<10000x128xf32, #tpu.memory_space<hbm>>, %arg9: memref<5376xi32, #tpu.memory_space<vmem>>, %arg10: memref<5376xi32, #tpu.memory_space<vmem>>, %arg11: memref<5376xf32, #tpu.memory_space<vmem>>, %arg12: memref<5376xi32, #tpu.memory_space<vmem>>, %arg13: memref<256xi32, #tpu.memory_space<vmem>>, %arg14: memref<10240xi32, #tpu.memory_space<vmem>>, %arg15: memref<10240xi32, #tpu.memory_space<vmem>>, %arg16: memref<10240xi32, #tpu.memory_space<vmem>>, %arg17: memref<96xi32, #tpu.memory_space<vmem>>, %arg18: memref<96xi32, #tpu.memory_space<vmem>>, %arg19: memref<80xi32, #tpu.memory_space<vmem>>, %arg20: memref<80xi32, #tpu.memory_space<vmem>>, %arg21: memref<80x128xf32, #tpu.memory_space<vmem>>, %arg22: memref<80x128xf32, #tpu.memory_space<vmem>>, %arg23: memref<80x128xf32, #tpu.memory_space<vmem>>, %arg24: memref<!tpu.dma_semaphore, #tpu.memory_space<semaphore_mem>>, %arg25: memref<!tpu.dma_semaphore, #tpu.memory_space<semaphore_mem>>, %arg26: memref<10240xi32, #tpu.memory_space<vmem_shared>>, %arg27: memref<10240xi32, #tpu.memory_space<vmem_shared>>) attributes {dimension_semantics = [#tpu.dimension_semantics<core_parallel>, #tpu.dimension_semantics<subcore_parallel>], iteration_bounds = array<i64: 1, 16>, scalar_prefetch = 0 : i64, scratch_operands = 19 : i64, tpu.core_type = #tpu.core_type<sc_vector_subcore>, window_params = [{transform_indices = #map}, {transform_indices = #map}, {transform_indices = #map}, {transform_indices = #map}, {transform_indices = #map}, {transform_indices = #map1}, {transform_indices = #map1}]} {
    %iota3A = tpu.iota {dimensions = array<i32: 0>} : vector<16xi32>
    %eq3A = arith.constant 0 : i32
    %eq3A_0 = arith.cmpi eq, %arg1, %eq3A : i32
    %convert_element_type3A = arith.extui %eq3A_0 : i1 to i32
    %cond3A = arith.constant 0 : i32
    %cond3A_1 = arith.cmpi ne, %convert_element_type3A, %cond3A : i32
    scf.if %cond3A_1 {
      "tpu.region"() ({
        %run_scoped3A = tpu.sem_alloc : memref<!tpu.dma_semaphore, #tpu.memory_space<semaphore_mem>>
        tpu.enqueue_dma source(%arg2 : memref<5376xi32, #tpu.memory_space<hbm>>) target(%arg9 : memref<5376xi32, #tpu.memory_space<vmem>>) target_semaphore(%run_scoped3A : memref<!tpu.dma_semaphore, #tpu.memory_space<semaphore_mem>>)
        tpu.wait_dma2 semaphore(%run_scoped3A : memref<!tpu.dma_semaphore, #tpu.memory_space<semaphore_mem>>) src(%arg2 : memref<5376xi32, #tpu.memory_space<hbm>>) dst(%arg9 : memref<5376xi32, #tpu.memory_space<vmem>>)
        tpu.yield
      }) : () -> ()
      "tpu.region"() ({
        %run_scoped3A = tpu.sem_alloc : memref<!tpu.dma_semaphore, #tpu.memory_space<semaphore_mem>>
        tpu.enqueue_dma source(%arg3 : memref<5376xi32, #tpu.memory_space<hbm>>) target(%arg10 : memref<5376xi32, #tpu.memory_space<vmem>>) target_semaphore(%run_scoped3A : memref<!tpu.dma_semaphore, #tpu.memory_space<semaphore_mem>>)
        tpu.wait_dma2 semaphore(%run_scoped3A : memref<!tpu.dma_semaphore, #tpu.memory_space<semaphore_mem>>) src(%arg3 : memref<5376xi32, #tpu.memory_space<hbm>>) dst(%arg10 : memref<5376xi32, #tpu.memory_space<vmem>>)
        tpu.yield
      }) : () -> ()
      "tpu.region"() ({
        %run_scoped3A = tpu.sem_alloc : memref<!tpu.dma_semaphore, #tpu.memory_space<semaphore_mem>>
        tpu.enqueue_dma source(%arg4 : memref<5376xf32, #tpu.memory_space<hbm>>) target(%arg11 : memref<5376xf32, #tpu.memory_space<vmem>>) target_semaphore(%run_scoped3A : memref<!tpu.dma_semaphore, #tpu.memory_space<semaphore_mem>>)
        tpu.wait_dma2 semaphore(%run_scoped3A : memref<!tpu.dma_semaphore, #tpu.memory_space<semaphore_mem>>) src(%arg4 : memref<5376xf32, #tpu.memory_space<hbm>>) dst(%arg11 : memref<5376xf32, #tpu.memory_space<vmem>>)
        tpu.yield
      }) : () -> ()
      "tpu.region"() ({
        %run_scoped3A = tpu.sem_alloc : memref<!tpu.dma_semaphore, #tpu.memory_space<semaphore_mem>>
        tpu.enqueue_dma source(%arg5 : memref<5376xi32, #tpu.memory_space<hbm>>) target(%arg12 : memref<5376xi32, #tpu.memory_space<vmem>>) target_semaphore(%run_scoped3A : memref<!tpu.dma_semaphore, #tpu.memory_space<semaphore_mem>>)
        tpu.wait_dma2 semaphore(%run_scoped3A : memref<!tpu.dma_semaphore, #tpu.memory_space<semaphore_mem>>) src(%arg5 : memref<5376xi32, #tpu.memory_space<hbm>>) dst(%arg12 : memref<5376xi32, #tpu.memory_space<vmem>>)
        tpu.yield
      }) : () -> ()
      "tpu.region"() ({
        %run_scoped3A = tpu.sem_alloc : memref<!tpu.dma_semaphore, #tpu.memory_space<semaphore_mem>>
        tpu.enqueue_dma source(%arg6 : memref<256xi32, #tpu.memory_space<hbm>>) target(%arg13 : memref<256xi32, #tpu.memory_space<vmem>>) target_semaphore(%run_scoped3A : memref<!tpu.dma_semaphore, #tpu.memory_space<semaphore_mem>>)
        tpu.wait_dma2 semaphore(%run_scoped3A : memref<!tpu.dma_semaphore, #tpu.memory_space<semaphore_mem>>) src(%arg6 : memref<256xi32, #tpu.memory_space<hbm>>) dst(%arg13 : memref<256xi32, #tpu.memory_space<vmem>>)
        tpu.yield
      }) : () -> ()
      %scan3A = arith.constant 0 : i32
      %scan3A_16 = arith.constant 0 : i32
      %scan3A_17 = arith.constant 640 : i32
      %scan3A_18 = arith.addi %scan3A_16, %scan3A_17 : i32
      %scan3A_19 = arith.constant 1 : i32
      %scan3A_20 = scf.for %scan3A_70 = %scan3A_16 to %scan3A_18 step %scan3A_19 iter_args(%scan3A_71 = %scan3A) -> (i32)  : i32 {
        %mul3A_72 = arith.constant 16 : i32
        %mul3A_73 = arith.muli %scan3A_70, %mul3A_72 : i32
        %broadcast_in_dim3A_74 = arith.constant -1 : i32
        %broadcast_in_dim3A_75 = vector.broadcast %broadcast_in_dim3A_74 : i32 to vector<16xi32>
        %swap3A = arith.index_cast %mul3A_73 : i32 to index
        %swap3A_76 = tpu.vector_load %arg14[%swap3A] {strides = array<i32>} : memref<10240xi32, #tpu.memory_space<vmem>>, vector<16xi32>,
        tpu.vector_store %arg14[%swap3A], %broadcast_in_dim3A_75 {strides = array<i32>} : memref<10240xi32, #tpu.memory_space<vmem>>, vector<16xi32>,
        %broadcast_in_dim3A_77 = arith.constant -1 : i32
        %broadcast_in_dim3A_78 = vector.broadcast %broadcast_in_dim3A_77 : i32 to vector<16xi32>
        %swap3A_79 = arith.index_cast %mul3A_73 : i32 to index
        %swap3A_80 = tpu.vector_load %arg15[%swap3A_79] {strides = array<i32>} : memref<10240xi32, #tpu.memory_space<vmem>>, vector<16xi32>,
        tpu.vector_store %arg15[%swap3A_79], %broadcast_in_dim3A_78 {strides = array<i32>} : memref<10240xi32, #tpu.memory_space<vmem>>, vector<16xi32>,
        %broadcast_in_dim3A_81 = arith.constant 0 : i32
        %broadcast_in_dim3A_82 = vector.broadcast %broadcast_in_dim3A_81 : i32 to vector<16xi32>
        %swap3A_83 = arith.index_cast %mul3A_73 : i32 to index
        %swap3A_84 = tpu.vector_load %arg16[%swap3A_83] {strides = array<i32>} : memref<10240xi32, #tpu.memory_space<vmem>>, vector<16xi32>,
        tpu.vector_store %arg16[%swap3A_83], %broadcast_in_dim3A_82 {strides = array<i32>} : memref<10240xi32, #tpu.memory_space<vmem>>, vector<16xi32>,
        %scan3A_85 = arith.constant 0 : i32
        scf.yield %scan3A_85 : i32
      }
      %scan3A_21 = arith.constant 640 : i32
      %scan3A_22 = arith.constant 0 : i32
      %scan3A_23 = arith.constant 0 : i32
      %scan3A_24 = arith.constant 0 : i32
      %scan3A_25 = arith.constant 16 : i32
      %scan3A_26 = arith.addi %scan3A_24, %scan3A_25 : i32
      %scan3A_27 = arith.constant 1 : i32
      %scan3A_28:2 = scf.for %scan3A_70 = %scan3A_24 to %scan3A_26 step %scan3A_27 iter_args(%scan3A_71 = %scan3A_22, %scan3A_72 = %scan3A_23) -> (i32, i32)  : i32 {
        %mul3A_73 = arith.constant 16 : i32
        %mul3A_74 = arith.muli %scan3A_70, %mul3A_73 : i32
        %get3A = arith.index_cast %mul3A_74 : i32 to index
        %get3A_75 = tpu.vector_load %arg13[%get3A] {strides = array<i32>} : memref<256xi32, #tpu.memory_space<vmem>>, vector<16xi32>,
        %slice3A = vector.extract_strided_slice %get3A_75 {offsets = [0], sizes = [1], strides = [1]} : vector<16xi32> to vector<1xi32>
        %squeeze3A = vector.extract %slice3A[0] : i32 from vector<1xi32>
        %add3A_76 = arith.constant 15 : i32
        %add3A_77 = arith.addi %squeeze3A, %add3A_76 : i32
        %jit3A_78 = arith.constant 16 : i32
        %div3A_79 = arith.divsi %add3A_77, %jit3A_78 : i32
        %sign3A_80 = arith.constant 0 : i32
        %sign3A_81 = arith.cmpi sgt, %add3A_77, %sign3A_80 : i32
        %sign3A_82 = arith.extui %sign3A_81 : i1 to i32
        %sign3A_83 = arith.constant 0 : i32
        %sign3A_84 = arith.cmpi slt, %add3A_77, %sign3A_83 : i32
        %sign3A_85 = arith.extui %sign3A_84 : i1 to i32
        %sign3A_86 = arith.subi %sign3A_82, %sign3A_85 : i32
        %sign3A_87 = arith.constant 0 : i32
        %sign3A_88 = arith.cmpi sgt, %jit3A_78, %sign3A_87 : i32
        %sign3A_89 = arith.extui %sign3A_88 : i1 to i32
        %sign3A_90 = arith.constant 0 : i32
        %sign3A_91 = arith.cmpi slt, %jit3A_78, %sign3A_90 : i32
        %sign3A_92 = arith.extui %sign3A_91 : i1 to i32
        %sign3A_93 = arith.subi %sign3A_89, %sign3A_92 : i32
        %ne3A_94 = arith.cmpi ne, %sign3A_86, %sign3A_93 : i32
        %rem3A_95 = arith.remsi %add3A_77, %jit3A_78 : i32
        %ne3A_96 = arith.constant 0 : i32
        %ne3A_97 = arith.cmpi ne, %rem3A_95, %ne3A_96 : i32
        %and3A_98 = arith.andi %ne3A_94, %ne3A_97 : i1
        %sub3A_99 = arith.constant 1 : i32
        %sub3A_100 = arith.subi %div3A_79, %sub3A_99 : i32
        %select_n3A_101 = arith.select %and3A_98, %sub3A_100, %div3A_79 : i32
        %mul3A_102 = arith.constant 16 : i32
        %mul3A_103 = arith.muli %select_n3A_101, %mul3A_102 : i32
        %add3A_104 = arith.addi %scan3A_71, %mul3A_103 : i32
        %add3A_105 = arith.addi %scan3A_72, %squeeze3A : i32
        scf.yield %add3A_104, %add3A_105 : i32, i32
      }
      %scan3A_29 = arith.constant 16 : i32
      %add3A = arith.constant 15 : i32
      %add3A_30 = arith.addi %scan3A_28#0, %add3A : i32
      %jit3A_31 = arith.constant 16 : i32
      %div3A = arith.divsi %add3A_30, %jit3A_31 : i32
      %sign3A = arith.constant 0 : i32
      %sign3A_32 = arith.cmpi sgt, %add3A_30, %sign3A : i32
      %sign3A_33 = arith.extui %sign3A_32 : i1 to i32
      %sign3A_34 = arith.constant 0 : i32
      %sign3A_35 = arith.cmpi slt, %add3A_30, %sign3A_34 : i32
      %sign3A_36 = arith.extui %sign3A_35 : i1 to i32
      %sign3A_37 = arith.subi %sign3A_33, %sign3A_36 : i32
      %sign3A_38 = arith.constant 0 : i32
      %sign3A_39 = arith.cmpi sgt, %jit3A_31, %sign3A_38 : i32
      %sign3A_40 = arith.extui %sign3A_39 : i1 to i32
      %sign3A_41 = arith.constant 0 : i32
      %sign3A_42 = arith.cmpi slt, %jit3A_31, %sign3A_41 : i32
      %sign3A_43 = arith.extui %sign3A_42 : i1 to i32
      %sign3A_44 = arith.subi %sign3A_40, %sign3A_43 : i32
      %ne3A = arith.cmpi ne, %sign3A_37, %sign3A_44 : i32
      %rem3A = arith.remsi %add3A_30, %jit3A_31 : i32
      %ne3A_45 = arith.constant 0 : i32
      %ne3A_46 = arith.cmpi ne, %rem3A, %ne3A_45 : i32
      %and3A = arith.andi %ne3A, %ne3A_46 : i1
      %sub3A = arith.constant 1 : i32
      %sub3A_47 = arith.subi %div3A, %sub3A : i32
      %select_n3A_48 = arith.select %and3A, %sub3A_47, %div3A : i32
      %broadcast_in_dim3A = arith.constant 1 : i32
      %broadcast_in_dim3A_49 = vector.broadcast %broadcast_in_dim3A : i32 to vector<16xi32>
      %while3A_50 = arith.constant 0 : i32
      %while3A_51 = arith.constant 0 : i32
      %while3A_52 = arith.subi %select_n3A_48, %while3A_50 : i32
      %while3A_53 = arith.addi %while3A_50, %while3A_52 : i32
      %while3A_54 = arith.constant 1 : i32
      %while3A_55 = arith.divsi %while3A_52, %while3A_54 : i32
      %while3A_56 = arith.muli %while3A_55, %while3A_54 : i32
      %while3A_57 = arith.addi %while3A_50, %while3A_56 : i32
      %while3A_58 = arith.constant 1 : i32
      %while3A_59 = scf.for %while3A_70 = %while3A_50 to %while3A_57 step %while3A_58 iter_args(%while3A_71 = %while3A_51) -> (i32)  : i32 {
        %mul3A_72 = arith.constant 16 : i32
        %mul3A_73 = arith.muli %while3A_70, %mul3A_72 : i32
        %get3A = arith.index_cast %mul3A_73 : i32 to index
        %get3A_74 = tpu.vector_load %arg9[%get3A] {strides = array<i32>} : memref<5376xi32, #tpu.memory_space<vmem>>, vector<16xi32>,
        %get3A_75 = arith.index_cast %mul3A_73 : i32 to index
        %get3A_76 = tpu.vector_load %arg10[%get3A_75] {strides = array<i32>} : memref<5376xi32, #tpu.memory_space<vmem>>, vector<16xi32>,
        %get3A_77 = arith.index_cast %mul3A_73 : i32 to index
        %get3A_78 = tpu.vector_load %arg11[%get3A_77] {strides = array<i32>} : memref<5376xf32, #tpu.memory_space<vmem>>, vector<16xf32>,
        %get3A_79 = arith.index_cast %mul3A_73 : i32 to index
        %get3A_80 = tpu.vector_load %arg12[%get3A_79] {strides = array<i32>} : memref<5376xi32, #tpu.memory_space<vmem>>, vector<16xi32>,
        %jit3A_81 = arith.constant 0 : i32
        %jit3A_82 = arith.constant 10239 : i32
        %max3A = vector.broadcast %jit3A_81 : i32 to vector<16xi32>
        %max3A_83 = arith.maxsi %max3A, %get3A_80 : vector<16xi32>
        %min3A = vector.broadcast %jit3A_82 : i32 to vector<16xi32>
        %min3A_84 = arith.minsi %min3A, %max3A_83 : vector<16xi32>
        %gt3A = arith.constant 0.000000e+00 : f32
        %gt3A_85 = vector.broadcast %gt3A : f32 to vector<16xf32>
        %gt3A_86 = arith.cmpf ogt, %get3A_78, %gt3A_85 : vector<16xf32>
        %mul3A_87 = arith.constant 16 : i32
        %mul3A_88 = arith.muli %while3A_70, %mul3A_87 : i32
        %add3A_89 = vector.broadcast %mul3A_88 : i32 to vector<16xi32>
        %add3A_90 = arith.addi %add3A_89, %iota3A : vector<16xi32>
        %lt3A_91 = vector.broadcast %scan3A_28#0 : i32 to vector<16xi32>
        %lt3A_92 = arith.cmpi slt, %add3A_90, %lt3A_91 : vector<16xi32>
        %and3A_93 = arith.andi %gt3A_86, %lt3A_92 : vector<16xi1>
        %jit3A_94 = arith.constant 0 : i32
        %jit3A_95 = arith.constant 10239 : i32
        %max3A_96 = vector.broadcast %jit3A_94 : i32 to vector<16xi32>
        %max3A_97 = arith.maxsi %max3A_96, %get3A_74 : vector<16xi32>
        %min3A_98 = vector.broadcast %jit3A_95 : i32 to vector<16xi32>
        %min3A_99 = arith.minsi %min3A_98, %max3A_97 : vector<16xi32>
        %jit3A_100 = arith.constant 0 : i32
        %jit3A_101 = arith.constant 10239 : i32
        %max3A_102 = vector.broadcast %jit3A_100 : i32 to vector<16xi32>
        %max3A_103 = arith.maxsi %max3A_102, %get3A_76 : vector<16xi32>
        %min3A_104 = vector.broadcast %jit3A_101 : i32 to vector<16xi32>
        %min3A_105 = arith.minsi %min3A_104, %max3A_103 : vector<16xi32>
        tpu.vector_store_idx %arg14[%min3A_84], %get3A_74 masked %and3A_93 : memref<10240xi32, #tpu.memory_space<vmem>>[vector<16xi32>], vector<16xi32>, vector<16xi1>
        tpu.vector_store_idx %arg15[%min3A_84], %get3A_76 masked %and3A_93 : memref<10240xi32, #tpu.memory_space<vmem>>[vector<16xi32>], vector<16xi32>, vector<16xi1>
        tpu.vector_store_idx %arg16[%min3A_99], %broadcast_in_dim3A_49 masked %and3A_93 : memref<10240xi32, #tpu.memory_space<vmem>>[vector<16xi32>], vector<16xi32>, vector<16xi1>
        tpu.vector_store_idx %arg16[%min3A_105], %broadcast_in_dim3A_49 masked %and3A_93 : memref<10240xi32, #tpu.memory_space<vmem>>[vector<16xi32>], vector<16xi32>, vector<16xi1>
        %while3A_106 = arith.constant 0 : i32
        scf.yield %while3A_106 : i32
      }
      %while3A_60 = arith.constant 1 : i32
      %while3A_61 = scf.for %while3A_70 = %while3A_57 to %while3A_53 step %while3A_60 iter_args(%while3A_71 = %while3A_59) -> (i32)  : i32 {
        %mul3A_72 = arith.constant 16 : i32
        %mul3A_73 = arith.muli %while3A_70, %mul3A_72 : i32
        %get3A = arith.index_cast %mul3A_73 : i32 to index
        %get3A_74 = tpu.vector_load %arg9[%get3A] {strides = array<i32>} : memref<5376xi32, #tpu.memory_space<vmem>>, vector<16xi32>,
        %get3A_75 = arith.index_cast %mul3A_73 : i32 to index
        %get3A_76 = tpu.vector_load %arg10[%get3A_75] {strides = array<i32>} : memref<5376xi32, #tpu.memory_space<vmem>>, vector<16xi32>,
        %get3A_77 = arith.index_cast %mul3A_73 : i32 to index
        %get3A_78 = tpu.vector_load %arg11[%get3A_77] {strides = array<i32>} : memref<5376xf32, #tpu.memory_space<vmem>>, vector<16xf32>,
        %get3A_79 = arith.index_cast %mul3A_73 : i32 to index
        %get3A_80 = tpu.vector_load %arg12[%get3A_79] {strides = array<i32>} : memref<5376xi32, #tpu.memory_space<vmem>>, vector<16xi32>,
        %jit3A_81 = arith.constant 0 : i32
        %jit3A_82 = arith.constant 10239 : i32
        %max3A = vector.broadcast %jit3A_81 : i32 to vector<16xi32>
        %max3A_83 = arith.maxsi %max3A, %get3A_80 : vector<16xi32>
        %min3A = vector.broadcast %jit3A_82 : i32 to vector<16xi32>
        %min3A_84 = arith.minsi %min3A, %max3A_83 : vector<16xi32>
        %gt3A = arith.constant 0.000000e+00 : f32
        %gt3A_85 = vector.broadcast %gt3A : f32 to vector<16xf32>
        %gt3A_86 = arith.cmpf ogt, %get3A_78, %gt3A_85 : vector<16xf32>
        %mul3A_87 = arith.constant 16 : i32
        %mul3A_88 = arith.muli %while3A_70, %mul3A_87 : i32
        %add3A_89 = vector.broadcast %mul3A_88 : i32 to vector<16xi32>
        %add3A_90 = arith.addi %add3A_89, %iota3A : vector<16xi32>
        %lt3A_91 = vector.broadcast %scan3A_28#0 : i32 to vector<16xi32>
        %lt3A_92 = arith.cmpi slt, %add3A_90, %lt3A_91 : vector<16xi32>
        %and3A_93 = arith.andi %gt3A_86, %lt3A_92 : vector<16xi1>
        %jit3A_94 = arith.constant 0 : i32
        %jit3A_95 = arith.constant 10239 : i32
        %max3A_96 = vector.broadcast %jit3A_94 : i32 to vector<16xi32>
        %max3A_97 = arith.maxsi %max3A_96, %get3A_74 : vector<16xi32>
        %min3A_98 = vector.broadcast %jit3A_95 : i32 to vector<16xi32>
        %min3A_99 = arith.minsi %min3A_98, %max3A_97 : vector<16xi32>
        %jit3A_100 = arith.constant 0 : i32
        %jit3A_101 = arith.constant 10239 : i32
        %max3A_102 = vector.broadcast %jit3A_100 : i32 to vector<16xi32>
        %max3A_103 = arith.maxsi %max3A_102, %get3A_76 : vector<16xi32>
        %min3A_104 = vector.broadcast %jit3A_101 : i32 to vector<16xi32>
        %min3A_105 = arith.minsi %min3A_104, %max3A_103 : vector<16xi32>
        tpu.vector_store_idx %arg14[%min3A_84], %get3A_74 masked %and3A_93 : memref<10240xi32, #tpu.memory_space<vmem>>[vector<16xi32>], vector<16xi32>, vector<16xi1>
        tpu.vector_store_idx %arg15[%min3A_84], %get3A_76 masked %and3A_93 : memref<10240xi32, #tpu.memory_space<vmem>>[vector<16xi32>], vector<16xi32>, vector<16xi1>
        tpu.vector_store_idx %arg16[%min3A_99], %broadcast_in_dim3A_49 masked %and3A_93 : memref<10240xi32, #tpu.memory_space<vmem>>[vector<16xi32>], vector<16xi32>, vector<16xi1>
        tpu.vector_store_idx %arg16[%min3A_105], %broadcast_in_dim3A_49 masked %and3A_93 : memref<10240xi32, #tpu.memory_space<vmem>>[vector<16xi32>], vector<16xi32>, vector<16xi1>
        %while3A_106 = arith.constant 0 : i32
        scf.yield %while3A_106 : i32
      }
      %broadcast_in_dim3A_62 = arith.constant 0 : i32
      %broadcast_in_dim3A_63 = vector.broadcast %broadcast_in_dim3A_62 : i32 to vector<16xi32>
      %scan3A_64 = arith.constant 0 : i32
      %scan3A_65 = arith.constant 625 : i32
      %scan3A_66 = arith.addi %scan3A_64, %scan3A_65 : i32
      %scan3A_67 = arith.constant 1 : i32
      %scan3A_68 = scf.for %scan3A_70 = %scan3A_64 to %scan3A_66 step %scan3A_67 iter_args(%scan3A_71 = %broadcast_in_dim3A_63) -> (vector<16xi32>)  : i32 {
        %mul3A_72 = arith.constant 16 : i32
        %mul3A_73 = arith.muli %scan3A_70, %mul3A_72 : i32
        %get3A = arith.index_cast %mul3A_73 : i32 to index
        %get3A_74 = tpu.vector_load %arg16[%get3A] {strides = array<i32>} : memref<10240xi32, #tpu.memory_space<vmem>>, vector<16xi32>,
        %eq3A_75 = arith.constant 0 : i32
        %eq3A_76 = vector.broadcast %eq3A_75 : i32 to vector<16xi32>
        %eq3A_77 = arith.cmpi eq, %get3A_74, %eq3A_76 : vector<16xi32>
        %convert_element_type3A_78 = arith.extui %eq3A_77 : vector<16xi1> to vector<16xi32>
        %add3A_79 = vector.broadcast %scan3A_28#1 : i32 to vector<16xi32>
        %add3A_80 = arith.addi %add3A_79, %scan3A_71 : vector<16xi32>
        %broadcast_in_dim3A_81 = arith.constant true
        %broadcast_in_dim3A_82 = vector.broadcast %broadcast_in_dim3A_81 : i1 to vector<16xi1>
        %masked_cumsum3A = tpu.scan <sum>, %convert_element_type3A_78 masked %broadcast_in_dim3A_82 : vector<16xi32>, vector<16xi1> -> vector<16xi32>
        %add3A_83 = arith.addi %add3A_80, %masked_cumsum3A : vector<16xi32>
        %sub3A_84 = arith.subi %add3A_83, %convert_element_type3A_78 : vector<16xi32>
        %mul3A_85 = arith.constant 16 : i32
        %mul3A_86 = arith.muli %scan3A_70, %mul3A_85 : i32
        %add3A_87 = vector.broadcast %mul3A_86 : i32 to vector<16xi32>
        %add3A_88 = arith.addi %add3A_87, %iota3A : vector<16xi32>
        tpu.vector_store_idx %arg14[%sub3A_84], %add3A_88 masked %eq3A_77 : memref<10240xi32, #tpu.memory_space<vmem>>[vector<16xi32>], vector<16xi32>, vector<16xi1>
        %all_reduce_population_count3A = tpu.all_reduce %eq3A_77 {dim = 0 : i64, kind = #tpu.reduction_kind<sum>} : vector<16xi1> -> vector<16xi32>
        %add3A_89 = arith.addi %scan3A_71, %all_reduce_population_count3A : vector<16xi32>
        scf.yield %add3A_89 : vector<16xi32>
      }
      %scan3A_69 = arith.constant 625 : i32
      "tpu.region"() ({
        %run_scoped3A = tpu.sem_alloc : memref<!tpu.dma_semaphore, #tpu.memory_space<semaphore_mem>>
        tpu.enqueue_dma source(%arg14 : memref<10240xi32, #tpu.memory_space<vmem>>) target(%arg26 : memref<10240xi32, #tpu.memory_space<vmem_shared>>) target_semaphore(%run_scoped3A : memref<!tpu.dma_semaphore, #tpu.memory_space<semaphore_mem>>)
        tpu.wait_dma2 semaphore(%run_scoped3A : memref<!tpu.dma_semaphore, #tpu.memory_space<semaphore_mem>>) src(%arg14 : memref<10240xi32, #tpu.memory_space<vmem>>) dst(%arg26 : memref<10240xi32, #tpu.memory_space<vmem_shared>>)
        tpu.yield
      }) : () -> ()
      "tpu.region"() ({
        %run_scoped3A = tpu.sem_alloc : memref<!tpu.dma_semaphore, #tpu.memory_space<semaphore_mem>>
        tpu.enqueue_dma source(%arg15 : memref<10240xi32, #tpu.memory_space<vmem>>) target(%arg27 : memref<10240xi32, #tpu.memory_space<vmem_shared>>) target_semaphore(%run_scoped3A : memref<!tpu.dma_semaphore, #tpu.memory_space<semaphore_mem>>)
        tpu.wait_dma2 semaphore(%run_scoped3A : memref<!tpu.dma_semaphore, #tpu.memory_space<semaphore_mem>>) src(%arg15 : memref<10240xi32, #tpu.memory_space<vmem>>) dst(%arg27 : memref<10240xi32, #tpu.memory_space<vmem_shared>>)
        tpu.yield
      }) : () -> ()
    } else {
    }
    %barrier3A = arith.constant 0 : index
    tpu.barrier barrier_id(%barrier3A)
    %mul3A = arith.constant 640 : i32
    %mul3A_2 = arith.muli %arg1, %mul3A : i32
    %lt3A = arith.constant 15 : i32
    %lt3A_3 = arith.cmpi slt, %arg1, %lt3A : i32
    %jit3A = arith.constant 8 : i32
    %jit3A_4 = arith.constant 5 : i32
    %select_n3A = arith.select %lt3A_3, %jit3A, %jit3A_4 : i32
    %while3A = arith.constant 0 : i32
    %while3A_5 = arith.constant 0 : i32
    %while3A_6 = arith.subi %select_n3A, %while3A : i32
    %while3A_7 = arith.addi %while3A, %while3A_6 : i32
    %while3A_8 = arith.constant 1 : i32
    %while3A_9 = arith.divsi %while3A_6, %while3A_8 : i32
    %while3A_10 = arith.muli %while3A_9, %while3A_8 : i32
    %while3A_11 = arith.addi %while3A, %while3A_10 : i32
    %while3A_12 = arith.constant 1 : i32
    %while3A_13 = scf.for %while3A_16 = %while3A to %while3A_11 step %while3A_12 iter_args(%while3A_17 = %while3A_5) -> (i32)  : i32 {
      %mul3A_18 = arith.constant 80 : i32
      %mul3A_19 = arith.muli %while3A_16, %mul3A_18 : i32
      %add3A = arith.addi %mul3A_2, %mul3A_19 : i32
      %multiple_of3A = tpu.assume_multiple %add3A, 8 : i32
      "tpu.region"() ({
        %run_scoped3A = tpu.sem_alloc : memref<!tpu.dma_semaphore, #tpu.memory_space<semaphore_mem>>
        %dma_start3A_44 = arith.constant 0 : i32
        %dma_start3A_45 = tpu.memref_slice %arg17[%dma_start3A_44] : memref<96xi32, #tpu.memory_space<vmem>> -> memref<80xi32, #tpu.memory_space<vmem>>
        %dma_start3A_46 = tpu.memref_slice %arg26[%multiple_of3A] : memref<10240xi32, #tpu.memory_space<vmem_shared>> -> memref<80xi32, #tpu.memory_space<vmem_shared>>
        %dma_start3A_47 = arith.constant 0 : i32
        %dma_start3A_48 = tpu.memref_slice %arg17[%dma_start3A_47] : memref<96xi32, #tpu.memory_space<vmem>> -> memref<80xi32, #tpu.memory_space<vmem>>
        %dma_start3A_49 = tpu.memref_slice %arg26[%multiple_of3A] : memref<10240xi32, #tpu.memory_space<vmem_shared>> -> memref<80xi32, #tpu.memory_space<vmem_shared>>
        tpu.enqueue_dma source(%dma_start3A_49 : memref<80xi32, #tpu.memory_space<vmem_shared>>) target(%dma_start3A_48 : memref<80xi32, #tpu.memory_space<vmem>>) target_semaphore(%run_scoped3A : memref<!tpu.dma_semaphore, #tpu.memory_space<semaphore_mem>>)
        %dma_wait3A_50 = arith.constant 0 : i32
        %dma_wait3A_51 = tpu.memref_slice %arg17[%dma_wait3A_50] : memref<96xi32, #tpu.memory_space<vmem>> -> memref<80xi32, #tpu.memory_space<vmem>>
        %dma_wait3A_52 = tpu.memref_slice %arg26[%multiple_of3A] : memref<10240xi32, #tpu.memory_space<vmem_shared>> -> memref<80xi32, #tpu.memory_space<vmem_shared>>
        %dma_wait3A_53 = arith.constant 0 : i32
        %dma_wait3A_54 = tpu.memref_slice %arg17[%dma_wait3A_53] : memref<96xi32, #tpu.memory_space<vmem>> -> memref<80xi32, #tpu.memory_space<vmem>>
        %dma_wait3A_55 = tpu.memref_slice %arg26[%multiple_of3A] : memref<10240xi32, #tpu.memory_space<vmem_shared>> -> memref<80xi32, #tpu.memory_space<vmem_shared>>
        tpu.wait_dma2 semaphore(%run_scoped3A : memref<!tpu.dma_semaphore, #tpu.memory_space<semaphore_mem>>) src(%dma_wait3A_55 : memref<80xi32, #tpu.memory_space<vmem_shared>>) dst(%dma_wait3A_54 : memref<80xi32, #tpu.memory_space<vmem>>)
        tpu.yield
      }) : () -> ()
      "tpu.region"() ({
        %run_scoped3A = tpu.sem_alloc : memref<!tpu.dma_semaphore, #tpu.memory_space<semaphore_mem>>
        %dma_start3A_44 = arith.constant 0 : i32
        %dma_start3A_45 = tpu.memref_slice %arg18[%dma_start3A_44] : memref<96xi32, #tpu.memory_space<vmem>> -> memref<80xi32, #tpu.memory_space<vmem>>
        %dma_start3A_46 = tpu.memref_slice %arg27[%multiple_of3A] : memref<10240xi32, #tpu.memory_space<vmem_shared>> -> memref<80xi32, #tpu.memory_space<vmem_shared>>
        %dma_start3A_47 = arith.constant 0 : i32
        %dma_start3A_48 = tpu.memref_slice %arg18[%dma_start3A_47] : memref<96xi32, #tpu.memory_space<vmem>> -> memref<80xi32, #tpu.memory_space<vmem>>
        %dma_start3A_49 = tpu.memref_slice %arg27[%multiple_of3A] : memref<10240xi32, #tpu.memory_space<vmem_shared>> -> memref<80xi32, #tpu.memory_space<vmem_shared>>
        tpu.enqueue_dma source(%dma_start3A_49 : memref<80xi32, #tpu.memory_space<vmem_shared>>) target(%dma_start3A_48 : memref<80xi32, #tpu.memory_space<vmem>>) target_semaphore(%run_scoped3A : memref<!tpu.dma_semaphore, #tpu.memory_space<semaphore_mem>>)
        %dma_wait3A_50 = arith.constant 0 : i32
        %dma_wait3A_51 = tpu.memref_slice %arg18[%dma_wait3A_50] : memref<96xi32, #tpu.memory_space<vmem>> -> memref<80xi32, #tpu.memory_space<vmem>>
        %dma_wait3A_52 = tpu.memref_slice %arg27[%multiple_of3A] : memref<10240xi32, #tpu.memory_space<vmem_shared>> -> memref<80xi32, #tpu.memory_space<vmem_shared>>
        %dma_wait3A_53 = arith.constant 0 : i32
        %dma_wait3A_54 = tpu.memref_slice %arg18[%dma_wait3A_53] : memref<96xi32, #tpu.memory_space<vmem>> -> memref<80xi32, #tpu.memory_space<vmem>>
        %dma_wait3A_55 = tpu.memref_slice %arg27[%multiple_of3A] : memref<10240xi32, #tpu.memory_space<vmem_shared>> -> memref<80xi32, #tpu.memory_space<vmem_shared>>
        tpu.wait_dma2 semaphore(%run_scoped3A : memref<!tpu.dma_semaphore, #tpu.memory_space<semaphore_mem>>) src(%dma_wait3A_55 : memref<80xi32, #tpu.memory_space<vmem_shared>>) dst(%dma_wait3A_54 : memref<80xi32, #tpu.memory_space<vmem>>)
        tpu.yield
      }) : () -> ()
      %scan3A = arith.constant 0 : i32
      %scan3A_20 = arith.constant 0 : i32
      %scan3A_21 = arith.constant 5 : i32
      %scan3A_22 = arith.addi %scan3A_20, %scan3A_21 : i32
      %scan3A_23 = arith.constant 1 : i32
      %scan3A_24 = scf.for %scan3A_44 = %scan3A_20 to %scan3A_22 step %scan3A_23 iter_args(%scan3A_45 = %scan3A) -> (i32)  : i32 {
        %mul3A_46 = arith.constant 16 : i32
        %mul3A_47 = arith.muli %scan3A_44, %mul3A_46 : i32
        %get3A = arith.index_cast %mul3A_47 : i32 to index
        %get3A_48 = tpu.vector_load %arg17[%get3A] {strides = array<i32>} : memref<96xi32, #tpu.memory_space<vmem>>, vector<16xi32>,
        %max3A = arith.constant 0 : i32
        %max3A_49 = vector.broadcast %max3A : i32 to vector<16xi32>
        %max3A_50 = arith.maxsi %get3A_48, %max3A_49 : vector<16xi32>
        %swap3A = arith.index_cast %mul3A_47 : i32 to index
        %swap3A_51 = tpu.vector_load %arg19[%swap3A] {strides = array<i32>} : memref<80xi32, #tpu.memory_space<vmem>>, vector<16xi32>,
        tpu.vector_store %arg19[%swap3A], %max3A_50 {strides = array<i32>} : memref<80xi32, #tpu.memory_space<vmem>>, vector<16xi32>,
        %get3A_52 = arith.index_cast %mul3A_47 : i32 to index
        %get3A_53 = tpu.vector_load %arg18[%get3A_52] {strides = array<i32>} : memref<96xi32, #tpu.memory_space<vmem>>, vector<16xi32>,
        %max3A_54 = arith.constant 0 : i32
        %max3A_55 = vector.broadcast %max3A_54 : i32 to vector<16xi32>
        %max3A_56 = arith.maxsi %get3A_53, %max3A_55 : vector<16xi32>
        %swap3A_57 = arith.index_cast %mul3A_47 : i32 to index
        %swap3A_58 = tpu.vector_load %arg20[%swap3A_57] {strides = array<i32>} : memref<80xi32, #tpu.memory_space<vmem>>, vector<16xi32>,
        tpu.vector_store %arg20[%swap3A_57], %max3A_56 {strides = array<i32>} : memref<80xi32, #tpu.memory_space<vmem>>, vector<16xi32>,
        %scan3A_59 = arith.constant 0 : i32
        scf.yield %scan3A_59 : i32
      }
      %scan3A_25 = arith.constant 5 : i32
      %dma_start3A = arith.constant 0 : i32
      %dma_start3A_26 = arith.constant 0 : i32
      %dma_start3A_27 = tpu.memref_slice %arg7[%dma_start3A, %dma_start3A_26] : memref<10000x128xf32, #tpu.memory_space<hbm>> -> memref<10000x128xf32, #tpu.memory_space<hbm>>
      tpu.enqueue_indirect_dma source(%dma_start3A_27 : memref<10000x128xf32, #tpu.memory_space<hbm>>) target(%arg21 : memref<80x128xf32, #tpu.memory_space<vmem>>) offsets(%arg19 : memref<80xi32, #tpu.memory_space<vmem>>) semaphore(%arg24 : memref<!tpu.dma_semaphore, #tpu.memory_space<semaphore_mem>>)
      %dma_start3A_28 = arith.constant 0 : i32
      %dma_start3A_29 = arith.constant 0 : i32
      %dma_start3A_30 = tpu.memref_slice %arg7[%dma_start3A_28, %dma_start3A_29] : memref<10000x128xf32, #tpu.memory_space<hbm>> -> memref<10000x128xf32, #tpu.memory_space<hbm>>
      tpu.enqueue_indirect_dma source(%dma_start3A_30 : memref<10000x128xf32, #tpu.memory_space<hbm>>) target(%arg22 : memref<80x128xf32, #tpu.memory_space<vmem>>) offsets(%arg20 : memref<80xi32, #tpu.memory_space<vmem>>) semaphore(%arg25 : memref<!tpu.dma_semaphore, #tpu.memory_space<semaphore_mem>>)
      %dma_wait3A = arith.constant 0 : i32
      %dma_wait3A_31 = arith.constant 0 : i32
      %dma_wait3A_32 = tpu.memref_slice %arg7[%dma_wait3A, %dma_wait3A_31] : memref<10000x128xf32, #tpu.memory_space<hbm>> -> memref<10000x128xf32, #tpu.memory_space<hbm>>
      tpu.wait_indirect_dma semaphore(%arg24 : memref<!tpu.dma_semaphore, #tpu.memory_space<semaphore_mem>>) src(%dma_wait3A_32 : memref<10000x128xf32, #tpu.memory_space<hbm>>) dst(%arg21 : memref<80x128xf32, #tpu.memory_space<vmem>>)
      %dma_wait3A_33 = arith.constant 0 : i32
      %dma_wait3A_34 = arith.constant 0 : i32
      %dma_wait3A_35 = tpu.memref_slice %arg7[%dma_wait3A_33, %dma_wait3A_34] : memref<10000x128xf32, #tpu.memory_space<hbm>> -> memref<10000x128xf32, #tpu.memory_space<hbm>>
      tpu.wait_indirect_dma semaphore(%arg25 : memref<!tpu.dma_semaphore, #tpu.memory_space<semaphore_mem>>) src(%dma_wait3A_35 : memref<10000x128xf32, #tpu.memory_space<hbm>>) dst(%arg22 : memref<80x128xf32, #tpu.memory_space<vmem>>)
      %scan3A_36 = arith.constant 0 : i32
      %scan3A_37 = arith.constant 0 : i32
      %scan3A_38 = arith.constant 80 : i32
      %scan3A_39 = arith.addi %scan3A_37, %scan3A_38 : i32
      %scan3A_40 = arith.constant 1 : i32
      %scan3A_41 = scf.for %scan3A_44 = %scan3A_37 to %scan3A_39 step %scan3A_40 iter_args(%scan3A_45 = %scan3A_36) -> (i32)  : i32 {
        %get3A = arith.index_cast %scan3A_44 : i32 to index
        %get3A_46 = tpu.vector_load %arg17[%get3A] {strides = array<i32>} : memref<96xi32, #tpu.memory_space<vmem>>, vector<16xi32>,
        %slice3A = vector.extract_strided_slice %get3A_46 {offsets = [0], sizes = [1], strides = [1]} : vector<16xi32> to vector<1xi32>
        %squeeze3A = vector.extract %slice3A[0] : i32 from vector<1xi32>
        %get3A_47 = arith.index_cast %scan3A_44 : i32 to index
        %get3A_48 = tpu.vector_load %arg18[%get3A_47] {strides = array<i32>} : memref<96xi32, #tpu.memory_space<vmem>>, vector<16xi32>,
        %slice3A_49 = vector.extract_strided_slice %get3A_48 {offsets = [0], sizes = [1], strides = [1]} : vector<16xi32> to vector<1xi32>
        %squeeze3A_50 = vector.extract %slice3A_49[0] : i32 from vector<1xi32>
        %ge3A = arith.constant 0 : i32
        %ge3A_51 = arith.cmpi sge, %squeeze3A, %ge3A : i32
        %jit3A_52 = arith.constant 1.000000e+00 : f32
        %jit3A_53 = arith.constant 0.000000e+00 : f32
        %select_n3A_54 = arith.select %ge3A_51, %jit3A_52, %jit3A_53 : f32
        %ge3A_55 = arith.constant 0 : i32
        %ge3A_56 = arith.cmpi sge, %squeeze3A_50, %ge3A_55 : i32
        %jit3A_57 = arith.constant 1.000000e+00 : f32
        %jit3A_58 = arith.constant 0.000000e+00 : f32
        %select_n3A_59 = arith.select %ge3A_56, %jit3A_57, %jit3A_58 : f32
        %scan3A_60 = arith.constant 0 : i32
        %scan3A_61 = arith.constant 0 : i32
        %scan3A_62 = arith.constant 8 : i32
        %scan3A_63 = arith.addi %scan3A_61, %scan3A_62 : i32
        %scan3A_64 = arith.constant 1 : i32
        %scan3A_65 = scf.for %scan3A_68 = %scan3A_61 to %scan3A_63 step %scan3A_64 iter_args(%scan3A_69 = %scan3A_60) -> (i32)  : i32 {
          %mul3A_70 = arith.constant 16 : i32
          %mul3A_71 = arith.muli %scan3A_68, %mul3A_70 : i32
          %get3A_72 = arith.index_cast %scan3A_44 : i32 to index
          %get3A_73 = arith.index_cast %mul3A_71 : i32 to index
          %get3A_74 = tpu.vector_load %arg21[%get3A_72, %get3A_73] {strides = array<i32>} : memref<80x128xf32, #tpu.memory_space<vmem>>, vector<16xf32>,
          %mul3A_75 = vector.broadcast %select_n3A_54 : f32 to vector<16xf32>
          %mul3A_76 = arith.mulf %get3A_74, %mul3A_75 : vector<16xf32>
          %get3A_77 = arith.index_cast %scan3A_44 : i32 to index
          %get3A_78 = arith.index_cast %mul3A_71 : i32 to index
          %get3A_79 = tpu.vector_load %arg22[%get3A_77, %get3A_78] {strides = array<i32>} : memref<80x128xf32, #tpu.memory_space<vmem>>, vector<16xf32>,
          %mul3A_80 = vector.broadcast %select_n3A_59 : f32 to vector<16xf32>
          %mul3A_81 = arith.mulf %get3A_79, %mul3A_80 : vector<16xf32>
          %add3A_82 = arith.addf %mul3A_76, %mul3A_81 : vector<16xf32>
          %swap3A = arith.index_cast %scan3A_44 : i32 to index
          %swap3A_83 = arith.index_cast %mul3A_71 : i32 to index
          %swap3A_84 = tpu.vector_load %arg23[%swap3A, %swap3A_83] {strides = array<i32>} : memref<80x128xf32, #tpu.memory_space<vmem>>, vector<16xf32>,
          tpu.vector_store %arg23[%swap3A, %swap3A_83], %add3A_82 {strides = array<i32>} : memref<80x128xf32, #tpu.memory_space<vmem>>, vector<16xf32>,
          %scan3A_85 = arith.constant 0 : i32
          scf.yield %scan3A_85 : i32
        }
        %scan3A_66 = arith.constant 8 : i32
        %scan3A_67 = arith.constant 0 : i32
        scf.yield %scan3A_67 : i32
      }
      %scan3A_42 = arith.constant 80 : i32
      "tpu.region"() ({
        %run_scoped3A = tpu.sem_alloc : memref<!tpu.dma_semaphore, #tpu.memory_space<semaphore_mem>>
        %dma_start3A_44 = arith.constant 0 : i32
        %dma_start3A_45 = tpu.memref_slice %arg8[%multiple_of3A, %dma_start3A_44] : memref<10000x128xf32, #tpu.memory_space<hbm>> -> memref<80x128xf32, #tpu.memory_space<hbm>>
        %dma_start3A_46 = arith.constant 0 : i32
        %dma_start3A_47 = tpu.memref_slice %arg8[%multiple_of3A, %dma_start3A_46] : memref<10000x128xf32, #tpu.memory_space<hbm>> -> memref<80x128xf32, #tpu.memory_space<hbm>>
        tpu.enqueue_dma source(%arg23 : memref<80x128xf32, #tpu.memory_space<vmem>>) target(%dma_start3A_47 : memref<80x128xf32, #tpu.memory_space<hbm>>) target_semaphore(%run_scoped3A : memref<!tpu.dma_semaphore, #tpu.memory_space<semaphore_mem>>)
        %dma_wait3A_48 = arith.constant 0 : i32
        %dma_wait3A_49 = tpu.memref_slice %arg8[%multiple_of3A, %dma_wait3A_48] : memref<10000x128xf32, #tpu.memory_space<hbm>> -> memref<80x128xf32, #tpu.memory_space<hbm>>
        %dma_wait3A_50 = arith.constant 0 : i32
        %dma_wait3A_51 = tpu.memref_slice %arg8[%multiple_of3A, %dma_wait3A_50] : memref<10000x128xf32, #tpu.memory_space<hbm>> -> memref<80x128xf32, #tpu.memory_space<hbm>>
        tpu.wait_dma2 semaphore(%run_scoped3A : memref<!tpu.dma_semaphore, #tpu.memory_space<semaphore_mem>>) src(%arg23 : memref<80x128xf32, #tpu.memory_space<vmem>>) dst(%dma_wait3A_51 : memref<80x128xf32, #tpu.memory_space<hbm>>)
        tpu.yield
      }) : () -> ()
      %while3A_43 = arith.constant 0 : i32
      scf.yield %while3A_43 : i32
    }
    %while3A_14 = arith.constant 1 : i32
    %while3A_15 = scf.for %while3A_16 = %while3A_11 to %while3A_7 step %while3A_14 iter_args(%while3A_17 = %while3A_13) -> (i32)  : i32 {
      %mul3A_18 = arith.constant 80 : i32
      %mul3A_19 = arith.muli %while3A_16, %mul3A_18 : i32
      %add3A = arith.addi %mul3A_2, %mul3A_19 : i32
      %multiple_of3A = tpu.assume_multiple %add3A, 8 : i32
      "tpu.region"() ({
        %run_scoped3A = tpu.sem_alloc : memref<!tpu.dma_semaphore, #tpu.memory_space<semaphore_mem>>
        %dma_start3A_44 = arith.constant 0 : i32
        %dma_start3A_45 = tpu.memref_slice %arg17[%dma_start3A_44] : memref<96xi32, #tpu.memory_space<vmem>> -> memref<80xi32, #tpu.memory_space<vmem>>
        %dma_start3A_46 = tpu.memref_slice %arg26[%multiple_of3A] : memref<10240xi32, #tpu.memory_space<vmem_shared>> -> memref<80xi32, #tpu.memory_space<vmem_shared>>
        %dma_start3A_47 = arith.constant 0 : i32
        %dma_start3A_48 = tpu.memref_slice %arg17[%dma_start3A_47] : memref<96xi32, #tpu.memory_space<vmem>> -> memref<80xi32, #tpu.memory_space<vmem>>
        %dma_start3A_49 = tpu.memref_slice %arg26[%multiple_of3A] : memref<10240xi32, #tpu.memory_space<vmem_shared>> -> memref<80xi32, #tpu.memory_space<vmem_shared>>
        tpu.enqueue_dma source(%dma_start3A_49 : memref<80xi32, #tpu.memory_space<vmem_shared>>) target(%dma_start3A_48 : memref<80xi32, #tpu.memory_space<vmem>>) target_semaphore(%run_scoped3A : memref<!tpu.dma_semaphore, #tpu.memory_space<semaphore_mem>>)
        %dma_wait3A_50 = arith.constant 0 : i32
        %dma_wait3A_51 = tpu.memref_slice %arg17[%dma_wait3A_50] : memref<96xi32, #tpu.memory_space<vmem>> -> memref<80xi32, #tpu.memory_space<vmem>>
        %dma_wait3A_52 = tpu.memref_slice %arg26[%multiple_of3A] : memref<10240xi32, #tpu.memory_space<vmem_shared>> -> memref<80xi32, #tpu.memory_space<vmem_shared>>
        %dma_wait3A_53 = arith.constant 0 : i32
        %dma_wait3A_54 = tpu.memref_slice %arg17[%dma_wait3A_53] : memref<96xi32, #tpu.memory_space<vmem>> -> memref<80xi32, #tpu.memory_space<vmem>>
        %dma_wait3A_55 = tpu.memref_slice %arg26[%multiple_of3A] : memref<10240xi32, #tpu.memory_space<vmem_shared>> -> memref<80xi32, #tpu.memory_space<vmem_shared>>
        tpu.wait_dma2 semaphore(%run_scoped3A : memref<!tpu.dma_semaphore, #tpu.memory_space<semaphore_mem>>) src(%dma_wait3A_55 : memref<80xi32, #tpu.memory_space<vmem_shared>>) dst(%dma_wait3A_54 : memref<80xi32, #tpu.memory_space<vmem>>)
        tpu.yield
      }) : () -> ()
      "tpu.region"() ({
        %run_scoped3A = tpu.sem_alloc : memref<!tpu.dma_semaphore, #tpu.memory_space<semaphore_mem>>
        %dma_start3A_44 = arith.constant 0 : i32
        %dma_start3A_45 = tpu.memref_slice %arg18[%dma_start3A_44] : memref<96xi32, #tpu.memory_space<vmem>> -> memref<80xi32, #tpu.memory_space<vmem>>
        %dma_start3A_46 = tpu.memref_slice %arg27[%multiple_of3A] : memref<10240xi32, #tpu.memory_space<vmem_shared>> -> memref<80xi32, #tpu.memory_space<vmem_shared>>
        %dma_start3A_47 = arith.constant 0 : i32
        %dma_start3A_48 = tpu.memref_slice %arg18[%dma_start3A_47] : memref<96xi32, #tpu.memory_space<vmem>> -> memref<80xi32, #tpu.memory_space<vmem>>
        %dma_start3A_49 = tpu.memref_slice %arg27[%multiple_of3A] : memref<10240xi32, #tpu.memory_space<vmem_shared>> -> memref<80xi32, #tpu.memory_space<vmem_shared>>
        tpu.enqueue_dma source(%dma_start3A_49 : memref<80xi32, #tpu.memory_space<vmem_shared>>) target(%dma_start3A_48 : memref<80xi32, #tpu.memory_space<vmem>>) target_semaphore(%run_scoped3A : memref<!tpu.dma_semaphore, #tpu.memory_space<semaphore_mem>>)
        %dma_wait3A_50 = arith.constant 0 : i32
        %dma_wait3A_51 = tpu.memref_slice %arg18[%dma_wait3A_50] : memref<96xi32, #tpu.memory_space<vmem>> -> memref<80xi32, #tpu.memory_space<vmem>>
        %dma_wait3A_52 = tpu.memref_slice %arg27[%multiple_of3A] : memref<10240xi32, #tpu.memory_space<vmem_shared>> -> memref<80xi32, #tpu.memory_space<vmem_shared>>
        %dma_wait3A_53 = arith.constant 0 : i32
        %dma_wait3A_54 = tpu.memref_slice %arg18[%dma_wait3A_53] : memref<96xi32, #tpu.memory_space<vmem>> -> memref<80xi32, #tpu.memory_space<vmem>>
        %dma_wait3A_55 = tpu.memref_slice %arg27[%multiple_of3A] : memref<10240xi32, #tpu.memory_space<vmem_shared>> -> memref<80xi32, #tpu.memory_space<vmem_shared>>
        tpu.wait_dma2 semaphore(%run_scoped3A : memref<!tpu.dma_semaphore, #tpu.memory_space<semaphore_mem>>) src(%dma_wait3A_55 : memref<80xi32, #tpu.memory_space<vmem_shared>>) dst(%dma_wait3A_54 : memref<80xi32, #tpu.memory_space<vmem>>)
        tpu.yield
      }) : () -> ()
      %scan3A = arith.constant 0 : i32
      %scan3A_20 = arith.constant 0 : i32
      %scan3A_21 = arith.constant 5 : i32
      %scan3A_22 = arith.addi %scan3A_20, %scan3A_21 : i32
      %scan3A_23 = arith.constant 1 : i32
      %scan3A_24 = scf.for %scan3A_44 = %scan3A_20 to %scan3A_22 step %scan3A_23 iter_args(%scan3A_45 = %scan3A) -> (i32)  : i32 {
        %mul3A_46 = arith.constant 16 : i32
        %mul3A_47 = arith.muli %scan3A_44, %mul3A_46 : i32
        %get3A = arith.index_cast %mul3A_47 : i32 to index
        %get3A_48 = tpu.vector_load %arg17[%get3A] {strides = array<i32>} : memref<96xi32, #tpu.memory_space<vmem>>, vector<16xi32>,
        %max3A = arith.constant 0 : i32
        %max3A_49 = vector.broadcast %max3A : i32 to vector<16xi32>
        %max3A_50 = arith.maxsi %get3A_48, %max3A_49 : vector<16xi32>
        %swap3A = arith.index_cast %mul3A_47 : i32 to index
        %swap3A_51 = tpu.vector_load %arg19[%swap3A] {strides = array<i32>} : memref<80xi32, #tpu.memory_space<vmem>>, vector<16xi32>,
        tpu.vector_store %arg19[%swap3A], %max3A_50 {strides = array<i32>} : memref<80xi32, #tpu.memory_space<vmem>>, vector<16xi32>,
        %get3A_52 = arith.index_cast %mul3A_47 : i32 to index
        %get3A_53 = tpu.vector_load %arg18[%get3A_52] {strides = array<i32>} : memref<96xi32, #tpu.memory_space<vmem>>, vector<16xi32>,
        %max3A_54 = arith.constant 0 : i32
        %max3A_55 = vector.broadcast %max3A_54 : i32 to vector<16xi32>
        %max3A_56 = arith.maxsi %get3A_53, %max3A_55 : vector<16xi32>
        %swap3A_57 = arith.index_cast %mul3A_47 : i32 to index
        %swap3A_58 = tpu.vector_load %arg20[%swap3A_57] {strides = array<i32>} : memref<80xi32, #tpu.memory_space<vmem>>, vector<16xi32>,
        tpu.vector_store %arg20[%swap3A_57], %max3A_56 {strides = array<i32>} : memref<80xi32, #tpu.memory_space<vmem>>, vector<16xi32>,
        %scan3A_59 = arith.constant 0 : i32
        scf.yield %scan3A_59 : i32
      }
      %scan3A_25 = arith.constant 5 : i32
      %dma_start3A = arith.constant 0 : i32
      %dma_start3A_26 = arith.constant 0 : i32
      %dma_start3A_27 = tpu.memref_slice %arg7[%dma_start3A, %dma_start3A_26] : memref<10000x128xf32, #tpu.memory_space<hbm>> -> memref<10000x128xf32, #tpu.memory_space<hbm>>
      tpu.enqueue_indirect_dma source(%dma_start3A_27 : memref<10000x128xf32, #tpu.memory_space<hbm>>) target(%arg21 : memref<80x128xf32, #tpu.memory_space<vmem>>) offsets(%arg19 : memref<80xi32, #tpu.memory_space<vmem>>) semaphore(%arg24 : memref<!tpu.dma_semaphore, #tpu.memory_space<semaphore_mem>>)
      %dma_start3A_28 = arith.constant 0 : i32
      %dma_start3A_29 = arith.constant 0 : i32
      %dma_start3A_30 = tpu.memref_slice %arg7[%dma_start3A_28, %dma_start3A_29] : memref<10000x128xf32, #tpu.memory_space<hbm>> -> memref<10000x128xf32, #tpu.memory_space<hbm>>
      tpu.enqueue_indirect_dma source(%dma_start3A_30 : memref<10000x128xf32, #tpu.memory_space<hbm>>) target(%arg22 : memref<80x128xf32, #tpu.memory_space<vmem>>) offsets(%arg20 : memref<80xi32, #tpu.memory_space<vmem>>) semaphore(%arg25 : memref<!tpu.dma_semaphore, #tpu.memory_space<semaphore_mem>>)
      %dma_wait3A = arith.constant 0 : i32
      %dma_wait3A_31 = arith.constant 0 : i32
      %dma_wait3A_32 = tpu.memref_slice %arg7[%dma_wait3A, %dma_wait3A_31] : memref<10000x128xf32, #tpu.memory_space<hbm>> -> memref<10000x128xf32, #tpu.memory_space<hbm>>
      tpu.wait_indirect_dma semaphore(%arg24 : memref<!tpu.dma_semaphore, #tpu.memory_space<semaphore_mem>>) src(%dma_wait3A_32 : memref<10000x128xf32, #tpu.memory_space<hbm>>) dst(%arg21 : memref<80x128xf32, #tpu.memory_space<vmem>>)
      %dma_wait3A_33 = arith.constant 0 : i32
      %dma_wait3A_34 = arith.constant 0 : i32
      %dma_wait3A_35 = tpu.memref_slice %arg7[%dma_wait3A_33, %dma_wait3A_34] : memref<10000x128xf32, #tpu.memory_space<hbm>> -> memref<10000x128xf32, #tpu.memory_space<hbm>>
      tpu.wait_indirect_dma semaphore(%arg25 : memref<!tpu.dma_semaphore, #tpu.memory_space<semaphore_mem>>) src(%dma_wait3A_35 : memref<10000x128xf32, #tpu.memory_space<hbm>>) dst(%arg22 : memref<80x128xf32, #tpu.memory_space<vmem>>)
      %scan3A_36 = arith.constant 0 : i32
      %scan3A_37 = arith.constant 0 : i32
      %scan3A_38 = arith.constant 80 : i32
      %scan3A_39 = arith.addi %scan3A_37, %scan3A_38 : i32
      %scan3A_40 = arith.constant 1 : i32
      %scan3A_41 = scf.for %scan3A_44 = %scan3A_37 to %scan3A_39 step %scan3A_40 iter_args(%scan3A_45 = %scan3A_36) -> (i32)  : i32 {
        %get3A = arith.index_cast %scan3A_44 : i32 to index
        %get3A_46 = tpu.vector_load %arg17[%get3A] {strides = array<i32>} : memref<96xi32, #tpu.memory_space<vmem>>, vector<16xi32>,
        %slice3A = vector.extract_strided_slice %get3A_46 {offsets = [0], sizes = [1], strides = [1]} : vector<16xi32> to vector<1xi32>
        %squeeze3A = vector.extract %slice3A[0] : i32 from vector<1xi32>
        %get3A_47 = arith.index_cast %scan3A_44 : i32 to index
        %get3A_48 = tpu.vector_load %arg18[%get3A_47] {strides = array<i32>} : memref<96xi32, #tpu.memory_space<vmem>>, vector<16xi32>,
        %slice3A_49 = vector.extract_strided_slice %get3A_48 {offsets = [0], sizes = [1], strides = [1]} : vector<16xi32> to vector<1xi32>
        %squeeze3A_50 = vector.extract %slice3A_49[0] : i32 from vector<1xi32>
        %ge3A = arith.constant 0 : i32
        %ge3A_51 = arith.cmpi sge, %squeeze3A, %ge3A : i32
        %jit3A_52 = arith.constant 1.000000e+00 : f32
        %jit3A_53 = arith.constant 0.000000e+00 : f32
        %select_n3A_54 = arith.select %ge3A_51, %jit3A_52, %jit3A_53 : f32
        %ge3A_55 = arith.constant 0 : i32
        %ge3A_56 = arith.cmpi sge, %squeeze3A_50, %ge3A_55 : i32
        %jit3A_57 = arith.constant 1.000000e+00 : f32
        %jit3A_58 = arith.constant 0.000000e+00 : f32
        %select_n3A_59 = arith.select %ge3A_56, %jit3A_57, %jit3A_58 : f32
        %scan3A_60 = arith.constant 0 : i32
        %scan3A_61 = arith.constant 0 : i32
        %scan3A_62 = arith.constant 8 : i32
        %scan3A_63 = arith.addi %scan3A_61, %scan3A_62 : i32
        %scan3A_64 = arith.constant 1 : i32
        %scan3A_65 = scf.for %scan3A_68 = %scan3A_61 to %scan3A_63 step %scan3A_64 iter_args(%scan3A_69 = %scan3A_60) -> (i32)  : i32 {
          %mul3A_70 = arith.constant 16 : i32
          %mul3A_71 = arith.muli %scan3A_68, %mul3A_70 : i32
          %get3A_72 = arith.index_cast %scan3A_44 : i32 to index
          %get3A_73 = arith.index_cast %mul3A_71 : i32 to index
          %get3A_74 = tpu.vector_load %arg21[%get3A_72, %get3A_73] {strides = array<i32>} : memref<80x128xf32, #tpu.memory_space<vmem>>, vector<16xf32>,
          %mul3A_75 = vector.broadcast %select_n3A_54 : f32 to vector<16xf32>
          %mul3A_76 = arith.mulf %get3A_74, %mul3A_75 : vector<16xf32>
          %get3A_77 = arith.index_cast %scan3A_44 : i32 to index
          %get3A_78 = arith.index_cast %mul3A_71 : i32 to index
          %get3A_79 = tpu.vector_load %arg22[%get3A_77, %get3A_78] {strides = array<i32>} : memref<80x128xf32, #tpu.memory_space<vmem>>, vector<16xf32>,
          %mul3A_80 = vector.broadcast %select_n3A_59 : f32 to vector<16xf32>
          %mul3A_81 = arith.mulf %get3A_79, %mul3A_80 : vector<16xf32>
          %add3A_82 = arith.addf %mul3A_76, %mul3A_81 : vector<16xf32>
          %swap3A = arith.index_cast %scan3A_44 : i32 to index
          %swap3A_83 = arith.index_cast %mul3A_71 : i32 to index
          %swap3A_84 = tpu.vector_load %arg23[%swap3A, %swap3A_83] {strides = array<i32>} : memref<80x128xf32, #tpu.memory_space<vmem>>, vector<16xf32>,
          tpu.vector_store %arg23[%swap3A, %swap3A_83], %add3A_82 {strides = array<i32>} : memref<80x128xf32, #tpu.memory_space<vmem>>, vector<16xf32>,
          %scan3A_85 = arith.constant 0 : i32
          scf.yield %scan3A_85 : i32
        }
        %scan3A_66 = arith.constant 8 : i32
        %scan3A_67 = arith.constant 0 : i32
        scf.yield %scan3A_67 : i32
      }
      %scan3A_42 = arith.constant 80 : i32
      "tpu.region"() ({
        %run_scoped3A = tpu.sem_alloc : memref<!tpu.dma_semaphore, #tpu.memory_space<semaphore_mem>>
        %dma_start3A_44 = arith.constant 0 : i32
        %dma_start3A_45 = tpu.memref_slice %arg8[%multiple_of3A, %dma_start3A_44] : memref<10000x128xf32, #tpu.memory_space<hbm>> -> memref<80x128xf32, #tpu.memory_space<hbm>>
        %dma_start3A_46 = arith.constant 0 : i32
        %dma_start3A_47 = tpu.memref_slice %arg8[%multiple_of3A, %dma_start3A_46] : memref<10000x128xf32, #tpu.memory_space<hbm>> -> memref<80x128xf32, #tpu.memory_space<hbm>>
        tpu.enqueue_dma source(%arg23 : memref<80x128xf32, #tpu.memory_space<vmem>>) target(%dma_start3A_47 : memref<80x128xf32, #tpu.memory_space<hbm>>) target_semaphore(%run_scoped3A : memref<!tpu.dma_semaphore, #tpu.memory_space<semaphore_mem>>)
        %dma_wait3A_48 = arith.constant 0 : i32
        %dma_wait3A_49 = tpu.memref_slice %arg8[%multiple_of3A, %dma_wait3A_48] : memref<10000x128xf32, #tpu.memory_space<hbm>> -> memref<80x128xf32, #tpu.memory_space<hbm>>
        %dma_wait3A_50 = arith.constant 0 : i32
        %dma_wait3A_51 = tpu.memref_slice %arg8[%multiple_of3A, %dma_wait3A_50] : memref<10000x128xf32, #tpu.memory_space<hbm>> -> memref<80x128xf32, #tpu.memory_space<hbm>>
        tpu.wait_dma2 semaphore(%run_scoped3A : memref<!tpu.dma_semaphore, #tpu.memory_space<semaphore_mem>>) src(%arg23 : memref<80x128xf32, #tpu.memory_space<vmem>>) dst(%dma_wait3A_51 : memref<80x128xf32, #tpu.memory_space<hbm>>)
        tpu.yield
      }) : () -> ()
      %while3A_43 = arith.constant 0 : i32
      scf.yield %while3A_43 : i32
    }
    return
  }
}

module attributes {stable_mosaic.version = 14 : i64} {
  func.func @_hnode_body(%arg0: memref<10000x1xf32, #tpu.memory_space<vmem>>, %arg1: memref<10000x1xf32, #tpu.memory_space<vmem>>, %arg2: memref<10000x1xf32, #tpu.memory_space<vmem>>) attributes {dimension_semantics = [], scalar_prefetch = 0 : i64, scratch_operands = 0 : i64, tpu.core_type = #tpu.core_type<tc>} {
    %get3A = arith.constant 0 : index
    %get3A_0 = arith.constant 0 : index
    %get3A_1 = vector.load %arg0[%get3A, %get3A_0] : memref<10000x1xf32, #tpu.memory_space<vmem>>, vector<10000x1xf32>
    %get3A_2 = arith.constant 0 : index
    %get3A_3 = arith.constant 0 : index
    %get3A_4 = vector.load %arg1[%get3A_2, %get3A_3] : memref<10000x1xf32, #tpu.memory_space<vmem>>, vector<10000x1xf32>
    %max3A = arith.maximumf %get3A_1, %get3A_4 : vector<10000x1xf32>
    %sub3A = arith.subf %get3A_1, %max3A : vector<10000x1xf32>
    %exp3A = math.exp %sub3A : vector<10000x1xf32>
    %sub3A_5 = arith.subf %get3A_4, %max3A : vector<10000x1xf32>
    %exp3A_6 = math.exp %sub3A_5 : vector<10000x1xf32>
    %add3A = arith.addf %exp3A, %exp3A_6 : vector<10000x1xf32>
    %div3A = arith.divf %exp3A, %add3A : vector<10000x1xf32>
    %jit3A = arith.constant 9.99999996E-13 : f32
    %jit3A_7 = arith.constant 1.000000e+00 : f32
    %max3A_8 = vector.broadcast %jit3A : f32 to vector<10000x1xf32>
    %max3A_9 = arith.maximumf %max3A_8, %div3A : vector<10000x1xf32>
    %min3A = vector.broadcast %jit3A_7 : f32 to vector<10000x1xf32>
    %min3A_10 = arith.minimumf %min3A, %max3A_9 : vector<10000x1xf32>
    %div3A_11 = arith.divf %exp3A_6, %add3A : vector<10000x1xf32>
    %jit3A_12 = arith.constant 9.99999996E-13 : f32
    %jit3A_13 = arith.constant 1.000000e+00 : f32
    %max3A_14 = vector.broadcast %jit3A_12 : f32 to vector<10000x1xf32>
    %max3A_15 = arith.maximumf %max3A_14, %div3A_11 : vector<10000x1xf32>
    %min3A_16 = vector.broadcast %jit3A_13 : f32 to vector<10000x1xf32>
    %min3A_17 = arith.minimumf %min3A_16, %max3A_15 : vector<10000x1xf32>
    %div3A_18 = arith.constant 1.000000e+00 : f32
    %div3A_19 = vector.broadcast %div3A_18 : f32 to vector<10000x1xf32>
    %div3A_20 = arith.divf %div3A_19, %min3A_10 : vector<10000x1xf32>
    %log3A = math.log %div3A_20 : vector<10000x1xf32>
    %mul3A = arith.mulf %min3A_10, %log3A : vector<10000x1xf32>
    %div3A_21 = arith.constant 1.000000e+00 : f32
    %div3A_22 = vector.broadcast %div3A_21 : f32 to vector<10000x1xf32>
    %div3A_23 = arith.divf %div3A_22, %min3A_17 : vector<10000x1xf32>
    %log3A_24 = math.log %div3A_23 : vector<10000x1xf32>
    %mul3A_25 = arith.mulf %min3A_17, %log3A_24 : vector<10000x1xf32>
    %add3A_26 = arith.addf %mul3A, %mul3A_25 : vector<10000x1xf32>
    %mul3A_27 = arith.constant 1.010000e+00 : f32
    %mul3A_28 = vector.broadcast %mul3A_27 : f32 to vector<10000x1xf32>
    %mul3A_29 = arith.mulf %add3A_26, %mul3A_28 : vector<10000x1xf32>
    %swap3A = arith.constant 0 : index
    %swap3A_30 = arith.constant 0 : index
    %swap3A_31 = vector.load %arg2[%swap3A, %swap3A_30] : memref<10000x1xf32, #tpu.memory_space<vmem>>, vector<10000x1xf32>
    tpu.vector_store %arg2[%swap3A, %swap3A_30], %mul3A_29 {strides = array<i32>} : memref<10000x1xf32, #tpu.memory_space<vmem>>, vector<10000x1xf32>,
    return
  }
}

module attributes {stable_mosaic.version = 14 : i64} {
  func.func @_escore_body(%arg0: memref<2500x128xf32, #tpu.memory_space<vmem>>, %arg1: memref<2500x128xf32, #tpu.memory_space<vmem>>, %arg2: memref<2500x128xf32, #tpu.memory_space<vmem>>, %arg3: memref<2500x128xf32, #tpu.memory_space<vmem>>, %arg4: memref<2500x128xi32, #tpu.memory_space<vmem>>, %arg5: memref<2500x128xi32, #tpu.memory_space<vmem>>, %arg6: memref<2500x128xf32, #tpu.memory_space<vmem>>) attributes {dimension_semantics = [], scalar_prefetch = 0 : i64, scratch_operands = 0 : i64, tpu.core_type = #tpu.core_type<tc>} {
    %get3A = arith.constant 0 : index
    %get3A_0 = arith.constant 0 : index
    %get3A_1 = vector.load %arg0[%get3A, %get3A_0] : memref<2500x128xf32, #tpu.memory_space<vmem>>, vector<2500x128xf32>
    %get3A_2 = arith.constant 0 : index
    %get3A_3 = arith.constant 0 : index
    %get3A_4 = vector.load %arg1[%get3A_2, %get3A_3] : memref<2500x128xf32, #tpu.memory_space<vmem>>, vector<2500x128xf32>
    %max3A = arith.maximumf %get3A_1, %get3A_4 : vector<2500x128xf32>
    %sub3A = arith.subf %get3A_1, %max3A : vector<2500x128xf32>
    %exp3A = math.exp %sub3A : vector<2500x128xf32>
    %sub3A_5 = arith.subf %get3A_4, %max3A : vector<2500x128xf32>
    %exp3A_6 = math.exp %sub3A_5 : vector<2500x128xf32>
    %add3A = arith.addf %exp3A, %exp3A_6 : vector<2500x128xf32>
    %div3A = arith.divf %exp3A, %add3A : vector<2500x128xf32>
    %jit3A = arith.constant 9.99999996E-13 : f32
    %jit3A_7 = arith.constant 1.000000e+00 : f32
    %max3A_8 = vector.broadcast %jit3A : f32 to vector<2500x128xf32>
    %max3A_9 = arith.maximumf %max3A_8, %div3A : vector<2500x128xf32>
    %min3A = vector.broadcast %jit3A_7 : f32 to vector<2500x128xf32>
    %min3A_10 = arith.minimumf %min3A, %max3A_9 : vector<2500x128xf32>
    %div3A_11 = arith.divf %exp3A_6, %add3A : vector<2500x128xf32>
    %jit3A_12 = arith.constant 9.99999996E-13 : f32
    %jit3A_13 = arith.constant 1.000000e+00 : f32
    %max3A_14 = vector.broadcast %jit3A_12 : f32 to vector<2500x128xf32>
    %max3A_15 = arith.maximumf %max3A_14, %div3A_11 : vector<2500x128xf32>
    %min3A_16 = vector.broadcast %jit3A_13 : f32 to vector<2500x128xf32>
    %min3A_17 = arith.minimumf %min3A_16, %max3A_15 : vector<2500x128xf32>
    %div3A_18 = arith.constant 1.000000e+00 : f32
    %div3A_19 = vector.broadcast %div3A_18 : f32 to vector<2500x128xf32>
    %div3A_20 = arith.divf %div3A_19, %min3A_10 : vector<2500x128xf32>
    %log3A = math.log %div3A_20 : vector<2500x128xf32>
    %mul3A = arith.mulf %min3A_10, %log3A : vector<2500x128xf32>
    %div3A_21 = arith.constant 1.000000e+00 : f32
    %div3A_22 = vector.broadcast %div3A_21 : f32 to vector<2500x128xf32>
    %div3A_23 = arith.divf %div3A_22, %min3A_17 : vector<2500x128xf32>
    %log3A_24 = math.log %div3A_23 : vector<2500x128xf32>
    %mul3A_25 = arith.mulf %min3A_17, %log3A_24 : vector<2500x128xf32>
    %add3A_26 = arith.addf %mul3A, %mul3A_25 : vector<2500x128xf32>
    %mul3A_27 = arith.constant 1.010000e+00 : f32
    %mul3A_28 = vector.broadcast %mul3A_27 : f32 to vector<2500x128xf32>
    %mul3A_29 = arith.mulf %add3A_26, %mul3A_28 : vector<2500x128xf32>
    %get3A_30 = arith.constant 0 : index
    %get3A_31 = arith.constant 0 : index
    %get3A_32 = vector.load %arg2[%get3A_30, %get3A_31] : memref<2500x128xf32, #tpu.memory_space<vmem>>, vector<2500x128xf32>
    %sub3A_33 = arith.subf %get3A_32, %mul3A_29 : vector<2500x128xf32>
    %add3A_34 = arith.constant 2.000000e+00 : f32
    %add3A_35 = vector.broadcast %add3A_34 : f32 to vector<2500x128xf32>
    %add3A_36 = arith.addf %add3A_35, %sub3A_33 : vector<2500x128xf32>
    %get3A_37 = arith.constant 0 : index
    %get3A_38 = arith.constant 0 : index
    %get3A_39 = vector.load %arg3[%get3A_37, %get3A_38] : memref<2500x128xf32, #tpu.memory_space<vmem>>, vector<2500x128xf32>
    %sub3A_40 = arith.subf %get3A_39, %mul3A_29 : vector<2500x128xf32>
    %add3A_41 = arith.constant 2.000000e+00 : f32
    %add3A_42 = vector.broadcast %add3A_41 : f32 to vector<2500x128xf32>
    %add3A_43 = arith.addf %add3A_42, %sub3A_40 : vector<2500x128xf32>
    %mul3A_44 = arith.mulf %add3A_36, %add3A_43 : vector<2500x128xf32>
    %get3A_45 = arith.constant 0 : index
    %get3A_46 = arith.constant 0 : index
    %get3A_47 = vector.load %arg4[%get3A_45, %get3A_46] : memref<2500x128xi32, #tpu.memory_space<vmem>>, vector<2500x128xi32>
    %get3A_48 = arith.constant 0 : index
    %get3A_49 = arith.constant 0 : index
    %get3A_50 = vector.load %arg5[%get3A_48, %get3A_49] : memref<2500x128xi32, #tpu.memory_space<vmem>>, vector<2500x128xi32>
    %ne3A = arith.cmpi ne, %get3A_47, %get3A_50 : vector<2500x128xi32>
    %jit3A_51 = arith.constant 0xFF800000 : f32
    %broadcast_in_dim3A = vector.broadcast %jit3A_51 : f32 to vector<2500x128xf32>
    %select_n3A = arith.select %ne3A, %mul3A_44, %broadcast_in_dim3A : vector<2500x128xi1>, vector<2500x128xf32>
    %swap3A = arith.constant 0 : index
    %swap3A_52 = arith.constant 0 : index
    %swap3A_53 = vector.load %arg6[%swap3A, %swap3A_52] : memref<2500x128xf32, #tpu.memory_space<vmem>>, vector<2500x128xf32>
    tpu.vector_store %arg6[%swap3A, %swap3A_52], %select_n3A {strides = array<i32>} : memref<2500x128xf32, #tpu.memory_space<vmem>>, vector<2500x128xf32>,
    return
  }
}

module attributes {stable_mosaic.version = 14 : i64} {
  func.func @_rank_body(%arg0: memref<1x16xi32, #tpu.memory_space<vmem>>, %arg1: memref<42x128xf32, #tpu.memory_space<vmem>>, %arg2: memref<42x128xi32, #tpu.memory_space<vmem>>, %arg3: memref<5376x1xf32, #tpu.memory_space<vmem>>, %arg4: memref<5376x1xi32, #tpu.memory_space<vmem>>, %arg5: memref<42x128xi32, #tpu.memory_space<vmem>>) attributes {dimension_semantics = [], scalar_prefetch = 0 : i64, scratch_operands = 0 : i64, tpu.core_type = #tpu.core_type<tc>} {
    %get3A = arith.constant 0 : index
    %get3A_0 = arith.constant 0 : index
    %get3A_1 = vector.load %arg0[%get3A, %get3A_0] : memref<1x16xi32, #tpu.memory_space<vmem>>, vector<1x16xi32>
    %add3A = arith.constant 15 : i32
    %add3A_2 = vector.broadcast %add3A : i32 to vector<1x16xi32>
    %add3A_3 = arith.addi %get3A_1, %add3A_2 : vector<1x16xi32>
    %jit3A = arith.constant 16 : i32
    %div3A = vector.broadcast %jit3A : i32 to vector<1x16xi32>
    %div3A_4 = arith.divsi %add3A_3, %div3A : vector<1x16xi32>
    %sign3A = arith.constant 0 : i32
    %sign3A_5 = vector.broadcast %sign3A : i32 to vector<1x16xi32>
    %sign3A_6 = arith.cmpi sgt, %add3A_3, %sign3A_5 : vector<1x16xi32>
    %sign3A_7 = arith.extui %sign3A_6 : vector<1x16xi1> to vector<1x16xi32>
    %sign3A_8 = arith.constant 0 : i32
    %sign3A_9 = vector.broadcast %sign3A_8 : i32 to vector<1x16xi32>
    %sign3A_10 = arith.cmpi slt, %add3A_3, %sign3A_9 : vector<1x16xi32>
    %sign3A_11 = arith.extui %sign3A_10 : vector<1x16xi1> to vector<1x16xi32>
    %sign3A_12 = arith.subi %sign3A_7, %sign3A_11 : vector<1x16xi32>
    %sign3A_13 = arith.constant 0 : i32
    %sign3A_14 = arith.cmpi sgt, %jit3A, %sign3A_13 : i32
    %sign3A_15 = arith.extui %sign3A_14 : i1 to i32
    %sign3A_16 = arith.constant 0 : i32
    %sign3A_17 = arith.cmpi slt, %jit3A, %sign3A_16 : i32
    %sign3A_18 = arith.extui %sign3A_17 : i1 to i32
    %sign3A_19 = arith.subi %sign3A_15, %sign3A_18 : i32
    %ne3A = vector.broadcast %sign3A_19 : i32 to vector<1x16xi32>
    %ne3A_20 = arith.cmpi ne, %sign3A_12, %ne3A : vector<1x16xi32>
    %rem3A = vector.broadcast %jit3A : i32 to vector<1x16xi32>
    %rem3A_21 = arith.remsi %add3A_3, %rem3A : vector<1x16xi32>
    %ne3A_22 = arith.constant 0 : i32
    %ne3A_23 = vector.broadcast %ne3A_22 : i32 to vector<1x16xi32>
    %ne3A_24 = arith.cmpi ne, %rem3A_21, %ne3A_23 : vector<1x16xi32>
    %and3A = arith.andi %ne3A_20, %ne3A_24 : vector<1x16xi1>
    %sub3A = arith.constant 1 : i32
    %sub3A_25 = vector.broadcast %sub3A : i32 to vector<1x16xi32>
    %sub3A_26 = arith.subi %div3A_4, %sub3A_25 : vector<1x16xi32>
    %select_n3A = arith.select %and3A, %sub3A_26, %div3A_4 : vector<1x16xi1>, vector<1x16xi32>
    %mul3A = arith.constant 16 : i32
    %mul3A_27 = vector.broadcast %mul3A : i32 to vector<1x16xi32>
    %mul3A_28 = arith.muli %select_n3A, %mul3A_27 : vector<1x16xi32>
    %reduce_sum3A = vector.shape_cast %mul3A_28 : vector<1x16xi32> to vector<1x1x16xi32>
    %reduce_sum3A_29 = arith.constant dense<0> : vector<1xi32>
    %reduce_sum3A_30 = vector.multi_reduction <add>, %reduce_sum3A, %reduce_sum3A_29 [1, 2] : vector<1x1x16xi32> to vector<1xi32>
    %reduce_sum3A_31 = vector.shape_cast %reduce_sum3A_30 : vector<1xi32> to vector<1x1x1xi32>
    %reduce_sum3A_32 = vector.extract %reduce_sum3A_31[0, 0, 0] : i32 from vector<1x1x1xi32>
    %add3A_33 = arith.constant 127 : i32
    %add3A_34 = arith.addi %reduce_sum3A_32, %add3A_33 : i32
    %jit3A_35 = arith.constant 128 : i32
    %div3A_36 = arith.divsi %add3A_34, %jit3A_35 : i32
    %sign3A_37 = arith.constant 0 : i32
    %sign3A_38 = arith.cmpi sgt, %add3A_34, %sign3A_37 : i32
    %sign3A_39 = arith.extui %sign3A_38 : i1 to i32
    %sign3A_40 = arith.constant 0 : i32
    %sign3A_41 = arith.cmpi slt, %add3A_34, %sign3A_40 : i32
    %sign3A_42 = arith.extui %sign3A_41 : i1 to i32
    %sign3A_43 = arith.subi %sign3A_39, %sign3A_42 : i32
    %sign3A_44 = arith.constant 0 : i32
    %sign3A_45 = arith.cmpi sgt, %jit3A_35, %sign3A_44 : i32
    %sign3A_46 = arith.extui %sign3A_45 : i1 to i32
    %sign3A_47 = arith.constant 0 : i32
    %sign3A_48 = arith.cmpi slt, %jit3A_35, %sign3A_47 : i32
    %sign3A_49 = arith.extui %sign3A_48 : i1 to i32
    %sign3A_50 = arith.subi %sign3A_46, %sign3A_49 : i32
    %ne3A_51 = arith.cmpi ne, %sign3A_43, %sign3A_50 : i32
    %rem3A_52 = arith.remsi %add3A_34, %jit3A_35 : i32
    %ne3A_53 = arith.constant 0 : i32
    %ne3A_54 = arith.cmpi ne, %rem3A_52, %ne3A_53 : i32
    %and3A_55 = arith.andi %ne3A_51, %ne3A_54 : i1
    %sub3A_56 = arith.constant 1 : i32
    %sub3A_57 = arith.subi %div3A_36, %sub3A_56 : i32
    %select_n3A_58 = arith.select %and3A_55, %sub3A_57, %div3A_36 : i32
    %while3A = arith.constant 0 : i32
    %while3A_59 = arith.constant 0 : i32
    %while3A_60 = arith.subi %select_n3A_58, %while3A : i32
    %while3A_61 = arith.addi %while3A, %while3A_60 : i32
    %while3A_62 = arith.constant 1 : i32
    %while3A_63 = arith.divsi %while3A_60, %while3A_62 : i32
    %while3A_64 = arith.muli %while3A_63, %while3A_62 : i32
    %while3A_65 = arith.addi %while3A, %while3A_64 : i32
    %while3A_66 = arith.constant 1 : i32
    %while3A_67 = scf.for %while3A_70 = %while3A to %while3A_65 step %while3A_66 iter_args(%while3A_71 = %while3A_59) -> (i32)  : i32 {
      %get3A_72 = arith.index_cast %while3A_70 : i32 to index
      %get3A_73 = arith.constant 0 : index
      %get3A_74 = vector.load %arg1[%get3A_72, %get3A_73] : memref<42x128xf32, #tpu.memory_space<vmem>>, vector<1x128xf32>
      %get3A_75 = arith.index_cast %while3A_70 : i32 to index
      %get3A_76 = arith.constant 0 : index
      %get3A_77 = vector.load %arg2[%get3A_75, %get3A_76] : memref<42x128xi32, #tpu.memory_space<vmem>>, vector<1x128xi32>
      %broadcast_in_dim3A = arith.constant 0 : i32
      %broadcast_in_dim3A_78 = vector.broadcast %broadcast_in_dim3A : i32 to vector<1x128xi32>
      %while3A_79 = arith.constant 0 : i32
      %while3A_80 = arith.subi %select_n3A_58, %while3A_79 : i32
      %while3A_81 = arith.addi %while3A_79, %while3A_80 : i32
      %while3A_82 = arith.constant 1 : i32
      %while3A_83 = arith.divsi %while3A_80, %while3A_82 : i32
      %while3A_84 = arith.muli %while3A_83, %while3A_82 : i32
      %while3A_85 = arith.addi %while3A_79, %while3A_84 : i32
      %while3A_86 = arith.constant 1 : i32
      %while3A_87 = scf.for %while3A_93 = %while3A_79 to %while3A_85 step %while3A_86 iter_args(%while3A_94 = %broadcast_in_dim3A_78) -> (vector<1x128xi32>)  : i32 {
        %mul3A_95 = arith.constant 128 : i32
        %mul3A_96 = arith.muli %while3A_93, %mul3A_95 : i32
        %get3A_97 = arith.index_cast %mul3A_96 : i32 to index
        %get3A_98 = arith.constant 0 : index
        %get3A_99 = vector.load %arg3[%get3A_97, %get3A_98] : memref<5376x1xf32, #tpu.memory_space<vmem>>, vector<128x1xf32>
        %mul3A_100 = arith.constant 128 : i32
        %mul3A_101 = arith.muli %while3A_93, %mul3A_100 : i32
        %get3A_102 = arith.index_cast %mul3A_101 : i32 to index
        %get3A_103 = arith.constant 0 : index
        %get3A_104 = vector.load %arg4[%get3A_102, %get3A_103] : memref<5376x1xi32, #tpu.memory_space<vmem>>, vector<128x1xi32>
        %mul3A_105 = arith.constant 128 : i32
        %mul3A_106 = arith.muli %while3A_93, %mul3A_105 : i32
        %iota3A = tpu.iota {dimensions = array<i32: 0>} : vector<128x1xi32>
        %add3A_107 = vector.broadcast %mul3A_106 : i32 to vector<128x1xi32>
        %add3A_108 = arith.addi %add3A_107, %iota3A : vector<128x1xi32>
        %lt3A = vector.broadcast %reduce_sum3A_32 : i32 to vector<128x1xi32>
        %lt3A_109 = arith.cmpi slt, %add3A_108, %lt3A : vector<128x1xi32>
        %gt3A = arith.constant 0.000000e+00 : f32
        %gt3A_110 = vector.broadcast %gt3A : f32 to vector<128x1xf32>
        %gt3A_111 = arith.cmpf ogt, %get3A_99, %gt3A_110 : vector<128x1xf32>
        %and3A_112 = arith.andi %lt3A_109, %gt3A_111 : vector<128x1xi1>
        %gt3A_113 = vector.broadcast %get3A_99 : vector<128x1xf32> to vector<128x128xf32>
        %gt3A_114 = vector.broadcast %get3A_74 : vector<1x128xf32> to vector<128x128xf32>
        %gt3A_115 = arith.cmpf ogt, %gt3A_113, %gt3A_114 : vector<128x128xf32>
        %eq3A = vector.broadcast %get3A_99 : vector<128x1xf32> to vector<128x128xf32>
        %eq3A_116 = vector.broadcast %get3A_74 : vector<1x128xf32> to vector<128x128xf32>
        %eq3A_117 = arith.cmpf oeq, %eq3A, %eq3A_116 : vector<128x128xf32>
        %lt3A_118 = vector.broadcast %get3A_104 : vector<128x1xi32> to vector<128x128xi32>
        %lt3A_119 = vector.broadcast %get3A_77 : vector<1x128xi32> to vector<128x128xi32>
        %lt3A_120 = arith.cmpi slt, %lt3A_118, %lt3A_119 : vector<128x128xi32>
        %and3A_121 = arith.andi %eq3A_117, %lt3A_120 : vector<128x128xi1>
        %or3A = arith.ori %gt3A_115, %and3A_121 : vector<128x128xi1>
        %and3A_122 = vector.broadcast %and3A_112 : vector<128x1xi1> to vector<128x128xi1>
        %and3A_123 = arith.andi %or3A, %and3A_122 : vector<128x128xi1>
        %convert_element_type3A = arith.extui %and3A_123 : vector<128x128xi1> to vector<128x128xi32>
        %reduce_sum3A_124 = arith.constant dense<0> : vector<128xi32>
        %reduce_sum3A_125 = vector.multi_reduction <add>, %convert_element_type3A, %reduce_sum3A_124 [0] : vector<128x128xi32> to vector<128xi32>
        %broadcast_in_dim3A_126 = vector.shape_cast %reduce_sum3A_125 : vector<128xi32> to vector<1x128xi32>
        %add3A_127 = arith.addi %while3A_94, %broadcast_in_dim3A_126 : vector<1x128xi32>
        scf.yield %add3A_127 : vector<1x128xi32>
      }
      %while3A_88 = arith.constant 1 : i32
      %while3A_89 = scf.for %while3A_93 = %while3A_85 to %while3A_81 step %while3A_88 iter_args(%while3A_94 = %while3A_87) -> (vector<1x128xi32>)  : i32 {
        %mul3A_95 = arith.constant 128 : i32
        %mul3A_96 = arith.muli %while3A_93, %mul3A_95 : i32
        %get3A_97 = arith.index_cast %mul3A_96 : i32 to index
        %get3A_98 = arith.constant 0 : index
        %get3A_99 = vector.load %arg3[%get3A_97, %get3A_98] : memref<5376x1xf32, #tpu.memory_space<vmem>>, vector<128x1xf32>
        %mul3A_100 = arith.constant 128 : i32
        %mul3A_101 = arith.muli %while3A_93, %mul3A_100 : i32
        %get3A_102 = arith.index_cast %mul3A_101 : i32 to index
        %get3A_103 = arith.constant 0 : index
        %get3A_104 = vector.load %arg4[%get3A_102, %get3A_103] : memref<5376x1xi32, #tpu.memory_space<vmem>>, vector<128x1xi32>
        %mul3A_105 = arith.constant 128 : i32
        %mul3A_106 = arith.muli %while3A_93, %mul3A_105 : i32
        %iota3A = tpu.iota {dimensions = array<i32: 0>} : vector<128x1xi32>
        %add3A_107 = vector.broadcast %mul3A_106 : i32 to vector<128x1xi32>
        %add3A_108 = arith.addi %add3A_107, %iota3A : vector<128x1xi32>
        %lt3A = vector.broadcast %reduce_sum3A_32 : i32 to vector<128x1xi32>
        %lt3A_109 = arith.cmpi slt, %add3A_108, %lt3A : vector<128x1xi32>
        %gt3A = arith.constant 0.000000e+00 : f32
        %gt3A_110 = vector.broadcast %gt3A : f32 to vector<128x1xf32>
        %gt3A_111 = arith.cmpf ogt, %get3A_99, %gt3A_110 : vector<128x1xf32>
        %and3A_112 = arith.andi %lt3A_109, %gt3A_111 : vector<128x1xi1>
        %gt3A_113 = vector.broadcast %get3A_99 : vector<128x1xf32> to vector<128x128xf32>
        %gt3A_114 = vector.broadcast %get3A_74 : vector<1x128xf32> to vector<128x128xf32>
        %gt3A_115 = arith.cmpf ogt, %gt3A_113, %gt3A_114 : vector<128x128xf32>
        %eq3A = vector.broadcast %get3A_99 : vector<128x1xf32> to vector<128x128xf32>
        %eq3A_116 = vector.broadcast %get3A_74 : vector<1x128xf32> to vector<128x128xf32>
        %eq3A_117 = arith.cmpf oeq, %eq3A, %eq3A_116 : vector<128x128xf32>
        %lt3A_118 = vector.broadcast %get3A_104 : vector<128x1xi32> to vector<128x128xi32>
        %lt3A_119 = vector.broadcast %get3A_77 : vector<1x128xi32> to vector<128x128xi32>
        %lt3A_120 = arith.cmpi slt, %lt3A_118, %lt3A_119 : vector<128x128xi32>
        %and3A_121 = arith.andi %eq3A_117, %lt3A_120 : vector<128x128xi1>
        %or3A = arith.ori %gt3A_115, %and3A_121 : vector<128x128xi1>
        %and3A_122 = vector.broadcast %and3A_112 : vector<128x1xi1> to vector<128x128xi1>
        %and3A_123 = arith.andi %or3A, %and3A_122 : vector<128x128xi1>
        %convert_element_type3A = arith.extui %and3A_123 : vector<128x128xi1> to vector<128x128xi32>
        %reduce_sum3A_124 = arith.constant dense<0> : vector<128xi32>
        %reduce_sum3A_125 = vector.multi_reduction <add>, %convert_element_type3A, %reduce_sum3A_124 [0] : vector<128x128xi32> to vector<128xi32>
        %broadcast_in_dim3A_126 = vector.shape_cast %reduce_sum3A_125 : vector<128xi32> to vector<1x128xi32>
        %add3A_127 = arith.addi %while3A_94, %broadcast_in_dim3A_126 : vector<1x128xi32>
        scf.yield %add3A_127 : vector<1x128xi32>
      }
      %swap3A = arith.index_cast %while3A_70 : i32 to index
      %swap3A_90 = arith.constant 0 : index
      %swap3A_91 = vector.load %arg5[%swap3A, %swap3A_90] : memref<42x128xi32, #tpu.memory_space<vmem>>, vector<1x128xi32>
      tpu.vector_store %arg5[%swap3A, %swap3A_90], %while3A_89 {strides = array<i32>} : memref<42x128xi32, #tpu.memory_space<vmem>>, vector<1x128xi32>,
      %while3A_92 = arith.constant 0 : i32
      scf.yield %while3A_92 : i32
    }
    %while3A_68 = arith.constant 1 : i32
    %while3A_69 = scf.for %while3A_70 = %while3A_65 to %while3A_61 step %while3A_68 iter_args(%while3A_71 = %while3A_67) -> (i32)  : i32 {
      %get3A_72 = arith.index_cast %while3A_70 : i32 to index
      %get3A_73 = arith.constant 0 : index
      %get3A_74 = vector.load %arg1[%get3A_72, %get3A_73] : memref<42x128xf32, #tpu.memory_space<vmem>>, vector<1x128xf32>
      %get3A_75 = arith.index_cast %while3A_70 : i32 to index
      %get3A_76 = arith.constant 0 : index
      %get3A_77 = vector.load %arg2[%get3A_75, %get3A_76] : memref<42x128xi32, #tpu.memory_space<vmem>>, vector<1x128xi32>
      %broadcast_in_dim3A = arith.constant 0 : i32
      %broadcast_in_dim3A_78 = vector.broadcast %broadcast_in_dim3A : i32 to vector<1x128xi32>
      %while3A_79 = arith.constant 0 : i32
      %while3A_80 = arith.subi %select_n3A_58, %while3A_79 : i32
      %while3A_81 = arith.addi %while3A_79, %while3A_80 : i32
      %while3A_82 = arith.constant 1 : i32
      %while3A_83 = arith.divsi %while3A_80, %while3A_82 : i32
      %while3A_84 = arith.muli %while3A_83, %while3A_82 : i32
      %while3A_85 = arith.addi %while3A_79, %while3A_84 : i32
      %while3A_86 = arith.constant 1 : i32
      %while3A_87 = scf.for %while3A_93 = %while3A_79 to %while3A_85 step %while3A_86 iter_args(%while3A_94 = %broadcast_in_dim3A_78) -> (vector<1x128xi32>)  : i32 {
        %mul3A_95 = arith.constant 128 : i32
        %mul3A_96 = arith.muli %while3A_93, %mul3A_95 : i32
        %get3A_97 = arith.index_cast %mul3A_96 : i32 to index
        %get3A_98 = arith.constant 0 : index
        %get3A_99 = vector.load %arg3[%get3A_97, %get3A_98] : memref<5376x1xf32, #tpu.memory_space<vmem>>, vector<128x1xf32>
        %mul3A_100 = arith.constant 128 : i32
        %mul3A_101 = arith.muli %while3A_93, %mul3A_100 : i32
        %get3A_102 = arith.index_cast %mul3A_101 : i32 to index
        %get3A_103 = arith.constant 0 : index
        %get3A_104 = vector.load %arg4[%get3A_102, %get3A_103] : memref<5376x1xi32, #tpu.memory_space<vmem>>, vector<128x1xi32>
        %mul3A_105 = arith.constant 128 : i32
        %mul3A_106 = arith.muli %while3A_93, %mul3A_105 : i32
        %iota3A = tpu.iota {dimensions = array<i32: 0>} : vector<128x1xi32>
        %add3A_107 = vector.broadcast %mul3A_106 : i32 to vector<128x1xi32>
        %add3A_108 = arith.addi %add3A_107, %iota3A : vector<128x1xi32>
        %lt3A = vector.broadcast %reduce_sum3A_32 : i32 to vector<128x1xi32>
        %lt3A_109 = arith.cmpi slt, %add3A_108, %lt3A : vector<128x1xi32>
        %gt3A = arith.constant 0.000000e+00 : f32
        %gt3A_110 = vector.broadcast %gt3A : f32 to vector<128x1xf32>
        %gt3A_111 = arith.cmpf ogt, %get3A_99, %gt3A_110 : vector<128x1xf32>
        %and3A_112 = arith.andi %lt3A_109, %gt3A_111 : vector<128x1xi1>
        %gt3A_113 = vector.broadcast %get3A_99 : vector<128x1xf32> to vector<128x128xf32>
        %gt3A_114 = vector.broadcast %get3A_74 : vector<1x128xf32> to vector<128x128xf32>
        %gt3A_115 = arith.cmpf ogt, %gt3A_113, %gt3A_114 : vector<128x128xf32>
        %eq3A = vector.broadcast %get3A_99 : vector<128x1xf32> to vector<128x128xf32>
        %eq3A_116 = vector.broadcast %get3A_74 : vector<1x128xf32> to vector<128x128xf32>
        %eq3A_117 = arith.cmpf oeq, %eq3A, %eq3A_116 : vector<128x128xf32>
        %lt3A_118 = vector.broadcast %get3A_104 : vector<128x1xi32> to vector<128x128xi32>
        %lt3A_119 = vector.broadcast %get3A_77 : vector<1x128xi32> to vector<128x128xi32>
        %lt3A_120 = arith.cmpi slt, %lt3A_118, %lt3A_119 : vector<128x128xi32>
        %and3A_121 = arith.andi %eq3A_117, %lt3A_120 : vector<128x128xi1>
        %or3A = arith.ori %gt3A_115, %and3A_121 : vector<128x128xi1>
        %and3A_122 = vector.broadcast %and3A_112 : vector<128x1xi1> to vector<128x128xi1>
        %and3A_123 = arith.andi %or3A, %and3A_122 : vector<128x128xi1>
        %convert_element_type3A = arith.extui %and3A_123 : vector<128x128xi1> to vector<128x128xi32>
        %reduce_sum3A_124 = arith.constant dense<0> : vector<128xi32>
        %reduce_sum3A_125 = vector.multi_reduction <add>, %convert_element_type3A, %reduce_sum3A_124 [0] : vector<128x128xi32> to vector<128xi32>
        %broadcast_in_dim3A_126 = vector.shape_cast %reduce_sum3A_125 : vector<128xi32> to vector<1x128xi32>
        %add3A_127 = arith.addi %while3A_94, %broadcast_in_dim3A_126 : vector<1x128xi32>
        scf.yield %add3A_127 : vector<1x128xi32>
      }
      %while3A_88 = arith.constant 1 : i32
      %while3A_89 = scf.for %while3A_93 = %while3A_85 to %while3A_81 step %while3A_88 iter_args(%while3A_94 = %while3A_87) -> (vector<1x128xi32>)  : i32 {
        %mul3A_95 = arith.constant 128 : i32
        %mul3A_96 = arith.muli %while3A_93, %mul3A_95 : i32
        %get3A_97 = arith.index_cast %mul3A_96 : i32 to index
        %get3A_98 = arith.constant 0 : index
        %get3A_99 = vector.load %arg3[%get3A_97, %get3A_98] : memref<5376x1xf32, #tpu.memory_space<vmem>>, vector<128x1xf32>
        %mul3A_100 = arith.constant 128 : i32
        %mul3A_101 = arith.muli %while3A_93, %mul3A_100 : i32
        %get3A_102 = arith.index_cast %mul3A_101 : i32 to index
        %get3A_103 = arith.constant 0 : index
        %get3A_104 = vector.load %arg4[%get3A_102, %get3A_103] : memref<5376x1xi32, #tpu.memory_space<vmem>>, vector<128x1xi32>
        %mul3A_105 = arith.constant 128 : i32
        %mul3A_106 = arith.muli %while3A_93, %mul3A_105 : i32
        %iota3A = tpu.iota {dimensions = array<i32: 0>} : vector<128x1xi32>
        %add3A_107 = vector.broadcast %mul3A_106 : i32 to vector<128x1xi32>
        %add3A_108 = arith.addi %add3A_107, %iota3A : vector<128x1xi32>
        %lt3A = vector.broadcast %reduce_sum3A_32 : i32 to vector<128x1xi32>
        %lt3A_109 = arith.cmpi slt, %add3A_108, %lt3A : vector<128x1xi32>
        %gt3A = arith.constant 0.000000e+00 : f32
        %gt3A_110 = vector.broadcast %gt3A : f32 to vector<128x1xf32>
        %gt3A_111 = arith.cmpf ogt, %get3A_99, %gt3A_110 : vector<128x1xf32>
        %and3A_112 = arith.andi %lt3A_109, %gt3A_111 : vector<128x1xi1>
        %gt3A_113 = vector.broadcast %get3A_99 : vector<128x1xf32> to vector<128x128xf32>
        %gt3A_114 = vector.broadcast %get3A_74 : vector<1x128xf32> to vector<128x128xf32>
        %gt3A_115 = arith.cmpf ogt, %gt3A_113, %gt3A_114 : vector<128x128xf32>
        %eq3A = vector.broadcast %get3A_99 : vector<128x1xf32> to vector<128x128xf32>
        %eq3A_116 = vector.broadcast %get3A_74 : vector<1x128xf32> to vector<128x128xf32>
        %eq3A_117 = arith.cmpf oeq, %eq3A, %eq3A_116 : vector<128x128xf32>
        %lt3A_118 = vector.broadcast %get3A_104 : vector<128x1xi32> to vector<128x128xi32>
        %lt3A_119 = vector.broadcast %get3A_77 : vector<1x128xi32> to vector<128x128xi32>
        %lt3A_120 = arith.cmpi slt, %lt3A_118, %lt3A_119 : vector<128x128xi32>
        %and3A_121 = arith.andi %eq3A_117, %lt3A_120 : vector<128x128xi1>
        %or3A = arith.ori %gt3A_115, %and3A_121 : vector<128x128xi1>
        %and3A_122 = vector.broadcast %and3A_112 : vector<128x1xi1> to vector<128x128xi1>
        %and3A_123 = arith.andi %or3A, %and3A_122 : vector<128x128xi1>
        %convert_element_type3A = arith.extui %and3A_123 : vector<128x128xi1> to vector<128x128xi32>
        %reduce_sum3A_124 = arith.constant dense<0> : vector<128xi32>
        %reduce_sum3A_125 = vector.multi_reduction <add>, %convert_element_type3A, %reduce_sum3A_124 [0] : vector<128x128xi32> to vector<128xi32>
        %broadcast_in_dim3A_126 = vector.shape_cast %reduce_sum3A_125 : vector<128xi32> to vector<1x128xi32>
        %add3A_127 = arith.addi %while3A_94, %broadcast_in_dim3A_126 : vector<1x128xi32>
        scf.yield %add3A_127 : vector<1x128xi32>
      }
      %swap3A = arith.index_cast %while3A_70 : i32 to index
      %swap3A_90 = arith.constant 0 : index
      %swap3A_91 = vector.load %arg5[%swap3A, %swap3A_90] : memref<42x128xi32, #tpu.memory_space<vmem>>, vector<1x128xi32>
      tpu.vector_store %arg5[%swap3A, %swap3A_90], %while3A_89 {strides = array<i32>} : memref<42x128xi32, #tpu.memory_space<vmem>>, vector<1x128xi32>,
      %while3A_92 = arith.constant 0 : i32
      scf.yield %while3A_92 : i32
    }
    return
  }
}

</mosaic_0001>

<sc_bundles>
// kernel: kernel.11.cloned.1.call-start
scs
__scs_entry_jumppad:
0x0: {  	(pc) =	sbr.rel $0x88, $3  }
0x1: {  	(tag) =	ssettag $0x0;
	lr =	simm.s32 $0x1  }
0x2: {  	[smem:$0x3F9E] =	sst lr;
	_ =	strace $0xD0000000  }
0x3: {  	_ = 	snop  }
0x4: {  	_ = 	snop  }
0x5: {  	_ = 	snop  }
0x6: {  	_ = 	snop  }
0x7: {  	_ = 	snop  }
__scs_overlays_trampoline_lowered:
0x8: {  	[smem:$0x3FAD] =	sst s0  }
0x9: {  	[smem:$0x3FAE] =	sst s1  }
0xa: {  	[smem:$0x3FAF] =	sst s2  }
0xb: {  	[smem:$0x3FB0] =	sst s3  }
0xc: {  	[smem:$0x3FB1] =	sst s4  }
0xd: {  	[smem:$0x3FB2] =	sst s5  }
0xe: {  	[smem:$0x3FB3] =	sst s6  }
0xf: {  	[smem:$0x3FB4] =	sst s7  }
0x10: {  	[smem:$0x3FB5] =	sst s8  }
0x11: {  	[smem:$0x3FB6] =	sst s9;
	s0 =	simm.s32 @!p0 $0x0  }
0x12: {  	s1 =	sld [smem:$0x3F9C];
	s0 =	simm.s32 @p0 $0x1  }
0x13: {  	[smem:$0x3FB7] =	sst s0;
	s0 =	simm.s32 @!p1 $0x0  }
0x14: {  	s2 =	sld [smem:$0x3F9B];
	s0 =	simm.s32 @p1 $0x1  }
0x15: {  	[smem:$0x3FB8] =	sst s0;
	s0 =	simm.s32 @!p2 $0x0  }
0x16: {  	s3 =	sld [smem:$0x3FDB];
	s0 =	simm.s32 @p2 $0x1  }
0x17: {  	s4 =	simm.s32 $0x1BF5;
	[smem:$0x3FBA] =	sst s0  }
0x18: {  	s0 =	sld [smem:$0x3F9D];
	_ =	swait.ge [sflag:s4], $0x0  }
0x19: {  	s7 =	sld [smem:$0x3F9E]  }
0x1a: {  	s8 =	sadd.s32 $0xFFFFE003, lr  }
0x1b: {  	s9 =	sadd.s32 $0xFFFFFEF7, lr;
	s5 =	simm.s32 $0xFFFFFFFF;
	p2 =	slt.u32 s8, $0xFFFFF086  }
0x1c: {  	p1 =	slt.u32 s9, $0xF7A;
	s5 =	simm.s32 @!p2 $0x0  }
0x1d: {  	s5 =	simm.s32 @p1 $0x1;
	p0 =	seq.s32 s7, s2  }
0x1e: {  	s7 =	smul.u32 @!p0 $0xF7A, s2;
	p2 =	seq.s32 @!p0 s5, $0x0  }
0x1f: {  	s9 =	smul.u32 $0xF7A, s1;
	s8 =	simm.s32 @!p0 $0x1BF5;
	p2 =	por !p2, p0  }
0x20: {  	[sflag:s8] =	ssyncset.s32 @!p0 $0xFFFFF086;
	s6 =	sadd.s32 @!p0 s3, s7;
	s7 =	simm.s32 @!p0 $0x108  }
0x21: {  	s3 =	sadd.s32 s3, s9;
	s6 =	sadd.s32 @!p0 $0x88, s6;
	s7 =	simm.s32 @p2 $0x1082  }
0x22: {  	[simem:s7], [sflag:s8] =	dma.local @!p0 [hbm:s6], $0xF7A  }
0x23: {  	s9 =	sor.u32 $0xD0000000, s2;
	s6 =	simm.s32 $0x108;
	_ =	swait.ge @!p0 [sflag:s8], $0x0  }
0x24: {  	s3 =	sadd.s32 $0x88, s3;
	s6 =	simm.s32 @!p1 $0x1082;
	[sflag:s4] =	ssyncset.s32 $0xFFFFF086  }
0x25: {  	[simem:s6], [sflag:s4] =	dma.local [hbm:s3], $0xF7A  }
0x26: {  	[smem:$0x3F9E] =	sst s1;
	(tag) =	ssettag s2;
	_ =	strace s9  }
0x27: {  	s1 =	sld [smem:$0x3FAE]  }
0x28: {  	s2 =	sld [smem:$0x3FAF]  }
0x29: {  	s4 =	sld [smem:$0x3FB1]  }
0x2a: {  	p0 =	seq.s32 s5, $0x0;
	s5 =	sld [smem:$0x3FB2]  }
0x2b: {  	s6 =	sld [smem:$0x3FB3]  }
0x2c: {  	s7 =	sld [smem:$0x3FB4]  }
0x2d: {  	s3 =	simm.s32 $0x108;
	s8 =	sld [smem:$0x3FB5]  }
0x2e: {  	s3 =	simm.s32 @!p0 $0x1082;
	s9 =	sld [smem:$0x3FB6]  }
0x2f: {  	lr =	sadd.s32 s0, s3;
	s0 =	sld [smem:$0x3FAD]  }
0x30: {  	s3 =	sld [smem:$0x3FB0]  }
0x31: {  	[smem:$0x3FB9] =	sst s10  }
0x32: {  	s10 =	sld [smem:$0x3FB7];
	_ =	sdelay $0x3  }
0x33: {  	p0 =	seq.s32 s10, $0x1;
	s10 =	sld [smem:$0x3FB9];
	_ =	sdelay $0x3  }
0x34: {  	[smem:$0x3FB9] =	sst s10  }
0x35: {  	s10 =	sld [smem:$0x3FB8];
	_ =	sdelay $0x3  }
0x36: {  	p1 =	seq.s32 s10, $0x1;
	s10 =	sld [smem:$0x3FB9];
	_ =	sdelay $0x3  }
0x37: {  	[smem:$0x3FB9] =	sst s10  }
0x38: {  	s10 =	sld [smem:$0x3FBA]  }
0x39: {  	_ = 	snop;
	(pc) =	sbr.ind lr, $3  }
0x3a: {  	_ = 	snop  }
0x3b: {  	_ = 	snop  }
0x3c: {  	p2 =	seq.s32 s10, $0x1;
	s10 =	sld [smem:$0x3FB9]  }
0x3d: {  	_ =	shalt  }
0x3e: {  	_ =	shalt  }
0x3f: {  	_ =	shalt  }
0x40: {  	_ =	shalt  }
0x41: {  	_ =	shalt  }
0x42: {  	_ =	shalt  }
0x43: {  	_ =	shalt  }
0x44: {  	_ =	shalt  }
0x45: {  	_ =	shalt  }
0x46: {  	_ =	shalt  }
0x47: {  	_ =	shalt  }
0x48: {  	_ =	shalt  }
0x49: {  	_ =	shalt  }
0x4a: {  	_ =	shalt  }
0x4b: {  	_ =	shalt  }
0x4c: {  	_ =	shalt  }
0x4d: {  	_ =	shalt  }
0x4e: {  	_ =	shalt  }
0x4f: {  	_ =	shalt  }
0x50: {  	_ =	shalt  }
0x51: {  	_ =	shalt  }
0x52: {  	_ =	shalt  }
0x53: {  	_ =	shalt  }
0x54: {  	_ =	shalt  }
0x55: {  	_ =	shalt  }
0x56: {  	_ =	shalt  }
0x57: {  	_ =	shalt  }
0x58: {  	_ =	shalt  }
0x59: {  	_ =	shalt  }
0x5a: {  	_ =	shalt  }
0x5b: {  	_ =	shalt  }
0x5c: {  	_ =	shalt  }
0x5d: {  	_ =	shalt  }
0x5e: {  	_ =	shalt  }
0x5f: {  	_ =	shalt  }
0x60: {  	_ =	shalt  }
0x61: {  	_ =	shalt  }
0x62: {  	_ =	shalt  }
0x63: {  	_ =	shalt  }
0x64: {  	_ =	shalt  }
0x65: {  	_ =	shalt  }
0x66: {  	_ =	shalt  }
0x67: {  	_ =	shalt  }
0x68: {  	_ =	shalt  }
0x69: {  	_ =	shalt  }
0x6a: {  	_ =	shalt  }
0x6b: {  	_ =	shalt  }
0x6c: {  	_ =	shalt  }
0x6d: {  	_ =	shalt  }
0x6e: {  	_ =	shalt  }
0x6f: {  	_ =	shalt  }
0x70: {  	_ =	shalt  }
0x71: {  	_ =	shalt  }
0x72: {  	_ =	shalt  }
0x73: {  	_ =	shalt  }
0x74: {  	_ =	shalt  }
0x75: {  	_ =	shalt  }
0x76: {  	_ =	shalt  }
0x77: {  	_ =	shalt  }
0x78: {  	_ =	shalt  }
0x79: {  	_ =	shalt  }
0x7a: {  	_ =	shalt  }
0x7b: {  	_ =	shalt  }
0x7c: {  	_ =	shalt  }
0x7d: {  	_ =	shalt  }
0x7e: {  	_ =	shalt  }
0x7f: {  	_ =	shalt  }
0x80: {  	_ =	shalt  }
0x81: {  	_ =	shalt  }
0x82: {  	_ =	shalt  }
0x83: {  	_ =	shalt  }
0x84: {  	_ =	shalt  }
0x85: {  	_ =	shalt  }
0x86: {  	_ =	shalt  }
0x87: {  	_ =	shalt  }
.Lfunc_end0:
.L_simem_size_0:
called_computation.1_lowered:
.L_overlay_start_0:
0x88: {  	s0 =	sld [smem:$0x3FD9]  }
0x89: {  	s1 =	sld [smem:$0x3FFE];
	_ =	sdelay $0x3  }
0x8a: {  	s0 =	sadd.s32 s1, s0  }
0x8b: {  	[smem:$0x3FC5] =	sst s0  }
0x8c: {  	_ = 	snop  }
0x8d: {  	s0 =	sld [smem:$0x3FD0];
	(tm) =	ssettm $0x1  }
0x8e: {  	s16 =	sld [smem:$0x3FFB];
	_ =	sdelay $0x3  }
0x8f: {  	_ =	strace s16  }
0x90: {  	s1 =	sld [smem:$0x3FFC];
	_ =	sdelay $0x3  }
0x91: {  	_ =	strace s1  }
0x92: {  	s1 =	sld [smem:$0x3FFD];
	_ =	sdelay $0x3  }
0x93: {  	_ =	strace s1  }
0x94: {  	_ =	strace $0x8FFFFFFF  }
0x95: {  	s17 =	sld [smem:$0x3FDB];
	_ =	sdelay $0x1  }
0x96: {  	s2 =	simm.s32 $_scs_section_size  }
0x97: {  	s3 =	simm.s32 $_size__tile_overlayer_lowered;
	s4 =	simm.s32 $_tile_overlayer_lowered  }
0x98: {  	s20 =	simm.s32 $0x1BFF;
	s19 =	sshll.u32 s4, $0x1;
	s1 =	sadd.s32 s2, s17  }
0x99: {  	s5 =	simm.s32 $0x0;
	s18 =	sshll.u32 s3, $0x1;
	s3 =	sadd.s32 s19, s1  }
0x9a: {  	[timem:s5], [sflag:s20] =	dma.local [hbm:s3], s18  }
0x9b: {  	_ =	swait.ge [sflag:s20], s18  }
0x9c: {  	s2 =	ssub.s32 $0x0, s18;
	[sflag:s20] =	ssyncset.done $0x0  }
0x9d: {  	[sflag:s20] =	ssyncadd.s32 s2;
	_ =	sdelay $0x1  }
0x9e: {  	s21 =	simm.s32 $0x1B8B  }
0x9f: {  	_ =	swait.ge [sflag:s21], $0x1  }
0xa0: {  	[sflag:s21] =	ssyncset.done $0x0  }
0xa1: {  	s23 =	simm.s32 $0x1B8E;
	s22 =	sld [smem:$0x3FFE];
	[sflag:s21] =	ssyncadd.s32 $0xFFFFFFFF  }
0xa2: {  	s24 =	simm.s32 $execute0_lowered;
	[smem:$0x3FD2] =	sst s23  }
0xa3: {  	s3 =	sshll.u32 s24, $0x1;
	_ =	strace $0x80000049;
	[dreg:$0x1] =	wrdreg $0xFFFFFFFF  }
0xa4: {  	s25 =	simm.s32 $_size_execute0_lowered;
	s1 =	sadd.s32 s1, s3;
	[dreg:$0x0] =	wrdreg $0x0  }
0xa5: {  	s3 =	sshll.u32 s25, $0x1;
	[dreg:$0x2] =	wrdreg s1  }
0xa6: {  	[dreg:$0x3] =	wrdreg s3  }
0xa7: {  	[dreg:$0x4] =	wrdreg $0xC0  }
0xa8: {  	_ =	task [dreg:s5], $0x5FFFF  }
0xa9: {  	[dreg:$0x1] =	wrdreg $0xFFFFFFFF  }
0xaa: {  	[dreg:$0x0] =	wrdreg $0x60  }
0xab: {  	[dreg:$0x2] =	wrdreg s22  }
0xac: {  	[dreg:$0x3] =	wrdreg s0  }
0xad: {  	[dreg:$0x4] =	wrdreg $0xC3800  }
0xae: {  	[dreg:$0x5] =	wrdreg $0x113800  }
0xaf: {  	[dreg:$0x6] =	wrdreg $0xEB800  }
0xb0: {  	[dreg:$0x7] =	wrdreg $0x116000  }
0xb1: {  	[dreg:$0x8] =	wrdreg $0x11DC00  }
0xb2: {  	[dreg:$0x9] =	wrdreg $0x118800  }
0xb3: {  	[dreg:$0xa] =	wrdreg $0x119D00  }
0xb4: {  	[dreg:$0xb] =	wrdreg $0x11B200  }
0xb5: {  	[dreg:$0xc] =	wrdreg $0x11C700  }
0xb6: {  	[dreg:$0xd] =	wrdreg $0x9  }
0xb7: {  	_ =	task.clear_ibuf [dreg:s5], $0xEFFFF;
	_ =	strace $0x90000049  }
0xb8: {  	s26 =	simm.s32 $0x9;
	_ =	strace $0x8000004B  }
0xb9: {  	_ =	swait.ge [sflag:s26], $0x1  }
0xba: {  	[sflag:s26] =	ssyncadd.s32 $0xFFFFFFFF  }
0xbb: {  	_ =	strace $0x9000004B  }
0xbc: {  	_ =	sfence  }
0xbd: {  	s28 =	sld [smem:$0x0];
	_ =	sdelay $0x1  }
0xbe: {  	s29 =	srdreg.scid  }
0xbf: {  	s30 =	sshll.u32 s29, $0xD;
	s31 =	sshrl.u32 s29, $0x2  }
0xc0: {  	s2 =	sand.u32 $0x4000, s30;
	s1 =	sand.u32 $0x1, s29;
	s0 =	sadd.s32 s31, s28  }
0xc1: {  	s1 =	sor.u32 s2, s1;
	s0 =	sshll.u32 s0, $0x11  }
0xc2: {  	s0 =	sor.u32 s0, s1  }
0xc3: {  	s0 =	sadd.s32 $0x8F2B, s0  }
0xc4: {  	[sflag:s0] =	ssyncadd.remote.s32 $0x1  }
0xc5: {  	_ =	sfence.sel $0xFFFF  }
0xc6: {  	[dreg:$0x0] =	wrdreg $0xFFFFFFFF;
	(pc) =	sbr.abs _section_cstart, $3  }
0xc7: {  	[dreg:$0x1] =	wrdreg $0xFFFFFFFF  }
0xc8: {  	_ =	task.clear_ibuf [dreg:s5], $0x2FFFF;
	_ =	strace $0x9FFFFFFF  }
0xc9: {  	(tm) =	ssettm $0x7FFFFFFF  }
tec
execute0_lowered:
.L_overlay_start_1:
0x0: {  	(tag) =	ssettag $0x1  }
0x1: {  	s9 =	rddreg [dreg:$0x0]  }
0x2: {  	s11 =	rddreg [dreg:$0x1]  }
0x3: {  	s20 =	rddreg [dreg:$0x2]  }
0x4: {  	s18 =	rddreg [dreg:$0x3]  }
0x5: {  	s17 =	rddreg [dreg:$0x4]  }
0x6: {  	s16 =	rddreg [dreg:$0x5]  }
0x7: {  	s10 =	rddreg [dreg:$0x6]  }
0x8: {  	s6 =	rddreg [dreg:$0x7]  }
0x9: {  	s3 =	rddreg [dreg:$0x8]  }
0xa: {  	s2 =	rddreg [dreg:$0x9]  }
0xb: {  	s1 =	rddreg [dreg:$0xa];
	s4 =	simm.s32 $0x0  }
0xc: {  	s15 =	simm.s32 $0x40;
	s23 =	simm.s32 $0x0;
	[smem:$0x7FF] =	sst s4  }
0xd: {  	s13 =	sadd.s32 $0xC00, s9;
	s14 =	sadd.s32 $0xAA00, s9;
	s8 =	sadd.s32 $0x14C00, s9  }
0xe: {  	s7 =	sadd.s32 $0x15000, s9;
	s5 =	sadd.s32 $0x15400, s9;
	s4 =	sadd.s32 $0x14800, s9  }
0xf: {  	v0 =	vimm.f32 $-Inf;
	s12 =	sadd.s32 $0x15800, s9;
	s9 =	stileid.u32;
	_ =	strace $0x8000004A  }
.LBB2_1:
0x10: {  	p0 =	sne.s32 s15, $0x9FC0;
	[tilespmem:s23+$0x0] =	vst v0;
	s19 =	smov.u32 s15;
	s15 =	sadd.s32 $0x40, s15  }
.Ltmp0:
0x11: {  	(pc) =	sbr.rel @p0 .LBB2_1-.Ltmp0, $2  }
0x12: {  	_ =	sdelay $0x2  }
0x13: {  	s23 =	sshra.s32 s19, $0x2  }
.Ltmp1:
0x14: {  	(pc) =	sbr.rel .LBB2_3-.Ltmp1, $4  }
0x15: {  	_ = 	snop  }
0x16: {  	s15 =	smul.u32 $0x4E20, s9  }
0x17: {  	s19 =	simm.s32 $0x0;
	s21 =	simm.s32 $0x5000;
	s22 =	simm.s32 $0x1  }
0x18: {  	[tilespmem:s23+$0x0] =	vst v0;
	s23 =	simm.s32 $0x5800;
	s24 =	simm.s32 $0x6000;
	v0 =	vimm.s32 $0x0;
	s25 =	simm.s32 $0x0  }
.LBB2_9:
0x19: {  	s25 =	sadd.s32 $0x1, s25  }
0x1a: {  	p0 =	sne.s32 s25, $0xA  }
.Ltmp2:
0x1b: {  	_ = 	snop;
	(pc) =	sbr.rel @!p0 .LBB2_10-.Ltmp2, $1  }
0x1c: {  	_ =	sdelay $0x3  }
.LBB2_3:
0x1d: {  	s26 =	smul.u32 $0x7D0, s25;
	_ =	sdelay $0x1  }
0x1e: {  	s26 =	sadd.s32 s15, s26  }
0x1f: {  	s26 =	sshrl.u32 s26, $0x3  }
0x20: {  	s28 =	sadd.s32 s13, s26  }
0x21: {  	[tilespmem:s21], [sflag:$0x1] =	stream.linear.gather [hbm4b:s28+s19], $0x7D0, $0x38;
	[tilespmem:$0x11DD0] =	vst v63  }
0x22: {  	_ =	swait.ge [sflag:s22], $0x7D0  }
0x23: {  	[sflag:s22] =	ssyncset.done $0x0  }
0x24: {  	s31 =	sadd.s32 s11, s26;
	[sflag:s22] =	ssyncadd.s32 $0xFFFFF830  }
0x25: {  	[tilespmem:s23], [sflag:$0x1] =	stream.linear.gather [hbm4b:s31+s19], $0x7D0, $0x38;
	[tilespmem:$0x11DD0] =	vst v63  }
0x26: {  	_ =	swait.ge [sflag:s22], $0x7D0  }
0x27: {  	[sflag:s22] =	ssyncset.done $0x0  }
.Ltmp3:
0x28: {  	s26 =	sadd.s32 s14, s26;
	[sflag:s22] =	ssyncadd.s32 $0xFFFFF830;
	(pc) =	sbr.rel .LBB2_4-.Ltmp3, $4  }
0x29: {  	[tilespmem:s24], [sflag:$0x1] =	stream.linear.gather [hbm4b:s26+s19], $0x7D0, $0x38;
	[tilespmem:$0x11DD0] =	vst v63  }
0x2a: {  	_ =	swait.ge [sflag:s22], $0x7D0  }
0x2b: {  	[sflag:s22] =	ssyncset.done $0x0  }
0x2c: {  	s26 =	simm.s32 $0x0;
	[sflag:s22] =	ssyncadd.s32 $0xFFFFF830  }
.LBB2_8:
0x2d: {  	s26 =	sadd.s32 $0x1, s26  }
0x2e: {  	p0 =	sne.s32 s26, $0x7D  }
.Ltmp4:
0x2f: {  	_ = 	snop;
	(pc) =	sbr.rel @!p0 .LBB2_9-.Ltmp4, $1  }
0x30: {  	_ =	sdelay $0x3  }
.LBB2_4:
0x31: {  	s28 =	sshll.u32 s26, $0x4  }
0x32: {  	v3 =	vld [tilespmem:s28+$0x5000];
	_ =	sdelay $0x6  }
0x33: {  	v1 =	vld [tilespmem:s28+$0x6000]  }
0x34: {  	v2 =	vld.idx.msk [tilespmem:v3+s19+$0x0], $0xffff;
	_ =	sdelay $0x4  }
0x35: {  	vm0 =	vgt.f32 v1, v2  }
0x36: {  	v2 =	vsel vm0, $0x1, v0  }
0x37: {  	v2 =	vor.u32 $0x80000000, v2  }
0x38: {  	(xrf0) =	vmax.scan.msk.u32 $0xffff, v2;
	_ =	sdelay $0x5  }
0x39: {  	v2, _, _ =	vpop (xrf0)  }
0x3a: {  	(v2sf) =	vpush v2, $0xF;
	_ =	sdelay $0xd  }
0x3b: {  	v2 =	vld [tilespmem:s28+$0x5800]  }
0x3c: {  	s29 =	spop (v2sf)  }
0x3d: {  	p0 =	slt.u32 s29, $0x80000001  }
.Ltmp5:
0x3e: {  	_ = 	snop;
	(pc) =	sbr.rel @p0 .LBB2_6-.Ltmp5, $1  }
0x3f: {  	_ =	sdelay $0x3  }
.LBB2_5:
0x40: {  	[tilespmem:v3+s19+$0x0] =	vst.idx.msk vm0, v1  }
0x41: {  	v4 =	vld.idx.msk [tilespmem:v3+s19+$0x0], $0xffff;
	_ =	sdelay $0x4  }
0x42: {  	vm1 =	vgt.f32 v1, v4  }
0x43: {  	vm0 =	vmand vm0, vm1  }
0x44: {  	v4 =	vsel vm0, $0x1, v0  }
0x45: {  	v4 =	vor.u32 $0x80000000, v4  }
0x46: {  	(xrf0) =	vmax.scan.msk.u32 $0xffff, v4;
	_ =	sdelay $0x5  }
0x47: {  	v4, _, _ =	vpop (xrf0)  }
0x48: {  	(v2sf) =	vpush v4, $0xF;
	_ =	sdelay $0xe  }
0x49: {  	s28 =	spop (v2sf)  }
0x4a: {  	p0 =	sgt.u32 s28, $0x80000000  }
.Ltmp6:
0x4b: {  	_ = 	snop;
	(pc) =	sbr.rel @p0 .LBB2_5-.Ltmp6, $1  }
0x4c: {  	_ =	sdelay $0x3  }
.LBB2_6:
0x4d: {  	_ =	sdelay $0x3  }
0x4e: {  	v3 =	vld.idx.msk [tilespmem:v2+s19+$0x0], $0xffff;
	_ =	sdelay $0x4  }
0x4f: {  	vm0 =	vgt.f32 v1, v3  }
0x50: {  	v3 =	vsel vm0, $0x1, v0  }
0x51: {  	v3 =	vor.u32 $0x80000000, v3  }
0x52: {  	(xrf0) =	vmax.scan.msk.u32 $0xffff, v3;
	_ =	sdelay $0x5  }
0x53: {  	v3, _, _ =	vpop (xrf0)  }
0x54: {  	(v2sf) =	vpush v3, $0xF;
	_ =	sdelay $0xe  }
0x55: {  	s28 =	spop (v2sf)  }
0x56: {  	p0 =	slt.u32 s28, $0x80000001  }
.Ltmp7:
0x57: {  	_ = 	snop;
	(pc) =	sbr.rel @p0 .LBB2_8-.Ltmp7, $1  }
0x58: {  	_ =	sdelay $0x3  }
.LBB2_7:
0x59: {  	[tilespmem:v2+s19+$0x0] =	vst.idx.msk vm0, v1  }
0x5a: {  	v3 =	vld.idx.msk [tilespmem:v2+s19+$0x0], $0xffff;
	_ =	sdelay $0x4  }
0x5b: {  	vm1 =	vgt.f32 v1, v3  }
0x5c: {  	vm0 =	vmand vm0, vm1  }
0x5d: {  	v3 =	vsel vm0, $0x1, v0  }
0x5e: {  	v3 =	vor.u32 $0x80000000, v3  }
0x5f: {  	(xrf0) =	vmax.scan.msk.u32 $0xffff, v3;
	_ =	sdelay $0x5  }
0x60: {  	v3, _, _ =	vpop (xrf0)  }
0x61: {  	(v2sf) =	vpush v3, $0xF;
	_ =	sdelay $0xe  }
0x62: {  	s28 =	spop (v2sf)  }
0x63: {  	p0 =	sgt.u32 s28, $0x80000000  }
.Ltmp8:
0x64: {  	_ = 	snop;
	(pc) =	sbr.rel @p0 .LBB2_7-.Ltmp8, $1  }
0x65: {  	_ =	sdelay $0x3  }
.Ltmp9:
0x66: {  	_ = 	snop;
	(pc) =	sbr.rel .LBB2_8-.Ltmp9, $1  }
0x67: {  	_ =	sdelay $0x3  }
.LBB2_10:
0x68: {  	s19 =	sshrl.u32 s9, $0x3  }
0x69: {  	s21 =	sshll.u32 s9, $0x7;
	s19 =	smul.u32 $0x14000, s19  }
0x6a: {  	s21 =	sand.u32 $0x380, s21  }
0x6b: {  	s22 =	simm.s32 $0x80;
	s21 =	sor.u32 s21, s19  }
0x6c: {  	s23 =	simm.s32 $0x400;
	s24 =	simm.s32 $0x0;
	s19 =	sadd.s32 s21, s20  }
0x6d: {  	[spmem:s19] =	stream.strided.scatter [tilespmem:s24], [sflag:$0x1], $0x2800, s23, s22, $0x38;
	[tilespmem:$0x11DD0] =	vst v63  }
0x6e: {  	s24 =	simm.s32 $0x1  }
0x6f: {  	_ =	swait.ge [sflag:s24], $0x2800  }
0x70: {  	s19 =	smul.u32 $0x1400, s9;
	[sflag:s24] =	ssyncset.done $0x0  }
0x71: {  	[sflag:s24] =	ssyncadd.s32 $0xFFFFD800  }
0x72: {  	s25 =	simm.s32 $0x6800;
	s20 =	sadd.s32 s19, s20;
	[bflag:$0x0] =	sbarrier.arrive $0xFFFF  }
0x73: {  	[tilespmem:s25], [sflag:$0x1] =	stream.strided.gather [spmem:s20], $0x280, s23, s22, $0x38;
	[tilespmem:$0x11DD0] =	vst v63  }
0x74: {  	_ =	swait.ge [sflag:s24], $0x280  }
0x75: {  	[sflag:s24] =	ssyncset.done $0x0  }
0x76: {  	s26 =	simm.s32 $0x1;
	s25 =	simm.s32 $0x6D00;
	[sflag:s24] =	ssyncadd.s32 $0xFFFFFD80  }
.LBB2_11:
0x77: {  	s28 =	sshrl.u32 s26, $0x3  }
0x78: {  	s28 =	smul.u32 $0x50000, s28;
	_ =	sdelay $0x1  }
0x79: {  	s29 =	sshll.u32 s26, $0x7;
	s28 =	sshra.s32 s28, $0x2  }
0x7a: {  	s29 =	sand.u32 $0x380, s29;
	s28 =	sadd.s32 s28, s20  }
0x7b: {  	s28 =	sadd.s32 s29, s28  }
0x7c: {  	[tilespmem:s25], [sflag:$0x1] =	stream.strided.gather [spmem:s28], $0x280, s23, s22, $0x38;
	[tilespmem:$0x11DD0] =	vst v63  }
0x7d: {  	_ =	swait.ge [sflag:s24], $0x280  }
0x7e: {  	[sflag:s24] =	ssyncset.done $0x0  }
0x7f: {  	s28 =	simm.s32 $0x0;
	[sflag:s24] =	ssyncadd.s32 $0xFFFFFD80  }
0x80: {  	s29 =	simm.s32 $0x40;
	v0 =	vld [tilespmem:s28+$0x6D00]  }
.LBB2_12:
0x81: {  	p0 =	sne.s32 s29, $0x9C0;
	v1 =	vld [tilespmem:s28+$0x6800];
	_ =	sdelay $0x1  }
.Ltmp10:
0x82: {  	(pc) =	sbr.rel @p0 .LBB2_12-.Ltmp10, $3  }
0x83: {  	_ =	sdelay $0x1  }
0x84: {  	s30 =	sshra.s32 s29, $0x2;
	v1 =	vmax.f32 v1, v0  }
0x85: {  	s29 =	sadd.s32 $0x40, s29;
	v0 =	vld [tilespmem:s30+$0x6D00];
	[tilespmem:s28+$0x6800] =	vst v1;
	s28 =	smov.u32 s30  }
0x86: {  	v1 =	vld [tilespmem:s28+$0x6800];
	s26 =	sadd.s32 $0x1, s26  }
0x87: {  	p0 =	sne.s32 s26, $0x10  }
.Ltmp11:
0x88: {  	_ = 	snop;
	(pc) =	sbr.rel @p0 .LBB2_11-.Ltmp11, $3  }
0x89: {  	_ =	sdelay $0x1  }
0x8a: {  	v0 =	vmax.f32 v1, v0  }
0x8b: {  	[tilespmem:s28+$0x6800] =	vst v0  }
0x8c: {  	s20 =	smul.u32 $0x280, s9;
	_ =	sdelay $0x1  }
0x8d: {  	s23 =	simm.s32 $0x6800;
	s31 =	simm.s32 $0x1;
	s22 =	sadd.s32 s20, s18  }
0x8e: {  	[spmem:s22] =	stream.linear.scatter [tilespmem:s23], [sflag:$0x1], $0x280, $0x38;
	[tilespmem:$0x11DD0] =	vst v63  }
0x8f: {  	_ =	swait.ge [sflag:s31], $0x280  }
0x90: {  	[sflag:s31] =	ssyncset.done $0x0  }
0x91: {  	[sflag:s31] =	ssyncadd.s32 $0xFFFFFD80  }
0x92: {  	s22 =	simm.s32 $0x0;
	[bflag:$0x0] =	sbarrier.arrive $0xFFFF  }
0x93: {  	[tilespmem:s22], [sflag:$0x1] =	stream.linear.gather [spmem:s18], $0x2800, $0x38;
	[tilespmem:$0x11DD0] =	vst v63  }
0x94: {  	_ =	swait.ge [sflag:s31], $0x2800  }
0x95: {  	[sflag:s31] =	ssyncset.done $0x0  }
0x96: {  	v0 =	vimm.s32 $0x7F000000;
	s18 =	simm.s32 $0x0;
	[sflag:s31] =	ssyncadd.s32 $0xFFFFD800  }
.LBB2_15:
0x97: {  	p0 =	sne.s32 s18, $0x9FC0  }
.Ltmp12:
0x98: {  	_ = 	snop;
	(pc) =	sbr.rel @p0 .LBB2_15-.Ltmp12, $3  }
0x99: {  	_ =	sdelay $0x1  }
0x9a: {  	s23 =	sshra.s32 s18, $0x2  }
0x9b: {  	s18 =	sadd.s32 $0x40, s18;
	[tilespmem:s23+$0x2800] =	vst v0  }
.Ltmp13:
0x9c: {  	(pc) =	sbr.rel .LBB2_17-.Ltmp13, $3  }
0x9d: {  	_ =	sdelay $0x1  }
0x9e: {  	s18 =	simm.s32 $0x5000;
	s23 =	simm.s32 $0x1;
	s24 =	simm.s32 $0x5800  }
0x9f: {  	s25 =	simm.s32 $0x6000;
	v0 =	vlaneseq.u32;
	s26 =	simm.s32 $0x0;
	s28 =	simm.s32 $0x2800;
	v1 =	vimm.s32 $0x0  }
.LBB2_23:
0xa0: {  	s22 =	sadd.s32 $0x1, s22  }
0xa1: {  	p0 =	sne.s32 s22, $0xA  }
.Ltmp14:
0xa2: {  	_ = 	snop;
	(pc) =	sbr.rel @!p0 .LBB2_24-.Ltmp14, $1  }
0xa3: {  	_ =	sdelay $0x3  }
.LBB2_17:
0xa4: {  	s29 =	smul.u32 $0x7D0, s22;
	_ =	sdelay $0x1  }
0xa5: {  	s29 =	sadd.s32 s15, s29  }
0xa6: {  	s30 =	sshrl.u32 s29, $0x3  }
0xa7: {  	s31 =	sadd.s32 s13, s30  }
0xa8: {  	[tilespmem:s18], [sflag:$0x1] =	stream.linear.gather [hbm4b:s31+s26], $0x7D0, $0x38;
	[tilespmem:$0x11DD0] =	vst v63  }
0xa9: {  	_ =	swait.ge [sflag:s23], $0x7D0  }
0xaa: {  	[sflag:s23] =	ssyncset.done $0x0  }
0xab: {  	s0 =	sadd.s32 s11, s30;
	[sflag:s23] =	ssyncadd.s32 $0xFFFFF830  }
0xac: {  	[tilespmem:s24], [sflag:$0x1] =	stream.linear.gather [hbm4b:s0+s26], $0x7D0, $0x38;
	[tilespmem:$0x11DD0] =	vst v63  }
0xad: {  	_ =	swait.ge [sflag:s23], $0x7D0  }
0xae: {  	[sflag:s23] =	ssyncset.done $0x0  }
.Ltmp15:
0xaf: {  	s30 =	sadd.s32 s14, s30;
	[sflag:s23] =	ssyncadd.s32 $0xFFFFF830;
	(pc) =	sbr.rel .LBB2_18-.Ltmp15, $4  }
0xb0: {  	[tilespmem:s25], [sflag:$0x1] =	stream.linear.gather [hbm4b:s30+s26], $0x7D0, $0x38;
	[tilespmem:$0x11DD0] =	vst v63  }
0xb1: {  	_ =	swait.ge [sflag:s23], $0x7D0  }
0xb2: {  	[sflag:s23] =	ssyncset.done $0x0  }
0xb3: {  	s30 =	simm.s32 $0x0;
	[sflag:s23] =	ssyncadd.s32 $0xFFFFF830  }
.LBB2_22:
0xb4: {  	s30 =	sadd.s32 $0x1, s30  }
0xb5: {  	p0 =	sne.s32 s30, $0x7D  }
.Ltmp16:
0xb6: {  	_ = 	snop;
	(pc) =	sbr.rel @!p0 .LBB2_23-.Ltmp16, $1  }
0xb7: {  	_ =	sdelay $0x3  }
.LBB2_18:
0xb8: {  	s31 =	sshll.u32 s30, $0x4  }
0xb9: {  	v5 =	vld [tilespmem:s31+$0x5000];
	_ =	sdelay $0x6  }
0xba: {  	v4 =	vld [tilespmem:s31+$0x6000]  }
0xbb: {  	v3 =	vld.idx.msk [tilespmem:v5+s26+$0x0], $0xffff  }
0xbc: {  	v6 =	vld.idx.msk [tilespmem:v5+s28+$0x0], $0xffff;
	_ =	sdelay $0x2  }
0xbd: {  	s0 =	sadd.s32 s29, s31  }
0xbe: {  	v2 =	vor.u32 s0, v0  }
0xbf: {  	vm0 =	veq.f32 v4, v3;
	vm1 =	vlt.s32 v2, v6  }
0xc0: {  	vm0 =	vmand vm0, vm1  }
0xc1: {  	v3 =	vsel vm0, $0x1, v1  }
0xc2: {  	v3 =	vor.u32 $0x80000000, v3  }
0xc3: {  	(xrf0) =	vmax.scan.msk.u32 $0xffff, v3;
	_ =	sdelay $0x5  }
0xc4: {  	v3, _, _ =	vpop (xrf0)  }
0xc5: {  	(v2sf) =	vpush v3, $0xF;
	_ =	sdelay $0xc  }
0xc6: {  	v3 =	vld [tilespmem:s31+$0x5800];
	_ =	sdelay $0x1  }
0xc7: {  	s31 =	spop (v2sf)  }
0xc8: {  	p0 =	slt.u32 s31, $0x80000001  }
.Ltmp17:
0xc9: {  	_ = 	snop;
	(pc) =	sbr.rel @p0 .LBB2_20-.Ltmp17, $2  }
0xca: {  	_ =	sdelay $0x2  }
0xcb: {  	v6 =	vld.idx.msk [tilespmem:v3+s26+$0x0], $0xffff  }
.LBB2_19:
0xcc: {  	[tilespmem:v5+s28+$0x0] =	vst.idx.msk vm0, v2  }
0xcd: {  	v7 =	vld.idx.msk [tilespmem:v5+s28+$0x0], $0xffff;
	_ =	sdelay $0x4  }
0xce: {  	vm1 =	vlt.s32 v2, v7  }
0xcf: {  	vm0 =	vmand vm0, vm1  }
0xd0: {  	v7 =	vsel vm0, $0x1, v1  }
0xd1: {  	v7 =	vor.u32 $0x80000000, v7  }
0xd2: {  	(xrf0) =	vmax.scan.msk.u32 $0xffff, v7;
	_ =	sdelay $0x5  }
0xd3: {  	v7, _, _ =	vpop (xrf0)  }
0xd4: {  	(v2sf) =	vpush v7, $0xF;
	_ =	sdelay $0xe  }
0xd5: {  	s0 =	spop (v2sf)  }
0xd6: {  	p0 =	sgt.u32 s0, $0x80000000  }
.Ltmp18:
0xd7: {  	_ = 	snop;
	(pc) =	sbr.rel @p0 .LBB2_19-.Ltmp18, $1  }
0xd8: {  	_ =	sdelay $0x3  }
.LBB2_20:
0xd9: {  	_ =	sdelay $0x3  }
0xda: {  	v5 =	vld.idx.msk [tilespmem:v3+s28+$0x0], $0xffff;
	_ =	sdelay $0x4  }
0xdb: {  	vm0 =	veq.f32 v4, v6;
	vm1 =	vlt.s32 v2, v5  }
0xdc: {  	vm0 =	vmand vm0, vm1  }
0xdd: {  	v4 =	vsel vm0, $0x1, v1  }
0xde: {  	v4 =	vor.u32 $0x80000000, v4  }
0xdf: {  	(xrf0) =	vmax.scan.msk.u32 $0xffff, v4;
	_ =	sdelay $0x5  }
0xe0: {  	v4, _, _ =	vpop (xrf0)  }
0xe1: {  	(v2sf) =	vpush v4, $0xF;
	_ =	sdelay $0xe  }
0xe2: {  	s0 =	spop (v2sf)  }
0xe3: {  	p0 =	slt.u32 s0, $0x80000001  }
.Ltmp19:
0xe4: {  	_ = 	snop;
	(pc) =	sbr.rel @p0 .LBB2_22-.Ltmp19, $1  }
0xe5: {  	_ =	sdelay $0x3  }
.LBB2_21:
0xe6: {  	[tilespmem:v3+s28+$0x0] =	vst.idx.msk vm0, v2  }
0xe7: {  	v4 =	vld.idx.msk [tilespmem:v3+s28+$0x0], $0xffff;
	_ =	sdelay $0x4  }
0xe8: {  	vm1 =	vlt.s32 v2, v4  }
0xe9: {  	vm0 =	vmand vm0, vm1  }
0xea: {  	v4 =	vsel vm0, $0x1, v1  }
0xeb: {  	v4 =	vor.u32 $0x80000000, v4  }
0xec: {  	(xrf0) =	vmax.scan.msk.u32 $0xffff, v4;
	_ =	sdelay $0x5  }
0xed: {  	v4, _, _ =	vpop (xrf0)  }
0xee: {  	(v2sf) =	vpush v4, $0xF;
	_ =	sdelay $0xe  }
0xef: {  	s0 =	spop (v2sf)  }
0xf0: {  	p0 =	sgt.u32 s0, $0x80000000  }
.Ltmp20:
0xf1: {  	_ = 	snop;
	(pc) =	sbr.rel @p0 .LBB2_21-.Ltmp20, $1  }
0xf2: {  	_ =	sdelay $0x3  }
.Ltmp21:
0xf3: {  	_ = 	snop;
	(pc) =	sbr.rel .LBB2_22-.Ltmp21, $1  }
0xf4: {  	_ =	sdelay $0x3  }
.LBB2_24:
0xf5: {  	s0 =	sadd.s32 s21, s17  }
0xf6: {  	s18 =	simm.s32 $0x80;
	s21 =	simm.s32 $0x400;
	s22 =	simm.s32 $0x2800  }
0xf7: {  	[spmem:s0] =	stream.strided.scatter [tilespmem:s22], [sflag:$0x1], $0x2800, s21, s18, $0x38;
	[tilespmem:$0x11DD0] =	vst v63  }
0xf8: {  	s22 =	simm.s32 $0x1  }
0xf9: {  	_ =	swait.ge [sflag:s22], $0x2800  }
0xfa: {  	[sflag:s22] =	ssyncset.done $0x0  }
0xfb: {  	[sflag:s22] =	ssyncadd.s32 $0xFFFFD800  }
0xfc: {  	s17 =	sadd.s32 s19, s17;
	s31 =	simm.s32 $0x6A80;
	[bflag:$0x0] =	sbarrier.arrive $0xFFFF  }
0xfd: {  	[tilespmem:s31], [sflag:$0x1] =	stream.strided.gather [spmem:s17], $0x280, s21, s18, $0x38;
	[tilespmem:$0x11DD0] =	vst v63  }
0xfe: {  	_ =	swait.ge [sflag:s22], $0x280  }
0xff: {  	[sflag:s22] =	ssyncset.done $0x0  }
0x100: {  	s19 =	simm.s32 $0x6F80;
	s23 =	simm.s32 $0x1;
	[sflag:s22] =	ssyncadd.s32 $0xFFFFFD80  }
.LBB2_25:
0x101: {  	s0 =	sshrl.u32 s23, $0x3  }
0x102: {  	s0 =	smul.u32 $0x50000, s0;
	_ =	sdelay $0x1  }
0x103: {  	s24 =	sshll.u32 s23, $0x7;
	s0 =	sshra.s32 s0, $0x2  }
0x104: {  	s24 =	sand.u32 $0x380, s24;
	s0 =	sadd.s32 s0, s17  }
0x105: {  	s0 =	sadd.s32 s24, s0  }
0x106: {  	[tilespmem:s19], [sflag:$0x1] =	stream.strided.gather [spmem:s0], $0x280, s21, s18, $0x38;
	[tilespmem:$0x11DD0] =	vst v63  }
0x107: {  	_ =	swait.ge [sflag:s22], $0x280  }
0x108: {  	[sflag:s22] =	ssyncset.done $0x0  }
0x109: {  	s24 =	simm.s32 $0x0;
	[sflag:s22] =	ssyncadd.s32 $0xFFFFFD80  }
0x10a: {  	s25 =	simm.s32 $0x40;
	v0 =	vld [tilespmem:s24+$0x6F80]  }
.LBB2_26:
0x10b: {  	p0 =	sne.s32 s25, $0x9C0;
	v1 =	vld [tilespmem:s24+$0x6A80];
	_ =	sdelay $0x2  }
.Ltmp22:
0x10c: {  	(pc) =	sbr.rel @p0 .LBB2_26-.Ltmp22, $4  }
0x10d: {  	_ = 	snop  }
0x10e: {  	vm0 =	vlt.s32 v1, v0  }
0x10f: {  	s0 =	sshra.s32 s25, $0x2;
	v1 =	vsel vm0, v1, v0  }
0x110: {  	s25 =	sadd.s32 $0x40, s25;
	v0 =	vld [tilespmem:s0+$0x6F80];
	[tilespmem:s24+$0x6A80] =	vst v1;
	s24 =	smov.u32 s0  }
0x111: {  	v1 =	vld [tilespmem:s24+$0x6A80]  }
0x112: {  	s23 =	sadd.s32 $0x1, s23  }
0x113: {  	p0 =	sne.s32 s23, $0x10  }
.Ltmp23:
0x114: {  	_ = 	snop;
	(pc) =	sbr.rel @p0 .LBB2_25-.Ltmp23, $4  }
0x115: {  	_ = 	snop  }
0x116: {  	vm0 =	vlt.s32 v1, v0  }
0x117: {  	v0 =	vsel vm0, v1, v0  }
0x118: {  	[tilespmem:s24+$0x6A80] =	vst v0  }
0x119: {  	s0 =	sadd.s32 s20, s16;
	s17 =	simm.s32 $0x6A80;
	s30 =	simm.s32 $0x1  }
0x11a: {  	[spmem:s0] =	stream.linear.scatter [tilespmem:s17], [sflag:$0x1], $0x280, $0x38;
	[tilespmem:$0x11DD0] =	vst v63  }
0x11b: {  	_ =	swait.ge [sflag:s30], $0x280  }
0x11c: {  	[sflag:s30] =	ssyncset.done $0x0  }
0x11d: {  	[sflag:s30] =	ssyncadd.s32 $0xFFFFFD80  }
0x11e: {  	s31 =	simm.s32 $0x2800;
	[bflag:$0x0] =	sbarrier.arrive $0xFFFF  }
0x11f: {  	[tilespmem:s31], [sflag:$0x1] =	stream.linear.gather [spmem:s16], $0x2800, $0x38;
	[tilespmem:$0x11DD0] =	vst v63  }
0x120: {  	_ =	swait.ge [sflag:s30], $0x2800  }
0x121: {  	[sflag:s30] =	ssyncset.done $0x0  }
0x122: {  	v0 =	vimm.f32 $-Inf;
	s17 =	simm.s32 $0x0;
	s16 =	simm.s32 $0x0;
	[sflag:s30] =	ssyncadd.s32 $0xFFFFD800  }
.LBB2_29:
0x123: {  	p0 =	sne.s32 s17, $0x4E40  }
.Ltmp24:
0x124: {  	_ = 	snop;
	(pc) =	sbr.rel @p0 .LBB2_29-.Ltmp24, $3  }
0x125: {  	_ =	sdelay $0x1  }
0x126: {  	s0 =	sshra.s32 s17, $0x2  }
0x127: {  	s17 =	sadd.s32 $0x40, s17;
	[tilespmem:s0+$0x9A00] =	vst v0  }
0x128: {  	s17 =	simm.s32 $0x5000  }
0x129: {  	s18 =	simm.s32 $0x1;
	s19 =	simm.s32 $0x5800;
	s20 =	simm.s32 $0x6000  }
0x12a: {  	s21 =	simm.s32 $0x2800;
	s22 =	simm.s32 $0x7200;
	s23 =	simm.s32 $0x8600  }
0x12b: {  	v0 =	vimm.s32 $0x0;
	v1 =	vlaneseq.u32;
	v2 =	vimm.s32 $0x0;
	s24 =	simm.s32 $0x9A00;
	s25 =	simm.s32 $0xAE00;
	s26 =	smov.u32 s15  }
.LBB2_31:
0x12c: {  	s0 =	smul.u32 $0x7D0, s16;
	_ =	sdelay $0x1  }
0x12d: {  	s0 =	sadd.s32 s15, s0  }
0x12e: {  	s0 =	sshrl.u32 s0, $0x3  }
0x12f: {  	s28 =	simm.s32 $0x0;
	s29 =	sadd.s32 s13, s0  }
0x130: {  	[tilespmem:s17], [sflag:$0x1] =	stream.linear.gather [hbm4b:s29+s28], $0x7D0, $0x38;
	[tilespmem:$0x11DD0] =	vst v63  }
0x131: {  	_ =	swait.ge [sflag:s18], $0x7D0  }
0x132: {  	[sflag:s18] =	ssyncset.done $0x0  }
0x133: {  	s29 =	sadd.s32 s11, s0;
	[sflag:s18] =	ssyncadd.s32 $0xFFFFF830  }
0x134: {  	[tilespmem:s19], [sflag:$0x1] =	stream.linear.gather [hbm4b:s29+s28], $0x7D0, $0x38;
	[tilespmem:$0x11DD0] =	vst v63  }
0x135: {  	_ =	swait.ge [sflag:s18], $0x7D0  }
0x136: {  	[sflag:s18] =	ssyncset.done $0x0  }
0x137: {  	s0 =	sadd.s32 s14, s0;
	[sflag:s18] =	ssyncadd.s32 $0xFFFFF830  }
0x138: {  	[tilespmem:s20], [sflag:$0x1] =	stream.linear.gather [hbm4b:s0+s28], $0x7D0, $0x38;
	[tilespmem:$0x11DD0] =	vst v63  }
0x139: {  	_ =	swait.ge [sflag:s18], $0x7D0  }
0x13a: {  	[sflag:s18] =	ssyncset.done $0x0  }
0x13b: {  	s29 =	smov.u32 s26;
	[sflag:s18] =	ssyncadd.s32 $0xFFFFF830  }
.LBB2_32:
0x13c: {  	s0 =	sshra.s32 s28, $0x2  }
0x13d: {  	v3 =	vld [tilespmem:s0+$0x5000]  }
0x13e: {  	v4 =	vld [tilespmem:s0+$0x5800];
	_ =	sdelay $0x5  }
0x13f: {  	v5 =	vld [tilespmem:s0+$0x6000]  }
0x140: {  	v6 =	vld.idx.msk [tilespmem:v3+s21+$0x0], $0xffff  }
0x141: {  	v7 =	vld.idx.msk [tilespmem:v4+s21+$0x0], $0xffff;
	_ =	sdelay $0x2  }
0x142: {  	v8 =	vor.u32 s29, v1;
	vm0 =	vne.s32 v3, v4;
	vm1 =	vgt.f32 v5, $0.0e+00  }
0x143: {  	vm0 =	vmand vm0, vm1;
	vm14 =	veq.s32 v6, v8  }
0x144: {  	vm15 =	veq.s32 v7, v8;
	vm0 =	vmand vm0, vm14  }
0x145: {  	vm0 =	vmand vm0, vm15  }
0x146: {  	v61 =	vsel vm0, $0x1, v2  }
0x147: {  	(xrf0) =	vadd.scan.msk.s32 $0xffff, v61;
	_ =	sdelay $0x4  }
0x148: {  	v62 =	vsel vm0, $0xFFFFFFFF, v2  }
0x149: {  	v6 =	vadd.s32 v62, v0;
	v63, _, _ =	vpop (xrf0)  }
0x14a: {  	v6 =	vadd.s32 v63, v6;
	_ =	sdelay $0x2  }
0x14b: {  	p0 =	sne.s32 s28, $0x1F00  }
.Ltmp25:
0x14c: {  	_ = 	snop;
	(pc) =	sbr.rel @p0 .LBB2_32-.Ltmp25, $4  }
0x14d: {  	[tilespmem:v6+s22+$0x0] =	vst.idx.msk vm0, v3  }
0x14e: {  	v3 =	vmpcnt.ones.xlane vm0;
	[tilespmem:v6+s23+$0x0] =	vst.idx.msk vm0, v4  }
0x14f: {  	[tilespmem:v6+s24+$0x0] =	vst.idx.msk vm0, v5  }
0x150: {  	s29 =	sadd.s32 $0x10, s29;
	s28 =	sadd.s32 $0x40, s28;
	v0 =	vadd.s32 v0, v3;
	[tilespmem:v6+s25+$0x0] =	vst.idx.msk vm0, v8  }
0x151: {  	s16 =	sadd.s32 $0x1, s16  }
0x152: {  	p0 =	sne.s32 s16, $0xA  }
.Ltmp26:
0x153: {  	_ = 	snop;
	(pc) =	sbr.rel @p0 .LBB2_31-.Ltmp26, $2  }
0x154: {  	_ =	sdelay $0x2  }
0x155: {  	s26 =	sadd.s32 $0x7D0, s26  }
0x156: {  	v1 =	vxor.u32 $0x80000000, v0  }
0x157: {  	(xrf0) =	vmax.scan.msk.u32 $0xffff, v1;
	_ =	sdelay $0x5  }
0x158: {  	v1, _, _ =	vpop (xrf0)  }
0x159: {  	(v2sf) =	vpush v1, $0xF;
	_ =	sdelay $0xb  }
0x15a: {  	s0 =	sshll.u32 s9, $0x4  }
0x15b: {  	[tilespmem:$0xC300] =	vst v0;
	s14 =	simm.s32 $0xC300;
	s0 =	sadd.s32 s0, s10  }
0x15c: {  	[spmem:s0] =	stream.linear.scatter [tilespmem:s14], [sflag:$0x1], $0x10, $0x38;
	[tilespmem:$0x11DD0] =	vst v63  }
0x15d: {  	s11 =	simm.s32 $0x1;
	s13 =	spop (v2sf)  }
0x15e: {  	_ =	swait.ge [sflag:s11], $0x10  }
0x15f: {  	s31 =	sshll.u32 s9, $0x1;
	[sflag:s11] =	ssyncset.done $0x0  }
0x160: {  	s0 =	sadd.s32 s12, s31;
	s12 =	simm.s32 $0x0;
	[sflag:s11] =	ssyncadd.s32 $0xFFFFFFF0  }
0x161: {  	[hbm4b:s0+s12] =	stream.linear.scatter [tilespmem:s14], [sflag:$0x1], $0x10, $0x38;
	[tilespmem:$0x11DD0] =	vst v63  }
0x162: {  	_ =	swait.ge [sflag:s11], $0x10  }
0x163: {  	[sflag:s11] =	ssyncset.done $0x0  }
0x164: {  	p0 =	seq.s32 s9, $0x0;
	[sflag:s11] =	ssyncadd.s32 $0xFFFFFFF0  }
.Ltmp27:
0x165: {  	s14 =	simm.s32 $0xC200;
	[bflag:$0x0] =	sbarrier.arrive $0xFFFF;
	(pc) =	sbr.rel @p0 .LBB2_48-.Ltmp27, $4  }
0x166: {  	[tilespmem:s14], [sflag:$0x1] =	stream.linear.gather [spmem:s10], $0x100, $0x38;
	[tilespmem:$0x11DD0] =	vst v63  }
0x167: {  	_ =	swait.ge [sflag:s11], $0x100  }
0x168: {  	[sflag:s11] =	ssyncset.done $0x0  }
0x169: {  	[sflag:s11] =	ssyncadd.s32 $0xFFFFFF00  }
0x16a: {  	v0 =	vld [tilespmem:s14+$0x0];
	p4 =	sne.s32 s9, $0x1  }
.Ltmp28:
0x16b: {  	_ = 	snop;
	(pc) =	sbr.rel @!p4 .LBB2_36-.Ltmp28, $3  }
0x16c: {  	_ =	sdelay $0x1  }
0x16d: {  	s10 =	sadd.s32 $0xFFFFFFFF, s9;
	s14 =	simm.s32 $0xC210;
	p0 =	por $0x0, $0x0  }
0x16e: {  	p1 =	por $0x0, $0x0;
	p2 =	por $0x0, $0x0;
	p3 =	por $0x0, $0x0;
	(v2sf) =	vpush v0, $0x0  }
0x16f: {  	v0 =	vld [tilespmem:s14+$0x0];
	p4 =	sne.s32 s10, $0x1  }
.Ltmp29:
0x170: {  	_ = 	snop;
	(pc) =	sbr.rel @!p4 .LBB2_38-.Ltmp29, $2  }
0x171: {  	_ =	sdelay $0x2  }
0x172: {  	s10 =	sadd.s32 $0xFFFFFFFF, s10;
	s14 =	simm.s32 $0xC220;
	p0 =	por $0x1, $0x1;
	(v2sf) =	vpush v0, $0x0  }
0x173: {  	v0 =	vld [tilespmem:s14+$0x0];
	_ =	sdelay $0x4  }
0x174: {  	(v2sf) =	vpush v0, $0x0;
	_ =	sdelay $0x5  }
0x175: {  	p4 =	sne.s32 s10, $0x1  }
.Ltmp30:
0x176: {  	_ = 	snop;
	(pc) =	sbr.rel @!p4 .LBB2_40-.Ltmp30, $2  }
0x177: {  	_ =	sdelay $0x2  }
0x178: {  	s10 =	sadd.s32 $0xFFFFFFFF, s10;
	s14 =	simm.s32 $0xC230;
	p1 =	por $0x1, $0x1  }
0x179: {  	v0 =	vld [tilespmem:s14+$0x0];
	_ =	sdelay $0x4  }
0x17a: {  	(v2sf) =	vpush v0, $0x0;
	_ =	sdelay $0x2  }
0x17b: {  	s0 =	spop (v2sf);
	p5 =	sne.s32 s10, $0x1  }
.Ltmp31:
0x17c: {  	s14 =	sadd.s32 $0xF, s0;
	(pc) =	sbr.rel @!p5 .LBB2_42-.Ltmp31, $4  }
0x17d: {  	p4 =	slt.s32 s14, $0x1  }
0x17e: {  	s16 =	sadd.s32 $0xFFFFFFFF, s10;
	s0 =	simm.s32 @!p4 $0x0  }
0x17f: {  	s17 =	simm.s32 $0xC240;
	p2 =	por $0x1, $0x1;
	s0 =	simm.s32 @p4 $0x1  }
0x180: {  	s10 =	sshra.s32 s14, $0x1F;
	s15 =	sand.u32 $0xF, s14;
	[smem:$0x7FD] =	sst s0  }
0x181: {  	v0 =	vld [tilespmem:s17+$0x0];
	_ =	sdelay $0x4  }
0x182: {  	(v2sf) =	vpush v0, $0x0;
	_ =	sdelay $0x1  }
0x183: {  	s0 =	sshrl.u32 s10, $0x1C;
	p3 =	sne.s32 s15, $0x0;
	p6 =	sne.s32 s16, $0x1  }
0x184: {  	s21 =	sadd.s32 $0xFFFFFFFF, s16;
	s31 =	spop (v2sf);
	s16 =	simm.s32 $0x1  }
.Ltmp32:
0x185: {  	s22 =	simm.s32 $0xC250;
	p3 =	por !p4, !p3;
	(pc) =	sbr.rel @!p6 .LBB2_44-.Ltmp32, $4  }
0x186: {  	s0 =	sadd.s32 s0, s14;
	s18 =	sadd.s32 $0xF, s31;
	p3 =	por !p3, !p3  }
0x187: {  	s0 =	sshrl.u32 s0, $0x4;
	s17 =	sshra.s32 s18, $0x1F;
	s16 =	simm.s32 @!p3 $0x0  }
0x188: {  	p5 =	slt.s32 s18, $0x1;
	s20 =	sand.u32 $0xF, s18;
	s0 =	ssub.s32 s0, s16  }
0x189: {  	p3 =	por $0x1, $0x1;
	s16 =	simm.s32 $0x0;
	s19 =	sshll.u32 s0, $0x4  }
.LBB2_45:
0x18a: {  	s0 =	sshrl.u32 s17, $0x1C;
	p4 =	sne.s32 s20, $0x0  }
0x18b: {  	v0 =	vld [tilespmem:s22+$0x0];
	s16 =	sadd.s32 s16, s19;
	p6 =	sne.s32 s21, $0x1;
	s21 =	sadd.s32 $0xFFFFFFFF, s21  }
.Ltmp33:
0x18c: {  	s19 =	simm.s32 $0x1;
	p4 =	por !p5, !p4;
	(pc) =	sbr.rel @p6 .LBB2_45-.Ltmp33, $4  }
0x18d: {  	s0 =	sadd.s32 s0, s18;
	s17 =	spop (v2sf);
	p4 =	por !p4, !p4  }
0x18e: {  	s0 =	sshrl.u32 s0, $0x4;
	s18 =	sadd.s32 $0xF, s17;
	s19 =	simm.s32 @!p4 $0x0  }
0x18f: {  	s22 =	sadd.s32 $0x10, s22;
	s17 =	sshra.s32 s18, $0x1F;
	s0 =	ssub.s32 s0, s19  }
0x190: {  	p5 =	slt.s32 s18, $0x1;
	s20 =	sand.u32 $0xF, s18;
	(v2sf) =	vpush v0, $0x0;
	s19 =	sshll.u32 s0, $0x4  }
0x191: {  	_ = 	snop  }
.LBB2_47:
0x192: {  	p4 =	sne.s32 @p2 s20, $0x0;
	s0 =	sshrl.u32 @p2 s17, $0x1C;
	s17 =	simm.s32 $0x1  }
0x193: {  	s16 =	sadd.s32 @p3 s16, s19;
	s26 =	sld [smem:$0x7FD];
	p4 =	por @p2 !p5, !p4  }
0x194: {  	s0 =	sadd.s32 @p2 s0, s18;
	s18 =	spop @p1 (v2sf);
	p4 =	por @p2 !p4, !p4  }
0x195: {  	s0 =	sshrl.u32 @p2 s0, $0x4;
	s18 =	sadd.s32 @p1 $0xF, s18;
	p4 =	por !p4, !p2  }
0x196: {  	s19 =	sand.u32 @p1 $0xF, s18;
	s14 =	smov.u32 @p1 s18;
	s17 =	simm.s32 @p4 $0x0  }
0x197: {  	s15 =	smov.u32 @p1 s19;
	s0 =	ssub.s32 @p2 s0, s17;
	s17 =	sshra.s32 @p1 s18, $0x1F  }
0x198: {  	p4 =	slt.s32 @p1 s18, $0x1;
	s10 =	smov.u32 @p1 s17;
	s17 =	simm.s32 $0x0  }
0x199: {  	s0 =	sshll.u32 @p2 s0, $0x4;
	s17 =	smov.u32 @p3 s16;
	p3 =	seq.s32 s26, $0x1  }
0x19a: {  	s0 =	smov.u32 @p2 s0;
	s10 =	sshrl.u32 @p1 s10, $0x1C;
	p4 =	por @!p1 p3, p3  }
0x19b: {  	p3 =	sne.s32 @p1 s15, $0x0;
	s0 =	sadd.s32 @p2 s17, s0;
	s15 =	spop @p0 (v2sf)  }
0x19c: {  	s10 =	sadd.s32 @p1 s10, s14;
	s17 =	simm.s32 $0x0;
	p3 =	por @p1 !p4, !p3  }
0x19d: {  	s14 =	sadd.s32 @p0 $0xF, s15;
	s15 =	simm.s32 $0x1;
	p3 =	por @p1 !p3, !p3  }
0x19e: {  	s10 =	sshrl.u32 @p1 s10, $0x4;
	s17 =	smov.u32 @p2 s0;
	p3 =	por !p3, !p1  }
0x19f: {  	s16 =	sshra.s32 @p0 s14, $0x1F;
	s0 =	smov.u32 @p0 s14;
	s15 =	simm.s32 @p3 $0x0  }
0x1a0: {  	s16 =	smov.u32 @p0 s16;
	p3 =	slt.s32 @p0 s14, $0x1;
	s10 =	ssub.s32 @p1 s10, s15  }
0x1a1: {  	s15 =	sand.u32 @p0 $0xF, s14;
	p3 =	por @!p0 p0, p0;
	s14 =	sshrl.u32 @p0 s16, $0x1C  }
0x1a2: {  	s28 =	spop (v2sf);
	s16 =	simm.s32 $0x0;
	s10 =	sshll.u32 @p1 s10, $0x4  }
0x1a3: {  	s15 =	smov.u32 @p0 s15;
	s0 =	sadd.s32 @p0 s14, s0;
	s14 =	simm.s32 $0x1  }
0x1a4: {  	p4 =	sne.s32 @p0 s15, $0x0;
	s10 =	smov.u32 @p1 s10;
	s0 =	sshrl.u32 @p0 s0, $0x4  }
0x1a5: {  	s15 =	sadd.s32 $0xF, s28;
	p2 =	por @p0 !p3, !p4;
	s10 =	sadd.s32 @p1 s17, s10  }
0x1a6: {  	s29 =	sshra.s32 s15, $0x1F;
	s30 =	sand.u32 $0xF, s15;
	p2 =	por @p0 !p2, !p2  }
0x1a7: {  	p5 =	slt.s32 s15, $0x1;
	p6 =	sne.s32 s30, $0x0;
	p2 =	por !p2, !p0  }
0x1a8: {  	s16 =	smov.u32 @p1 s10;
	s14 =	simm.s32 @p2 $0x0;
	p2 =	por !p5, !p6  }
0x1a9: {  	s0 =	ssub.s32 @p0 s0, s14;
	s14 =	sshrl.u32 s29, $0x1C;
	p2 =	por !p2, !p2  }
0x1aa: {  	s0 =	sshll.u32 @p0 s0, $0x4;
	s14 =	sadd.s32 s14, s15;
	s15 =	simm.s32 $0x1  }
0x1ab: {  	s0 =	smov.u32 @p0 s0;
	s31 =	sshrl.u32 s14, $0x4;
	s15 =	simm.s32 @!p2 $0x0  }
0x1ac: {  	s0 =	sadd.s32 @p0 s16, s0;
	s10 =	ssub.s32 s31, s15  }
0x1ad: {  	s10 =	sshll.u32 s10, $0x4;
	s12 =	smov.u32 @p0 s0  }
0x1ae: {  	s12 =	sadd.s32 s12, s10  }
.LBB2_48:
0x1af: {  	s0 =	sadd.s32 $0x8000000F, s13  }
0x1b0: {  	s10 =	sand.u32 $0xF, s0  }
0x1b1: {  	s13 =	sshra.s32 s0, $0x1F;
	p0 =	slt.s32 s0, $0x1;
	p1 =	sne.s32 s10, $0x0  }
0x1b2: {  	s31 =	sshrl.u32 s13, $0x1C;
	p0 =	por !p0, !p1  }
0x1b3: {  	s0 =	sadd.s32 s31, s0;
	p0 =	por !p0, !p0  }
0x1b4: {  	s0 =	sshra.s32 s0, $0x4;
	s11 =	simm.s32 @!p0 $0x0  }
0x1b5: {  	s13 =	ssub.s32 s0, s11  }
0x1b6: {  	p0 =	slt.s32 s13, $0x1  }
.Ltmp34:
0x1b7: {  	_ = 	snop;
	(pc) =	sbr.rel @p0 .LBB2_52-.Ltmp34, $1  }
0x1b8: {  	_ =	sdelay $0x3  }
0x1b9: {  	s0 =	sshll.u32 s12, $0x2  }
0x1ba: {  	s0 =	sshra.s32 s0, $0x2  }
0x1bb: {  	s11 =	simm.s32 $0x7200;
	s10 =	simm.s32 $0x1;
	s19 =	sadd.s32 s0, s6  }
0x1bc: {  	[spmem:s19] =	stream.linear.scatter [tilespmem:s11], [sflag:$0x1], $0x10, $0x38;
	[tilespmem:$0x11DD0] =	vst v63  }
0x1bd: {  	_ =	swait.ge [sflag:s10], $0x10  }
0x1be: {  	[sflag:s10] =	ssyncset.done $0x0  }
0x1bf: {  	s29 =	simm.s32 $0x8600;
	s18 =	sadd.s32 s0, s3;
	[sflag:s10] =	ssyncadd.s32 $0xFFFFFFF0  }
0x1c0: {  	[spmem:s18] =	stream.linear.scatter [tilespmem:s29], [sflag:$0x1], $0x10, $0x38;
	[tilespmem:$0x11DD0] =	vst v63  }
0x1c1: {  	_ =	swait.ge [sflag:s10], $0x10  }
0x1c2: {  	s30 =	simm.s32 $0x9A00;
	[sflag:s10] =	ssyncset.done $0x0  }
0x1c3: {  	s31 =	simm.s32 $0xAE00;
	s11 =	sadd.s32 s0, s2;
	[sflag:s10] =	ssyncadd.s32 $0xFFFFFFF0  }
0x1c4: {  	[spmem:s11] =	stream.linear.scatter [tilespmem:s30], [sflag:$0x1], $0x10, $0x38;
	[tilespmem:$0x11DD0] =	vst v63  }
0x1c5: {  	p0 =	sne.s32 s13, $0x1;
	s13 =	sadd.s32 $0xFFFFFFFF, s13;
	_ =	swait.ge [sflag:s10], $0x10  }
.Ltmp35:
0x1c6: {  	s14 =	simm.s32 $0x9A10;
	[sflag:s10] =	ssyncset.done $0x0;
	(pc) =	sbr.rel @!p0 .LBB2_51-.Ltmp35, $4  }
0x1c7: {  	s15 =	simm.s32 $0xAE10;
	s12 =	sadd.s32 s0, s1;
	[sflag:s10] =	ssyncadd.s32 $0xFFFFFFF0  }
0x1c8: {  	[spmem:s12] =	stream.linear.scatter [tilespmem:s31], [sflag:$0x1], $0x10, $0x38;
	[tilespmem:$0x11DD0] =	vst v63  }
0x1c9: {  	s16 =	simm.s32 $0x7210;
	s17 =	simm.s32 $0x8610;
	_ =	swait.ge [sflag:s10], $0x10  }
0x1ca: {  	s19 =	sadd.s32 $0x10, s19;
	s18 =	sadd.s32 $0x10, s18;
	[sflag:s10] =	ssyncset.done $0x0  }
.LBB2_50:
0x1cb: {  	[sflag:s10] =	ssyncadd.s32 $0xFFFFFFF0;
	s12 =	sadd.s32 $0x10, s12;
	s11 =	sadd.s32 $0x10, s11  }
0x1cc: {  	[spmem:s19] =	stream.linear.scatter [tilespmem:s16], [sflag:$0x1], $0x10, $0x38;
	[tilespmem:$0x11DD0] =	vst v63  }
0x1cd: {  	p0 =	sne.s32 s13, $0x1;
	s13 =	sadd.s32 $0xFFFFFFFF, s13;
	_ =	swait.ge [sflag:s10], $0x10  }
0x1ce: {  	s0 =	smov.u32 s15;
	[sflag:s10] =	ssyncset.done $0x0  }
0x1cf: {  	[sflag:s10] =	ssyncadd.s32 $0xFFFFFFF0  }
0x1d0: {  	[spmem:s18] =	stream.linear.scatter [tilespmem:s17], [sflag:$0x1], $0x10, $0x38;
	[tilespmem:$0x11DD0] =	vst v63  }
0x1d1: {  	_ =	swait.ge [sflag:s10], $0x10  }
0x1d2: {  	[sflag:s10] =	ssyncset.done $0x0  }
0x1d3: {  	[sflag:s10] =	ssyncadd.s32 $0xFFFFFFF0  }
0x1d4: {  	[spmem:s11] =	stream.linear.scatter [tilespmem:s14], [sflag:$0x1], $0x10, $0x38;
	[tilespmem:$0x11DD0] =	vst v63  }
0x1d5: {  	_ =	swait.ge [sflag:s10], $0x10  }
.Ltmp36:
0x1d6: {  	[sflag:s10] =	ssyncset.done $0x0;
	(pc) =	sbr.rel @p0 .LBB2_50-.Ltmp36, $4  }
0x1d7: {  	s15 =	sadd.s32 $0x10, s15;
	s14 =	sadd.s32 $0x10, s14;
	[sflag:s10] =	ssyncadd.s32 $0xFFFFFFF0  }
0x1d8: {  	[spmem:s12] =	stream.linear.scatter [tilespmem:s0], [sflag:$0x1], $0x10, $0x38;
	[tilespmem:$0x11DD0] =	vst v63  }
0x1d9: {  	s16 =	sadd.s32 $0x10, s16;
	s17 =	sadd.s32 $0x10, s17;
	_ =	swait.ge [sflag:s10], $0x10  }
0x1da: {  	s19 =	sadd.s32 $0x10, s19;
	s18 =	sadd.s32 $0x10, s18;
	[sflag:s10] =	ssyncset.done $0x0  }
.LBB2_51:
0x1db: {  	[sflag:s10] =	ssyncadd.s32 $0xFFFFFFF0  }
.LBB2_52:
0x1dc: {  	p0 =	sne.s32 s9, $0x0;
	[bflag:$0x0] =	sbarrier.arrive $0xFFFF  }
0x1dd: {  	_ =	sfence.sel @p0 $0x180000  }
0x1de: {  	[bflag:$0x0] =	sbarrier.arrive @p0 $0xFFFF  }
0x1df: {  	_ =	strace @p0 $0x9000004A  }
0x1e0: {  	s0 =	sshrl.u32 @!p0 s6, $0x3;
	s6 =	simm.s32 @!p0 $0x1C01;
	[bflag:$0x2] =	sbarrier.arrive @p0 $0xFFFF  }
0x1e1: {  	[hbm:s8], [sflag:s6] =	dma.local @!p0 [spmem:s0], $0x2A0  }
0x1e2: {  	s0 =	simm.s32 @!p0 $0x1  }
0x1e3: {  	_ =	swait.ge @!p0 [sflag:s0], $0x2A0  }
0x1e4: {  	[sflag:s0] =	ssyncset.done @!p0 $0x0  }
0x1e5: {  	s3 =	sshrl.u32 @!p0 s3, $0x3;
	[sflag:s0] =	ssyncadd.s32 @!p0 $0xFFFFFD60  }
0x1e6: {  	[hbm:s7], [sflag:s6] =	dma.local @!p0 [spmem:s3], $0x2A0  }
0x1e7: {  	_ =	swait.ge @!p0 [sflag:s0], $0x2A0  }
0x1e8: {  	[sflag:s0] =	ssyncset.done @!p0 $0x0  }
0x1e9: {  	s2 =	sshrl.u32 @!p0 s2, $0x3;
	[sflag:s0] =	ssyncadd.s32 @!p0 $0xFFFFFD60  }
0x1ea: {  	[hbm:s5], [sflag:s6] =	dma.local @!p0 [spmem:s2], $0x2A0  }
0x1eb: {  	_ =	swait.ge @!p0 [sflag:s0], $0x2A0  }
0x1ec: {  	[sflag:s0] =	ssyncset.done @!p0 $0x0  }
0x1ed: {  	s1 =	sshrl.u32 @!p0 s1, $0x3;
	[sflag:s0] =	ssyncadd.s32 @!p0 $0xFFFFFD60  }
0x1ee: {  	[hbm:s4], [sflag:s6] =	dma.local @!p0 [spmem:s1], $0x2A0  }
0x1ef: {  	_ =	swait.ge @!p0 [sflag:s0], $0x2A0  }
0x1f0: {  	[sflag:s0] =	ssyncset.done @!p0 $0x0  }
0x1f1: {  	[sflag:s0] =	ssyncadd.s32 @!p0 $0xFFFFFD60  }
0x1f2: {  	_ =	sfence.sel @!p0 $0x180000  }
0x1f3: {  	[bflag:$0x0] =	sbarrier.arrive @!p0 $0xFFFF  }
0x1f4: {  	_ =	strace @!p0 $0x9000004A  }
0x1f5: {  	[bflag:$0x2] =	sbarrier.arrive @!p0 $0xFFFF  }
0x1f6: {  	s0 =	rddreg [dreg:$0xb]  }
0x1f7: {  	s0 =	sadd.s32 @!p0 $0x100000, s0  }
0x1f8: {  	[sflag:s0] =	ssyncadd.tile.s32 @!p0 $0x1;
	_ =	shalt  }
.LBB2_36:
.Ltmp37:
0x1f9: {  	(pc) =	sbr.rel .LBB2_47-.Ltmp37, $2  }
0x1fa: {  	_ =	sdelay $0x2  }
0x1fb: {  	s16 =	simm.s32 $0x0  }
.LBB2_38:
.Ltmp38:
0x1fc: {  	(pc) =	sbr.rel .LBB2_47-.Ltmp38, $2  }
0x1fd: {  	_ =	sdelay $0x2  }
0x1fe: {  	s16 =	simm.s32 $0x0  }
.LBB2_40:
.Ltmp39:
0x1ff: {  	(pc) =	sbr.rel .LBB2_47-.Ltmp39, $2  }
0x200: {  	_ =	sdelay $0x2  }
0x201: {  	s16 =	simm.s32 $0x0  }
.LBB2_42:
.Ltmp40:
0x202: {  	(pc) =	sbr.rel .LBB2_47-.Ltmp40, $3  }
0x203: {  	_ =	sdelay $0x1  }
0x204: {  	s17 =	smov.u32 s10;
	s20 =	smov.u32 s15;
	_ =	sdelay $0x1  }
0x205: {  	s16 =	simm.s32 $0x0;
	p5 =	por p4, p4;
	s18 =	smov.u32 s14  }
.LBB2_44:
.Ltmp41:
0x206: {  	(pc) =	sbr.rel .LBB2_47-.Ltmp41, $2  }
0x207: {  	_ =	sdelay $0x2  }
0x208: {  	s16 =	simm.s32 $0x0  }
.Lfunc_end2:
_tile_overlayer_lowered:
.L_overlay_start_2:
0x209: {  	(tag) =	ssettag $0x2  }
0x20a: {  	s0 =	rddreg [dreg:$0x0];
	s2 =	stileid.u32  }
0x20b: {  	s1 =	rddreg [dreg:$0x1];
	p0 =	sne.s32 s2, $0x0  }
0x20c: {  	s3 =	rddreg [dreg:$0x2];
	[bflag:$0x3] =	sbarrier.arrive $0xFFFF;
	s2 =	simm.s32 @!p0 $0x1C01  }
0x20d: {  	[timem:s3], [sflag:s2] =	dma.local @!p0 [hbm:s0], s1  }
0x20e: {  	s0 =	simm.s32 @!p0 $0x1  }
0x20f: {  	_ =	swait.ge @!p0 [sflag:s0], s1  }
0x210: {  	s1 =	ssub.s32 @!p0 $0x0, s1;
	[sflag:s0] =	ssyncset.done @!p0 $0x0  }
0x211: {  	[sflag:s0] =	ssyncadd.s32 @!p0 s1  }
0x212: {  	[bflag:$0x3] =	sbarrier.arrive $0xFFFF  }
0x213: {  	_ =	shalt  }

// kernel: kernel.14.cloned.1.call-start
scs
__scs_entry_jumppad:
0x0: {  	(pc) =	sbr.rel $0x88, $3  }
0x1: {  	(tag) =	ssettag $0x0;
	lr =	simm.s32 $0x1  }
0x2: {  	[smem:$0x3F9E] =	sst lr;
	_ =	strace $0xD0000000  }
0x3: {  	_ = 	snop  }
0x4: {  	_ = 	snop  }
0x5: {  	_ = 	snop  }
0x6: {  	_ = 	snop  }
0x7: {  	_ = 	snop  }
__scs_overlays_trampoline_lowered:
0x8: {  	[smem:$0x3FAD] =	sst s0  }
0x9: {  	[smem:$0x3FAE] =	sst s1  }
0xa: {  	[smem:$0x3FAF] =	sst s2  }
0xb: {  	[smem:$0x3FB0] =	sst s3  }
0xc: {  	[smem:$0x3FB1] =	sst s4  }
0xd: {  	[smem:$0x3FB2] =	sst s5  }
0xe: {  	[smem:$0x3FB3] =	sst s6  }
0xf: {  	[smem:$0x3FB4] =	sst s7  }
0x10: {  	[smem:$0x3FB5] =	sst s8  }
0x11: {  	[smem:$0x3FB6] =	sst s9;
	s0 =	simm.s32 @!p0 $0x0  }
0x12: {  	s1 =	sld [smem:$0x3F9C];
	s0 =	simm.s32 @p0 $0x1  }
0x13: {  	[smem:$0x3FB7] =	sst s0;
	s0 =	simm.s32 @!p1 $0x0  }
0x14: {  	s2 =	sld [smem:$0x3F9B];
	s0 =	simm.s32 @p1 $0x1  }
0x15: {  	[smem:$0x3FB8] =	sst s0;
	s0 =	simm.s32 @!p2 $0x0  }
0x16: {  	s3 =	sld [smem:$0x3FDB];
	s0 =	simm.s32 @p2 $0x1  }
0x17: {  	s4 =	simm.s32 $0x1BF5;
	[smem:$0x3FBA] =	sst s0  }
0x18: {  	s0 =	sld [smem:$0x3F9D];
	_ =	swait.ge [sflag:s4], $0x0  }
0x19: {  	s7 =	sld [smem:$0x3F9E]  }
0x1a: {  	s8 =	sadd.s32 $0xFFFFE003, lr  }
0x1b: {  	s9 =	sadd.s32 $0xFFFFFEF7, lr;
	s5 =	simm.s32 $0xFFFFFFFF;
	p2 =	slt.u32 s8, $0xFFFFF086  }
0x1c: {  	p1 =	slt.u32 s9, $0xF7A;
	s5 =	simm.s32 @!p2 $0x0  }
0x1d: {  	s5 =	simm.s32 @p1 $0x1;
	p0 =	seq.s32 s7, s2  }
0x1e: {  	s7 =	smul.u32 @!p0 $0xF7A, s2;
	p2 =	seq.s32 @!p0 s5, $0x0  }
0x1f: {  	s9 =	smul.u32 $0xF7A, s1;
	s8 =	simm.s32 @!p0 $0x1BF5;
	p2 =	por !p2, p0  }
0x20: {  	[sflag:s8] =	ssyncset.s32 @!p0 $0xFFFFF086;
	s6 =	sadd.s32 @!p0 s3, s7;
	s7 =	simm.s32 @!p0 $0x108  }
0x21: {  	s3 =	sadd.s32 s3, s9;
	s6 =	sadd.s32 @!p0 $0x88, s6;
	s7 =	simm.s32 @p2 $0x1082  }
0x22: {  	[simem:s7], [sflag:s8] =	dma.local @!p0 [hbm:s6], $0xF7A  }
0x23: {  	s9 =	sor.u32 $0xD0000000, s2;
	s6 =	simm.s32 $0x108;
	_ =	swait.ge @!p0 [sflag:s8], $0x0  }
0x24: {  	s3 =	sadd.s32 $0x88, s3;
	s6 =	simm.s32 @!p1 $0x1082;
	[sflag:s4] =	ssyncset.s32 $0xFFFFF086  }
0x25: {  	[simem:s6], [sflag:s4] =	dma.local [hbm:s3], $0xF7A  }
0x26: {  	[smem:$0x3F9E] =	sst s1;
	(tag) =	ssettag s2;
	_ =	strace s9  }
0x27: {  	s1 =	sld [smem:$0x3FAE]  }
0x28: {  	s2 =	sld [smem:$0x3FAF]  }
0x29: {  	s4 =	sld [smem:$0x3FB1]  }
0x2a: {  	p0 =	seq.s32 s5, $0x0;
	s5 =	sld [smem:$0x3FB2]  }
0x2b: {  	s6 =	sld [smem:$0x3FB3]  }
0x2c: {  	s7 =	sld [smem:$0x3FB4]  }
0x2d: {  	s3 =	simm.s32 $0x108;
	s8 =	sld [smem:$0x3FB5]  }
0x2e: {  	s3 =	simm.s32 @!p0 $0x1082;
	s9 =	sld [smem:$0x3FB6]  }
0x2f: {  	lr =	sadd.s32 s0, s3;
	s0 =	sld [smem:$0x3FAD]  }
0x30: {  	s3 =	sld [smem:$0x3FB0]  }
0x31: {  	[smem:$0x3FB9] =	sst s10  }
0x32: {  	s10 =	sld [smem:$0x3FB7];
	_ =	sdelay $0x3  }
0x33: {  	p0 =	seq.s32 s10, $0x1;
	s10 =	sld [smem:$0x3FB9];
	_ =	sdelay $0x3  }
0x34: {  	[smem:$0x3FB9] =	sst s10  }
0x35: {  	s10 =	sld [smem:$0x3FB8];
	_ =	sdelay $0x3  }
0x36: {  	p1 =	seq.s32 s10, $0x1;
	s10 =	sld [smem:$0x3FB9];
	_ =	sdelay $0x3  }
0x37: {  	[smem:$0x3FB9] =	sst s10  }
0x38: {  	s10 =	sld [smem:$0x3FBA]  }
0x39: {  	_ = 	snop;
	(pc) =	sbr.ind lr, $3  }
0x3a: {  	_ = 	snop  }
0x3b: {  	_ = 	snop  }
0x3c: {  	p2 =	seq.s32 s10, $0x1;
	s10 =	sld [smem:$0x3FB9]  }
0x3d: {  	_ =	shalt  }
0x3e: {  	_ =	shalt  }
0x3f: {  	_ =	shalt  }
0x40: {  	_ =	shalt  }
0x41: {  	_ =	shalt  }
0x42: {  	_ =	shalt  }
0x43: {  	_ =	shalt  }
0x44: {  	_ =	shalt  }
0x45: {  	_ =	shalt  }
0x46: {  	_ =	shalt  }
0x47: {  	_ =	shalt  }
0x48: {  	_ =	shalt  }
0x49: {  	_ =	shalt  }
0x4a: {  	_ =	shalt  }
0x4b: {  	_ =	shalt  }
0x4c: {  	_ =	shalt  }
0x4d: {  	_ =	shalt  }
0x4e: {  	_ =	shalt  }
0x4f: {  	_ =	shalt  }
0x50: {  	_ =	shalt  }
0x51: {  	_ =	shalt  }
0x52: {  	_ =	shalt  }
0x53: {  	_ =	shalt  }
0x54: {  	_ =	shalt  }
0x55: {  	_ =	shalt  }
0x56: {  	_ =	shalt  }
0x57: {  	_ =	shalt  }
0x58: {  	_ =	shalt  }
0x59: {  	_ =	shalt  }
0x5a: {  	_ =	shalt  }
0x5b: {  	_ =	shalt  }
0x5c: {  	_ =	shalt  }
0x5d: {  	_ =	shalt  }
0x5e: {  	_ =	shalt  }
0x5f: {  	_ =	shalt  }
0x60: {  	_ =	shalt  }
0x61: {  	_ =	shalt  }
0x62: {  	_ =	shalt  }
0x63: {  	_ =	shalt  }
0x64: {  	_ =	shalt  }
0x65: {  	_ =	shalt  }
0x66: {  	_ =	shalt  }
0x67: {  	_ =	shalt  }
0x68: {  	_ =	shalt  }
0x69: {  	_ =	shalt  }
0x6a: {  	_ =	shalt  }
0x6b: {  	_ =	shalt  }
0x6c: {  	_ =	shalt  }
0x6d: {  	_ =	shalt  }
0x6e: {  	_ =	shalt  }
0x6f: {  	_ =	shalt  }
0x70: {  	_ =	shalt  }
0x71: {  	_ =	shalt  }
0x72: {  	_ =	shalt  }
0x73: {  	_ =	shalt  }
0x74: {  	_ =	shalt  }
0x75: {  	_ =	shalt  }
0x76: {  	_ =	shalt  }
0x77: {  	_ =	shalt  }
0x78: {  	_ =	shalt  }
0x79: {  	_ =	shalt  }
0x7a: {  	_ =	shalt  }
0x7b: {  	_ =	shalt  }
0x7c: {  	_ =	shalt  }
0x7d: {  	_ =	shalt  }
0x7e: {  	_ =	shalt  }
0x7f: {  	_ =	shalt  }
0x80: {  	_ =	shalt  }
0x81: {  	_ =	shalt  }
0x82: {  	_ =	shalt  }
0x83: {  	_ =	shalt  }
0x84: {  	_ =	shalt  }
0x85: {  	_ =	shalt  }
0x86: {  	_ =	shalt  }
0x87: {  	_ =	shalt  }
.Lfunc_end0:
.L_simem_size_0:
called_computation.2_lowered:
.L_overlay_start_0:
0x88: {  	s0 =	sld [smem:$0x3FD9]  }
0x89: {  	s1 =	sld [smem:$0x3FFE];
	_ =	sdelay $0x3  }
0x8a: {  	s0 =	sadd.s32 s1, s0  }
0x8b: {  	[smem:$0x3FC5] =	sst s0  }
0x8c: {  	_ = 	snop  }
0x8d: {  	s0 =	sld [smem:$0x3FC9]  }
0x8e: {  	s16 =	sld [smem:$0x3FD0];
	(tm) =	ssettm $0x1  }
0x8f: {  	s2 =	sld [smem:$0x3FFB];
	_ =	sdelay $0x3  }
0x90: {  	_ =	strace s2  }
0x91: {  	s2 =	sld [smem:$0x3FFC];
	_ =	sdelay $0x3  }
0x92: {  	_ =	strace s2  }
0x93: {  	s2 =	sld [smem:$0x3FFD];
	_ =	sdelay $0x3  }
0x94: {  	_ =	strace s2  }
0x95: {  	_ =	strace $0x8FFFFFFF  }
0x96: {  	s17 =	sld [smem:$0x3FDB];
	_ =	sdelay $0x1  }
0x97: {  	s3 =	simm.s32 $_scs_section_size  }
0x98: {  	s4 =	simm.s32 $_size__tile_overlayer_lowered;
	s5 =	simm.s32 $_tile_overlayer_lowered  }
0x99: {  	s20 =	simm.s32 $0x1BFF;
	s19 =	sshll.u32 s5, $0x1;
	s2 =	sadd.s32 s3, s17  }
0x9a: {  	s6 =	simm.s32 $0x0;
	s18 =	sshll.u32 s4, $0x1;
	s4 =	sadd.s32 s19, s2  }
0x9b: {  	[timem:s6], [sflag:s20] =	dma.local [hbm:s4], s18  }
0x9c: {  	_ =	swait.ge [sflag:s20], s18  }
0x9d: {  	s3 =	ssub.s32 $0x0, s18;
	[sflag:s20] =	ssyncset.done $0x0  }
0x9e: {  	[sflag:s20] =	ssyncadd.s32 s3;
	_ =	sdelay $0x1  }
0x9f: {  	s21 =	simm.s32 $0x1B8B  }
0xa0: {  	_ =	swait.ge [sflag:s21], $0x1  }
0xa1: {  	[sflag:s21] =	ssyncset.done $0x0  }
0xa2: {  	s23 =	simm.s32 $0x1B8E;
	s22 =	sld [smem:$0x3FFE];
	[sflag:s21] =	ssyncadd.s32 $0xFFFFFFFF  }
0xa3: {  	s24 =	simm.s32 $execute0_lowered;
	[smem:$0x3FD2] =	sst s23  }
0xa4: {  	s4 =	sshll.u32 s24, $0x1;
	_ =	strace $0x8000004C;
	[dreg:$0x1] =	wrdreg $0xFFFFFFFF  }
0xa5: {  	s25 =	simm.s32 $_size_execute0_lowered;
	s2 =	sadd.s32 s2, s4;
	[dreg:$0x0] =	wrdreg $0x0  }
0xa6: {  	s4 =	sshll.u32 s25, $0x1;
	[dreg:$0x2] =	wrdreg s2  }
0xa7: {  	[dreg:$0x3] =	wrdreg s4  }
0xa8: {  	[dreg:$0x4] =	wrdreg $0xC0  }
0xa9: {  	_ =	task [dreg:s6], $0x5FFFF  }
0xaa: {  	[dreg:$0x1] =	wrdreg $0xFFFFFFFF  }
0xab: {  	[dreg:$0x0] =	wrdreg $0x60  }
0xac: {  	[dreg:$0x2] =	wrdreg s22  }
0xad: {  	[dreg:$0x3] =	wrdreg s0  }
0xae: {  	[dreg:$0x4] =	wrdreg s16  }
0xaf: {  	[dreg:$0x5] =	wrdreg $0x147000  }
0xb0: {  	[dreg:$0x6] =	wrdreg $0x149800  }
0xb1: {  	[dreg:$0x7] =	wrdreg $0x9  }
0xb2: {  	_ =	task.clear_ibuf [dreg:s6], $0x8FFFF;
	_ =	strace $0x9000004C  }
0xb3: {  	s26 =	simm.s32 $0x9;
	_ =	strace $0x8000004E  }
0xb4: {  	_ =	swait.ge [sflag:s26], $0x1  }
0xb5: {  	[sflag:s26] =	ssyncadd.s32 $0xFFFFFFFF  }
0xb6: {  	_ =	strace $0x9000004E  }
0xb7: {  	_ =	sfence  }
0xb8: {  	s28 =	sld [smem:$0x0];
	_ =	sdelay $0x1  }
0xb9: {  	s29 =	srdreg.scid  }
0xba: {  	s30 =	sshll.u32 s29, $0xD;
	s31 =	sshrl.u32 s29, $0x2  }
0xbb: {  	s1 =	sand.u32 $0x1, s29;
	s2 =	sand.u32 $0x4000, s30;
	s0 =	sadd.s32 s31, s28  }
0xbc: {  	s1 =	sor.u32 s2, s1;
	s0 =	sshll.u32 s0, $0x11  }
0xbd: {  	s0 =	sor.u32 s0, s1  }
0xbe: {  	s0 =	sadd.s32 $0x8F2B, s0  }
0xbf: {  	[sflag:s0] =	ssyncadd.remote.s32 $0x1  }
0xc0: {  	_ =	sfence.sel $0xFFFF  }
0xc1: {  	[dreg:$0x0] =	wrdreg $0xFFFFFFFF;
	(pc) =	sbr.abs _section_cstart, $3  }
0xc2: {  	[dreg:$0x1] =	wrdreg $0xFFFFFFFF  }
0xc3: {  	_ =	task.clear_ibuf [dreg:s6], $0x2FFFF;
	_ =	strace $0x9FFFFFFF  }
0xc4: {  	(tm) =	ssettm $0x7FFFFFFF  }
0xc5: {  	_ =	shalt  }
tec
execute0_lowered:
.L_overlay_start_1:
0x0: {  	(tag) =	ssettag $0x1  }
0x1: {  	s8 =	rddreg [dreg:$0x0]  }
0x2: {  	s1 =	rddreg [dreg:$0x1];
	s7 =	stileid.u32  }
0x3: {  	s2 =	rddreg [dreg:$0x2];
	p0 =	sne.s32 s7, $0x0  }
.Ltmp0:
0x4: {  	s3 =	rddreg [dreg:$0x3];
	(pc) =	sbr.rel @p0 .LBB2_12-.Ltmp0, $4  }
0x5: {  	s4 =	rddreg [dreg:$0x4]  }
0x6: {  	s0 =	rddreg [dreg:$0x5];
	s5 =	simm.s32 $0x0  }
0x7: {  	[smem:$0x7FF] =	sst s5  }
0x8: {  	s6 =	simm.s32 $0x5;
	p1 =	seq.s32 s7, $0xF;
	_ =	strace $0x8000004D  }
0x9: {  	s9 =	sadd.s32 $0x14C00, s8;
	s10 =	simm.s32 $0x0;
	s24 =	simm.s32 $0x3  }
0xa: {  	[tilespmem:s10], [sflag:$0x3] =	stream.linear.gather [hbm4b:s9+s10], $0x1500, $0x38;
	[tilespmem:$0x14C00] =	vst v63  }
0xb: {  	_ =	swait.ge [sflag:s24], $0x1500  }
0xc: {  	[sflag:s24] =	ssyncset.done $0x0  }
0xd: {  	s11 =	sadd.s32 $0x15000, s8;
	s12 =	simm.s32 $0x1500;
	[sflag:s24] =	ssyncadd.s32 $0xFFFFEB00  }
0xe: {  	[tilespmem:s12], [sflag:$0x3] =	stream.linear.gather [hbm4b:s11+s10], $0x1500, $0x38;
	[tilespmem:$0x14C00] =	vst v63  }
0xf: {  	_ =	swait.ge [sflag:s24], $0x1500  }
0x10: {  	[sflag:s24] =	ssyncset.done $0x0  }
0x11: {  	s25 =	sadd.s32 $0x15400, s8;
	s26 =	simm.s32 $0x2A00;
	[sflag:s24] =	ssyncadd.s32 $0xFFFFEB00  }
0x12: {  	[tilespmem:s26], [sflag:$0x3] =	stream.linear.gather [hbm4b:s25+s10], $0x1500, $0x38;
	[tilespmem:$0x14C00] =	vst v63  }
0x13: {  	_ =	swait.ge [sflag:s24], $0x1500  }
0x14: {  	[sflag:s24] =	ssyncset.done $0x0  }
0x15: {  	s28 =	sadd.s32 $0xC00, s8;
	s29 =	simm.s32 $0x3F00;
	[sflag:s24] =	ssyncadd.s32 $0xFFFFEB00  }
0x16: {  	[tilespmem:s29], [sflag:$0x3] =	stream.linear.gather [hbm4b:s28+s10], $0x1500, $0x38;
	[tilespmem:$0x14C00] =	vst v63  }
0x17: {  	_ =	swait.ge [sflag:s24], $0x1500  }
0x18: {  	[sflag:s24] =	ssyncset.done $0x0  }
0x19: {  	s30 =	sadd.s32 $0x15800, s8;
	s31 =	simm.s32 $0x5400;
	[sflag:s24] =	ssyncadd.s32 $0xFFFFEB00  }
0x1a: {  	[tilespmem:s31], [sflag:$0x3] =	stream.linear.gather [hbm4b:s30+s10], $0x100, $0x38;
	[tilespmem:$0x14C00] =	vst v63  }
0x1b: {  	_ =	swait.ge [sflag:s24], $0x100  }
0x1c: {  	[sflag:s24] =	ssyncset.done $0x0  }
0x1d: {  	v0 =	vimm.s32 $0xFFFFFFFF;
	v1 =	vimm.s32 $0x0;
	s8 =	simm.s32 $0x0;
	[sflag:s24] =	ssyncadd.s32 $0xFFFFFF00  }
.LBB2_2:
0x1e: {  	p2 =	sne.s32 s8, $0x9FC0  }
.Ltmp1:
0x1f: {  	_ = 	snop;
	(pc) =	sbr.rel @p2 .LBB2_2-.Ltmp1, $4  }
0x20: {  	s9 =	sshra.s32 s8, $0x2  }
0x21: {  	[tilespmem:s9+$0x5500] =	vst v0  }
0x22: {  	[tilespmem:s9+$0x7D00] =	vst v0  }
0x23: {  	s8 =	sadd.s32 $0x40, s8;
	[tilespmem:s9+$0xA500] =	vst v1  }
0x24: {  	s8 =	simm.s32 $0x0  }
0x25: {  	v0 =	vld [tilespmem:s8+$0x5400];
	_ =	sdelay $0x4  }
0x26: {  	(v2sf) =	vpush v0, $0x0  }
0x27: {  	s26 =	simm.s32 $0x10  }
0x28: {  	v62 =	vld [tilespmem:s26+$0x5400];
	_ =	sdelay $0x4  }
0x29: {  	(v2sf) =	vpush v62, $0x0;
	_ =	sdelay $0x1  }
0x2a: {  	s28 =	simm.s32 $0x20  }
0x2b: {  	s29 =	simm.s32 $0x30;
	v63 =	vld [tilespmem:s28+$0x5400]  }
0x2c: {  	v1 =	vld [tilespmem:s29+$0x5400];
	_ =	sdelay $0x3  }
0x2d: {  	s11 =	spop (v2sf);
	(v2sf) =	vpush v63, $0x0  }
0x2e: {  	s12 =	sadd.s32 $0xF, s11;
	(v2sf) =	vpush v1, $0x0  }
0x2f: {  	s9 =	simm.s32 $0x1;
	s30 =	sand.u32 $0xF, s12  }
0x30: {  	s13 =	sshra.s32 s12, $0x1F;
	p2 =	slt.s32 s12, $0x1;
	p3 =	sne.s32 s30, $0x0  }
0x31: {  	s14 =	simm.s32 $0x1;
	s31 =	sshrl.u32 s13, $0x1C;
	p2 =	por !p2, !p3  }
0x32: {  	s8 =	sadd.s32 $0x0, s11;
	s11 =	sadd.s32 s31, s12;
	p2 =	por !p2, !p2  }
0x33: {  	s13 =	simm.s32 $0x40;
	s15 =	sshrl.u32 s11, $0x4;
	s14 =	simm.s32 @!p2 $0x0  }
0x34: {  	s12 =	simm.s32 $0x140;
	s11 =	spop (v2sf);
	s14 =	ssub.s32 s15, s14  }
.LBB2_4:
0x35: {  	p2 =	sne.s32 s12, $0x3C0  }
0x36: {  	v0 =	vld [tilespmem:s13+$0x5400];
	s13 =	sadd.s32 $0xF, s11;
	s14 =	sshll.u32 s14, $0x4;
	s8 =	sadd.s32 s8, s11  }
0x37: {  	s15 =	sand.u32 $0xF, s13;
	s10 =	sadd.s32 s10, s14;
	s11 =	sshra.s32 s13, $0x1F  }
.Ltmp2:
0x38: {  	p3 =	slt.s32 s13, $0x1;
	p4 =	sne.s32 s15, $0x0;
	(pc) =	sbr.rel @p2 .LBB2_4-.Ltmp2, $4  }
0x39: {  	s11 =	sshrl.u32 s11, $0x1C;
	p3 =	por !p3, !p4  }
0x3a: {  	s15 =	simm.s32 $0x1;
	s11 =	sadd.s32 s11, s13;
	p3 =	por !p3, !p3  }
0x3b: {  	s13 =	sshra.s32 s12, $0x2;
	s14 =	sshrl.u32 s11, $0x4;
	(v2sf) =	vpush v0, $0x0;
	s15 =	simm.s32 @!p3 $0x0  }
0x3c: {  	s12 =	sadd.s32 $0x40, s12;
	s11 =	spop (v2sf);
	s14 =	ssub.s32 s14, s15  }
0x3d: {  	_ = 	snop  }
0x3e: {  	v0 =	vld [tilespmem:s13+$0x5400];
	_ =	sdelay $0x4  }
0x3f: {  	(v2sf) =	vpush v0, $0x0;
	_ =	sdelay $0x1  }
0x40: {  	s12 =	sadd.s32 $0xF, s11  }
0x41: {  	s24 =	sshll.u32 s14, $0x4;
	s14 =	simm.s32 $0x1;
	s25 =	sand.u32 $0xF, s12  }
0x42: {  	s15 =	sshra.s32 s12, $0x1F;
	p2 =	slt.s32 s12, $0x1;
	s13 =	sadd.s32 s10, s24  }
0x43: {  	s10 =	spop (v2sf);
	p3 =	sne.s32 s25, $0x0;
	s26 =	sshrl.u32 s15, $0x1C  }
0x44: {  	s28 =	sadd.s32 $0xF, s10;
	s15 =	simm.s32 $0x1;
	p2 =	por !p2, !p3  }
0x45: {  	s12 =	sadd.s32 s26, s12;
	s29 =	sand.u32 $0xF, s28;
	s16 =	sshra.s32 s28, $0x1F  }
0x46: {  	p5 =	slt.s32 s28, $0x1;
	p2 =	por !p2, !p2;
	s12 =	sshrl.u32 s12, $0x4  }
0x47: {  	p6 =	sne.s32 s29, $0x0;
	s30 =	sshrl.u32 s16, $0x1C;
	s14 =	simm.s32 @!p2 $0x0  }
0x48: {  	p2 =	por !p5, !p6;
	s12 =	ssub.s32 s12, s14;
	s14 =	sadd.s32 s30, s28  }
0x49: {  	p2 =	por !p2, !p2;
	s12 =	sshll.u32 s12, $0x4;
	s14 =	sshrl.u32 s14, $0x4  }
0x4a: {  	s15 =	simm.s32 @!p2 $0x0;
	s12 =	sadd.s32 s13, s12;
	s16 =	spop (v2sf)  }
0x4b: {  	s31 =	ssub.s32 s14, s15;
	s15 =	simm.s32 $0x1;
	s17 =	sadd.s32 $0xF, s16  }
0x4c: {  	s13 =	sshll.u32 s31, $0x4;
	s20 =	sand.u32 $0xF, s17;
	s21 =	sshra.s32 s17, $0x1F  }
0x4d: {  	p3 =	slt.s32 s17, $0x1;
	p4 =	sne.s32 s20, $0x0;
	s18 =	spop (v2sf)  }
0x4e: {  	s22 =	sshrl.u32 s21, $0x1C;
	p2 =	por !p3, !p4;
	s19 =	sadd.s32 $0xF, s18  }
0x4f: {  	s14 =	sadd.s32 s22, s17;
	p2 =	por !p2, !p2;
	s23 =	sand.u32 $0xF, s19  }
0x50: {  	s24 =	sshra.s32 s19, $0x1F;
	p6 =	slt.s32 s19, $0x1;
	p5 =	sne.s32 s23, $0x0  }
0x51: {  	s15 =	simm.s32 @!p2 $0x0;
	s17 =	sshrl.u32 s24, $0x1C;
	p2 =	por !p6, !p5  }
0x52: {  	s14 =	sshrl.u32 s14, $0x4;
	s25 =	sadd.s32 s17, s19;
	p2 =	por !p2, !p2  }
0x53: {  	s14 =	ssub.s32 s14, s15;
	s15 =	sshrl.u32 s25, $0x4;
	s9 =	simm.s32 @!p2 $0x0  }
0x54: {  	s12 =	sadd.s32 s12, s13;
	s26 =	sshll.u32 s14, $0x4;
	s9 =	ssub.s32 s15, s9  }
0x55: {  	s12 =	sadd.s32 s12, s26;
	s9 =	sshll.u32 s9, $0x4  }
0x56: {  	s12 =	sadd.s32 s12, s9  }
0x57: {  	s9 =	sshra.s32 s12, $0x1F;
	s28 =	sxor.u32 $0xFFFFFFFF, s12  }
0x58: {  	s29 =	sshrl.u32 s9, $0x1C;
	s13 =	sshrl.u32 s28, $0x1F  }
0x59: {  	s9 =	sadd.s32 s13, s9;
	s30 =	sadd.s32 s12, s29  }
0x5a: {  	s13 =	sadd.s32 $0xF, s30;
	p2 =	sne.s32 s9, $0x1;
	s9 =	simm.s32 $0x1  }
0x5b: {  	s31 =	sshra.s32 s13, $0x4;
	s9 =	simm.s32 @!p2 $0x0  }
0x5c: {  	s15 =	ssub.s32 s31, s9  }
0x5d: {  	p2 =	slt.s32 s15, $0x1  }
.Ltmp3:
0x5e: {  	_ = 	snop;
	(pc) =	sbr.rel @p2 .LBB2_9-.Ltmp3, $4  }
0x5f: {  	s8 =	sadd.s32 s8, s11  }
0x60: {  	s8 =	sadd.s32 s8, s10  }
0x61: {  	s8 =	sadd.s32 s8, s16  }
0x62: {  	s8 =	sadd.s32 s8, s18  }
0x63: {  	s16 =	simm.s32 $0x3F00  }
0x64: {  	s11 =	simm.s32 $0x2A00;
	v3 =	vld [tilespmem:s16+$0x0]  }
0x65: {  	v4 =	vld [tilespmem:s11+$0x0];
	_ =	sdelay $0x2  }
0x66: {  	s9 =	simm.s32 $0x0;
	v1 =	vlaneseq.u32  }
0x67: {  	v0 =	vmov s12;
	v6 =	vor.u32 s9, v1  }
0x68: {  	s10 =	simm.s32 $0x1500;
	v5 =	vld [tilespmem:s9+$0x0];
	vm2 =	vlt.s32 v6, v0;
	vm0 =	vgt.s32 v3, $0x0;
	vm1 =	vgt.f32 v4, $0.0e+00  }
0x69: {  	v4 =	vld [tilespmem:s10+$0x0];
	v3 =	vnsel vm0, $0x0, v3;
	vm0 =	vmand vm2, vm1  }
0x6a: {  	v3 =	vmin.u32 v3, $0x27FF;
	_ =	sdelay $0x2  }
0x6b: {  	vm1 =	vgt.s32 v5, $0x0  }
0x6c: {  	s12 =	simm.s32 $0x5500;
	v63 =	vnsel vm1, $0x0, v5;
	vm1 =	vgt.s32 v4, $0x0  }
0x6d: {  	s13 =	simm.s32 $0x7D00;
	p2 =	seq.s32 s15, $0x1;
	v6 =	vmin.u32 v63, $0x27FF;
	[tilespmem:v3+s12+$0x0] =	vst.idx.msk vm0, v5;
	v5 =	vnsel vm1, $0x0, v4  }
.Ltmp4:
0x6e: {  	[tilespmem:v3+s13+$0x0] =	vst.idx.msk vm0, v4;
	v3 =	vmin.u32 v5, $0x27FF;
	(pc) =	sbr.rel @p2 .LBB2_8-.Ltmp4, $3  }
0x6f: {  	_ =	sdelay $0x1  }
0x70: {  	v2 =	vimm.s32 $0x1;
	s14 =	simm.s32 $0xA500  }
0x71: {  	s15 =	sadd.s32 $0xFFFFFFFF, s15;
	s17 =	simm.s32 $0x10;
	s16 =	simm.s32 $0x3F10;
	[tilespmem:v6+s14+$0x0] =	vst.idx.msk vm0, v2  }
.LBB2_7:
0x72: {  	[tilespmem:v3+s14+$0x0] =	vst.idx.msk vm0, v2;
	s9 =	sadd.s32 $0x10, s9;
	s10 =	sadd.s32 $0x10, s10;
	s11 =	sadd.s32 $0x10, s11  }
0x73: {  	p2 =	seq.s32 s15, $0x1;
	s15 =	sadd.s32 $0xFFFFFFFF, s15;
	v3 =	vld [tilespmem:s16+$0x0]  }
0x74: {  	v4 =	vld [tilespmem:s11+$0x0];
	_ =	sdelay $0x1  }
0x75: {  	v5 =	vld [tilespmem:s9+$0x0]  }
0x76: {  	v6 =	vld [tilespmem:s10+$0x0]  }
0x77: {  	v7 =	vor.u32 s17, v1;
	vm0 =	vgt.s32 v3, $0x0  }
0x78: {  	vm1 =	vlt.s32 v7, v0;
	v3 =	vnsel vm0, $0x0, v3;
	vm0 =	vgt.f32 v4, $0.0e+00  }
0x79: {  	vm0 =	vmand vm1, vm0  }
0x7a: {  	v4 =	vmin.u32 v3, $0x27FF;
	vm1 =	vgt.s32 v5, $0x0  }
0x7b: {  	v3 =	vnsel vm1, $0x0, v5;
	vm1 =	vgt.s32 v6, $0x0  }
0x7c: {  	v7 =	vmin.u32 v3, $0x27FF;
	v3 =	vnsel vm1, $0x0, v6  }
.Ltmp5:
0x7d: {  	v3 =	vmin.u32 v3, $0x27FF;
	(pc) =	sbr.rel @!p2 .LBB2_7-.Ltmp5, $4  }
0x7e: {  	_ = 	snop  }
0x7f: {  	[tilespmem:v4+s12+$0x0] =	vst.idx.msk vm0, v5  }
0x80: {  	[tilespmem:v4+s13+$0x0] =	vst.idx.msk vm0, v6  }
0x81: {  	s17 =	sadd.s32 $0x10, s17;
	s16 =	sadd.s32 $0x10, s16;
	[tilespmem:v7+s14+$0x0] =	vst.idx.msk vm0, v2  }
.LBB2_8:
0x82: {  	_ =	sdelay $0x4  }
0x83: {  	[tilespmem:v3+s14+$0x0] =	vst.idx.msk vm0, v2  }
.LBB2_9:
0x84: {  	v0 =	vmov s8;
	s8 =	simm.s32 $0xA500  }
0x85: {  	v3 =	vld [tilespmem:s8+$0x0];
	_ =	sdelay $0x4  }
0x86: {  	v1 =	vimm.s32 $0x0;
	vm0 =	veq.s32 v3, $0x0  }
0x87: {  	v3 =	vsel vm0, $0x1, v1  }
0x88: {  	(xrf0) =	vadd.scan.msk.s32 $0xffff, v3;
	_ =	sdelay $0x4  }
0x89: {  	v5 =	vadd.s32 v0, v1;
	v4 =	vmpcnt.ones.xlane vm0;
	v3 =	vsel vm0, $0xFFFFFFFF, v1  }
0x8a: {  	v5 =	vadd.s32 v3, v5;
	v6, _, _ =	vpop (xrf0)  }
0x8b: {  	v3 =	vadd.s32 v1, v4;
	v4 =	vadd.s32 v6, v5;
	_ =	sdelay $0x1  }
0x8c: {  	s11 =	simm.s32 $0x0;
	v2 =	vlaneseq.u32  }
0x8d: {  	s9 =	simm.s32 $0x5500;
	s10 =	simm.s32 $0x10;
	v5 =	vor.u32 s11, v2  }
.LBB2_10:
0x8e: {  	p2 =	sne.s32 s10, $0x2700  }
0x8f: {  	[tilespmem:v4+s9+$0x0] =	vst.idx.msk vm0, v5;
	s8 =	sadd.s32 $0x10, s8;
	v4 =	vmov v3;
	s11 =	smov.u32 s10;
	s10 =	sadd.s32 $0x10, s10  }
0x90: {  	v5 =	vld [tilespmem:s8+$0x0];
	_ =	sdelay $0x4  }
0x91: {  	vm0 =	veq.s32 v5, $0x0  }
0x92: {  	v5 =	vsel vm0, $0xFFFFFFFF, v1;
	v6 =	vsel vm0, $0x1, v1;
	v7 =	vmpcnt.ones.xlane vm0  }
0x93: {  	(xrf0) =	vadd.scan.msk.s32 $0xffff, v6  }
0x94: {  	v3 =	vadd.s32 v3, v7;
	_ =	sdelay $0x3  }
0x95: {  	v4 =	vadd.s32 v0, v4  }
0x96: {  	v4 =	vadd.s32 v5, v4;
	v5, _, _ =	vpop (xrf0)  }
.Ltmp6:
0x97: {  	v4 =	vadd.s32 v5, v4;
	(pc) =	sbr.rel @p2 .LBB2_10-.Ltmp6, $2  }
0x98: {  	_ =	sdelay $0x2  }
0x99: {  	v5 =	vor.u32 s11, v2  }
0x9a: {  	_ =	sdelay $0x4  }
0x9b: {  	[tilespmem:v4+s9+$0x0] =	vst.idx.msk vm0, v5;
	s8 =	simm.s32 $0x5500;
	s30 =	simm.s32 $0x3  }
0x9c: {  	[spmem:s3] =	stream.linear.scatter [tilespmem:s8], [sflag:$0x3], $0x2800, $0x38;
	[tilespmem:$0x14C00] =	vst v63  }
0x9d: {  	_ =	swait.ge [sflag:s30], $0x2800  }
0x9e: {  	[sflag:s30] =	ssyncset.done $0x0  }
0x9f: {  	s31 =	simm.s32 $0x7D00;
	[sflag:s30] =	ssyncadd.s32 $0xFFFFD800  }
0xa0: {  	[spmem:s4] =	stream.linear.scatter [tilespmem:s31], [sflag:$0x3], $0x2800, $0x38;
	[tilespmem:$0x14C00] =	vst v63  }
0xa1: {  	_ =	swait.ge [sflag:s30], $0x2800  }
0xa2: {  	[sflag:s30] =	ssyncset.done $0x0  }
0xa3: {  	[sflag:s30] =	ssyncadd.s32 $0xFFFFD800  }
.LBB2_12:
0xa4: {  	s7 =	smul.u32 $0x280, s7  }
0xa5: {  	s6 =	simm.s32 @!p1 $0x8;
	[bflag:$0x0] =	sbarrier.arrive $0xFFFF;
	s8 =	simm.s32 $0x3  }
0xa6: {  	s9 =	simm.s32 $0x50;
	s10 =	simm.s32 $0xCE00;
	s11 =	simm.s32 $0xCF00  }
0xa7: {  	s12 =	simm.s32 $0xCE80;
	s13 =	simm.s32 $0xF700;
	s14 =	simm.s32 $0x1  }
0xa8: {  	s15 =	simm.s32 $0x2;
	s16 =	simm.s32 $0x11F00;
	s17 =	simm.s32 $0x0  }
.LBB2_13:
0xa9: {  	s18 =	smul.u32 $0x50, s17;
	_ =	sdelay $0x1  }
0xaa: {  	s18 =	sadd.s32 s7, s18  }
0xab: {  	s19 =	simm.s32 $0xCD00;
	s20 =	sadd.s32 s18, s3  }
0xac: {  	[tilespmem:s19], [sflag:$0x3] =	stream.linear.gather [spmem:s20], $0x50, $0x38;
	[tilespmem:$0x14C00] =	vst v63  }
0xad: {  	_ =	swait.ge [sflag:s8], $0x50  }
0xae: {  	[sflag:s8] =	ssyncset.done $0x0  }
0xaf: {  	s21 =	sadd.s32 s18, s4;
	s20 =	simm.s32 $0xCD80;
	[sflag:s8] =	ssyncadd.s32 $0xFFFFFFB0  }
0xb0: {  	[tilespmem:s20], [sflag:$0x3] =	stream.linear.gather [spmem:s21], $0x50, $0x38;
	[tilespmem:$0x14C00] =	vst v63  }
0xb1: {  	_ =	swait.ge [sflag:s8], $0x50  }
0xb2: {  	[sflag:s8] =	ssyncset.done $0x0  }
0xb3: {  	[sflag:s8] =	ssyncadd.s32 $0xFFFFFFB0  }
0xb4: {  	v0 =	vld [tilespmem:$0xCD00]  }
0xb5: {  	v1 =	vld [tilespmem:$0xCD80]  }
0xb6: {  	v2 =	vld [tilespmem:$0xCD10]  }
0xb7: {  	v3 =	vld [tilespmem:$0xCD90]  }
0xb8: {  	v4 =	vld [tilespmem:$0xCD20]  }
0xb9: {  	v5 =	vld [tilespmem:$0xCDA0];
	vm0 =	vgt.s32 v0, $0x0  }
0xba: {  	v6 =	vld [tilespmem:$0xCD30];
	vm7 =	vgt.s32 v1, $0x0;
	v0 =	vnsel vm0, $0x0, v0  }
0xbb: {  	vm8 =	vgt.s32 v2, $0x0;
	[tilespmem:$0xCE00] =	vst v0;
	v0 =	vnsel vm7, $0x0, v1;
	v1 =	vld [tilespmem:$0xCDB0]  }
0xbc: {  	vm9 =	vgt.s32 v3, $0x0;
	[tilespmem:$0xCE80] =	vst v0;
	v0 =	vnsel vm8, $0x0, v2;
	v2 =	vld [tilespmem:$0xCD40]  }
0xbd: {  	vm10 =	vgt.s32 v4, $0x0;
	[tilespmem:$0xCE10] =	vst v0;
	v0 =	vnsel vm9, $0x0, v3;
	v3 =	vld [tilespmem:$0xCDC0]  }
0xbe: {  	vm11 =	vgt.s32 v5, $0x0;
	[tilespmem:$0xCE90] =	vst v0;
	v0 =	vnsel vm10, $0x0, v4  }
0xbf: {  	vm12 =	vgt.s32 v6, $0x0;
	[tilespmem:$0xCE20] =	vst v0;
	v0 =	vnsel vm11, $0x0, v5  }
0xc0: {  	[tilespmem:$0xCEA0] =	vst v0;
	v0 =	vnsel vm12, $0x0, v6;
	vm13 =	vgt.s32 v1, $0x0  }
0xc1: {  	[tilespmem:$0xCE30] =	vst v0;
	v0 =	vnsel vm13, $0x0, v1;
	vm14 =	vgt.s32 v2, $0x0  }
0xc2: {  	[tilespmem:$0xCEB0] =	vst v0;
	v0 =	vnsel vm14, $0x0, v2;
	vm15 =	vgt.s32 v3, $0x0  }
0xc3: {  	[tilespmem:$0xCE40] =	vst v0;
	v0 =	vnsel vm15, $0x0, v3  }
0xc4: {  	[tilespmem:$0xCEC0] =	vst v0  }
0xc5: {  	[tilespmem:s11], [sflag:$0x1] =	stream.indirect.gather [hbm4b:s1+s9], $0x80, s10, s9, $0xb8;
	[tilespmem:$0x14C00] =	vst v63  }
0xc6: {  	_ = 	snop  }
0xc7: {  	[tilespmem:s13], [sflag:$0x2] =	stream.indirect.gather [hbm4b:s1+s9], $0x80, s12, s9, $0xb8;
	[tilespmem:$0x14C00] =	vst v63  }
0xc8: {  	_ =	swait.ge [sflag:s14], $0x2800  }
0xc9: {  	[sflag:s14] =	ssyncset.done $0x0  }
0xca: {  	[sflag:s14] =	ssyncadd.s32 $0xFFFFD800  }
0xcb: {  	_ =	swait.ge [sflag:s15], $0x2800  }
0xcc: {  	[sflag:s15] =	ssyncset.done $0x0  }
0xcd: {  	[sflag:s15] =	ssyncadd.s32 $0xFFFFD800  }
0xce: {  	v0 =	vld [tilespmem:s19+$0x0]  }
0xcf: {  	s22 =	simm.s32 $0x200;
	s21 =	simm.s32 $0x0;
	v1 =	vld [tilespmem:s20+$0x0]  }
.LBB2_14:
0xd0: {  	p1 =	sne.s32 s22, $0x9E00;
	_ =	sdelay $0x2  }
0xd1: {  	(v2sf) =	vpush v0, $0x0  }
0xd2: {  	(v2sf) =	vpush v1, $0x0;
	_ =	sdelay $0x3  }
0xd3: {  	s23 =	sshra.s32 s21, $0x2;
	s21 =	smov.u32 s22  }
0xd4: {  	v0 =	vld [tilespmem:s23+$0xCF00]  }
0xd5: {  	v1 =	vld [tilespmem:s23+$0xCF10]  }
0xd6: {  	v2 =	vld [tilespmem:s23+$0xF710]  }
0xd7: {  	v3 =	vld [tilespmem:s23+$0xCF20]  }
0xd8: {  	v4 =	vld [tilespmem:s23+$0xF720]  }
0xd9: {  	v5 =	vld [tilespmem:s23+$0xCF30]  }
0xda: {  	v6 =	vld [tilespmem:s23+$0xF730]  }
0xdb: {  	v7 =	vld [tilespmem:s23+$0xCF40]  }
0xdc: {  	v8 =	vld [tilespmem:s23+$0xF740]  }
0xdd: {  	v9 =	vld [tilespmem:s23+$0xCF50];
	s24 =	spop (v2sf)  }
0xde: {  	v10 =	vld [tilespmem:s23+$0xF750];
	s25 =	spop (v2sf);
	p2 =	sgt.s32 s24, $0xFFFFFFFF  }
0xdf: {  	s24 =	simm.f32 $1.000000000e+00;
	p3 =	sgt.s32 s25, $0xFFFFFFFF;
	v11 =	vld [tilespmem:s23+$0xCF60];
	s25 =	simm.f32 $1.000000000e+00  }
0xe0: {  	s24 =	simm.s32 @!p2 $0x0;
	s25 =	simm.s32 @!p3 $0x0;
	v12 =	vld [tilespmem:s23+$0xF760]  }
0xe1: {  	v3 =	vmul.f32 s24, v3;
	v4 =	vmul.f32 s25, v4;
	v13 =	vld [tilespmem:s23+$0xCF70]  }
0xe2: {  	v1 =	vmul.f32 s24, v1;
	v2 =	vmul.f32 s25, v2;
	v14 =	vld [tilespmem:s23+$0xF770]  }
0xe3: {  	v15 =	vld [tilespmem:s23+$0xF700];
	v3 =	vadd.f32 v4, v3;
	v4 =	vmul.f32 s24, v5;
	v5 =	vmul.f32 s25, v6  }
0xe4: {  	v1 =	vadd.f32 v2, v1;
	v2 =	vmul.f32 s24, v7;
	v6 =	vmul.f32 s25, v8  }
0xe5: {  	[tilespmem:s23+$0x11F20] =	vst v3;
	v3 =	vadd.f32 v5, v4;
	v4 =	vmul.f32 s24, v9;
	v5 =	vmul.f32 s25, v10  }
0xe6: {  	[tilespmem:s23+$0x11F10] =	vst v1;
	v1 =	vadd.f32 v6, v2;
	v2 =	vmul.f32 s24, v11;
	v6 =	vmul.f32 s25, v12  }
0xe7: {  	[tilespmem:s23+$0x11F30] =	vst v3;
	v3 =	vadd.f32 v5, v4;
	v4 =	vmul.f32 s24, v13;
	v5 =	vmul.f32 s25, v14  }
0xe8: {  	v0 =	vmul.f32 s24, v0;
	v7 =	vmul.f32 s25, v15;
	[tilespmem:s23+$0x11F40] =	vst v1;
	v1 =	vadd.f32 v6, v2  }
0xe9: {  	[tilespmem:s23+$0x11F50] =	vst v3;
	v2 =	vadd.f32 v5, v4  }
.Ltmp7:
0xea: {  	v0 =	vadd.f32 v7, v0;
	[tilespmem:s23+$0x11F60] =	vst v1;
	(pc) =	sbr.rel @p1 .LBB2_14-.Ltmp7, $4  }
0xeb: {  	[tilespmem:s23+$0x11F70] =	vst v2  }
0xec: {  	s19 =	sadd.s32 $0x1, s19;
	[tilespmem:s23+$0x11F00] =	vst v0  }
0xed: {  	s20 =	sadd.s32 $0x1, s20;
	v0 =	vld [tilespmem:s19+$0x0]  }
0xee: {  	s22 =	sadd.s32 $0x200, s22;
	v1 =	vld [tilespmem:s20+$0x0]  }
0xef: {  	_ =	sdelay $0x2  }
0xf0: {  	(v2sf) =	vpush v0, $0x0  }
0xf1: {  	(v2sf) =	vpush v1, $0x0;
	_ =	sdelay $0x3  }
0xf2: {  	s19 =	sshra.s32 s21, $0x2  }
0xf3: {  	v46 =	vld [tilespmem:s19+$0xCF00]  }
0xf4: {  	v47 =	vld [tilespmem:s19+$0xCF10]  }
0xf5: {  	v2 =	vld [tilespmem:s19+$0xF710]  }
0xf6: {  	v3 =	vld [tilespmem:s19+$0xCF20]  }
0xf7: {  	v4 =	vld [tilespmem:s19+$0xF720]  }
0xf8: {  	v5 =	vld [tilespmem:s19+$0xCF30]  }
0xf9: {  	v6 =	vld [tilespmem:s19+$0xF730]  }
0xfa: {  	v7 =	vld [tilespmem:s19+$0xCF40]  }
0xfb: {  	v8 =	vld [tilespmem:s19+$0xF740]  }
0xfc: {  	v9 =	vld [tilespmem:s19+$0xCF50];
	s20 =	spop (v2sf)  }
0xfd: {  	s21 =	simm.f32 $1.000000000e+00;
	v10 =	vld [tilespmem:s19+$0xF750];
	s31 =	spop (v2sf)  }
0xfe: {  	v11 =	vld [tilespmem:s19+$0xCF60];
	p1 =	sgt.s32 s20, $0xFFFFFFFF;
	s20 =	simm.f32 $1.000000000e+00;
	p2 =	sgt.s32 s31, $0xFFFFFFFF  }
0xff: {  	v12 =	vld [tilespmem:s19+$0xF760];
	s20 =	simm.s32 @!p1 $0x0;
	s21 =	simm.s32 @!p2 $0x0  }
0x100: {  	v13 =	vld [tilespmem:s19+$0xCF70];
	v3 =	vmul.f32 s20, v3;
	v4 =	vmul.f32 s21, v4  }
0x101: {  	v14 =	vld [tilespmem:s19+$0xF770];
	v1 =	vmul.f32 s20, v47;
	v2 =	vmul.f32 s21, v2  }
0x102: {  	v15 =	vld [tilespmem:s19+$0xF700];
	v48 =	vmul.f32 s20, v5;
	v49 =	vmul.f32 s21, v6;
	v3 =	vadd.f32 v4, v3  }
0x103: {  	v50 =	vmul.f32 s20, v7;
	v51 =	vmul.f32 s21, v8;
	v1 =	vadd.f32 v2, v1  }
0x104: {  	v53 =	vmul.f32 s20, v9;
	v54 =	vmul.f32 s21, v10;
	v52 =	vadd.f32 v49, v48;
	[tilespmem:s19+$0x11F20] =	vst v3  }
0x105: {  	v56 =	vmul.f32 s20, v11;
	v57 =	vmul.f32 s21, v12;
	v55 =	vadd.f32 v51, v50;
	[tilespmem:s19+$0x11F10] =	vst v1  }
0x106: {  	v59 =	vmul.f32 s20, v13;
	v60 =	vmul.f32 s21, v14;
	v58 =	vadd.f32 v54, v53;
	[tilespmem:s19+$0x11F30] =	vst v52  }
0x107: {  	v0 =	vmul.f32 s20, v46;
	v61 =	vmul.f32 s21, v15;
	v62 =	vadd.f32 v57, v56;
	[tilespmem:s19+$0x11F40] =	vst v55  }
0x108: {  	v63 =	vadd.f32 v60, v59;
	[tilespmem:s19+$0x11F50] =	vst v58  }
0x109: {  	s17 =	sadd.s32 $0x1, s17;
	v0 =	vadd.f32 v61, v0;
	[tilespmem:s19+$0x11F60] =	vst v62  }
0x10a: {  	s18 =	sshll.u32 s18, $0x4;
	p1 =	sne.s32 s17, s6;
	[tilespmem:s19+$0x11F70] =	vst v63  }
.Ltmp8:
0x10b: {  	s18 =	sadd.s32 s2, s18;
	[tilespmem:s19+$0x11F00] =	vst v0;
	(pc) =	sbr.rel @p1 .LBB2_13-.Ltmp8, $4  }
0x10c: {  	[hbm4b:s18+s5] =	stream.linear.scatter [tilespmem:s16], [sflag:$0x3], $0x2800, $0x38;
	[tilespmem:$0x14C00] =	vst v63  }
0x10d: {  	_ =	swait.ge [sflag:s8], $0x2800  }
0x10e: {  	[sflag:s8] =	ssyncset.done $0x0  }
0x10f: {  	[sflag:s8] =	ssyncadd.s32 $0xFFFFD800  }
0x110: {  	_ =	sfence.sel $0x180000  }
0x111: {  	[bflag:$0x0] =	sbarrier.arrive $0xFFFF  }
0x112: {  	_ =	strace $0x9000004D  }
0x113: {  	s0 =	sadd.s32 @!p0 $0x100000, s0;
	[bflag:$0x2] =	sbarrier.arrive $0xFFFF  }
0x114: {  	[sflag:s0] =	ssyncadd.tile.s32 @!p0 $0x1;
	_ =	shalt  }
.Lfunc_end2:
_tile_overlayer_lowered:
.L_overlay_start_2:
0x115: {  	(tag) =	ssettag $0x2  }
0x116: {  	s0 =	rddreg [dreg:$0x0];
	s2 =	stileid.u32  }
0x117: {  	s1 =	rddreg [dreg:$0x1];
	p0 =	sne.s32 s2, $0x0  }
0x118: {  	s3 =	rddreg [dreg:$0x2];
	[bflag:$0x3] =	sbarrier.arrive $0xFFFF;
	s2 =	simm.s32 @!p0 $0x1C03  }
0x119: {  	[timem:s3], [sflag:s2] =	dma.local @!p0 [hbm:s0], s1  }
0x11a: {  	s0 =	simm.s32 @!p0 $0x3  }
0x11b: {  	_ =	swait.ge @!p0 [sflag:s0], s1  }
0x11c: {  	s1 =	ssub.s32 @!p0 $0x0, s1;
	[sflag:s0] =	ssyncset.done @!p0 $0x0  }
0x11d: {  	[sflag:s0] =	ssyncadd.s32 @!p0 s1  }
0x11e: {  	[bflag:$0x3] =	sbarrier.arrive $0xFFFF  }
0x11f: {  	_ =	shalt  }

// kernel: kernel.8.cloned.1.call-start
scs
__scs_entry_jumppad:
0x0: {  	(pc) =	sbr.rel $0x88, $3  }
0x1: {  	(tag) =	ssettag $0x0;
	lr =	simm.s32 $0x1  }
0x2: {  	[smem:$0x3F9E] =	sst lr;
	_ =	strace $0xD0000000  }
0x3: {  	_ = 	snop  }
0x4: {  	_ = 	snop  }
0x5: {  	_ = 	snop  }
0x6: {  	_ = 	snop  }
0x7: {  	_ = 	snop  }
__scs_overlays_trampoline_lowered:
0x8: {  	[smem:$0x3FAD] =	sst s0  }
0x9: {  	[smem:$0x3FAE] =	sst s1  }
0xa: {  	[smem:$0x3FAF] =	sst s2  }
0xb: {  	[smem:$0x3FB0] =	sst s3  }
0xc: {  	[smem:$0x3FB1] =	sst s4  }
0xd: {  	[smem:$0x3FB2] =	sst s5  }
0xe: {  	[smem:$0x3FB3] =	sst s6  }
0xf: {  	[smem:$0x3FB4] =	sst s7  }
0x10: {  	[smem:$0x3FB5] =	sst s8  }
0x11: {  	[smem:$0x3FB6] =	sst s9;
	s0 =	simm.s32 @!p0 $0x0  }
0x12: {  	s1 =	sld [smem:$0x3F9C];
	s0 =	simm.s32 @p0 $0x1  }
0x13: {  	[smem:$0x3FB7] =	sst s0;
	s0 =	simm.s32 @!p1 $0x0  }
0x14: {  	s2 =	sld [smem:$0x3F9B];
	s0 =	simm.s32 @p1 $0x1  }
0x15: {  	[smem:$0x3FB8] =	sst s0;
	s0 =	simm.s32 @!p2 $0x0  }
0x16: {  	s3 =	sld [smem:$0x3FDB];
	s0 =	simm.s32 @p2 $0x1  }
0x17: {  	s4 =	simm.s32 $0x1BF5;
	[smem:$0x3FBA] =	sst s0  }
0x18: {  	s0 =	sld [smem:$0x3F9D];
	_ =	swait.ge [sflag:s4], $0x0  }
0x19: {  	s7 =	sld [smem:$0x3F9E]  }
0x1a: {  	s8 =	sadd.s32 $0xFFFFE003, lr  }
0x1b: {  	s9 =	sadd.s32 $0xFFFFFEF7, lr;
	s5 =	simm.s32 $0xFFFFFFFF;
	p2 =	slt.u32 s8, $0xFFFFF086  }
0x1c: {  	p1 =	slt.u32 s9, $0xF7A;
	s5 =	simm.s32 @!p2 $0x0  }
0x1d: {  	s5 =	simm.s32 @p1 $0x1;
	p0 =	seq.s32 s7, s2  }
0x1e: {  	s7 =	smul.u32 @!p0 $0xF7A, s2;
	p2 =	seq.s32 @!p0 s5, $0x0  }
0x1f: {  	s9 =	smul.u32 $0xF7A, s1;
	s8 =	simm.s32 @!p0 $0x1BF5;
	p2 =	por !p2, p0  }
0x20: {  	[sflag:s8] =	ssyncset.s32 @!p0 $0xFFFFF086;
	s6 =	sadd.s32 @!p0 s3, s7;
	s7 =	simm.s32 @!p0 $0x108  }
0x21: {  	s3 =	sadd.s32 s3, s9;
	s6 =	sadd.s32 @!p0 $0x88, s6;
	s7 =	simm.s32 @p2 $0x1082  }
0x22: {  	[simem:s7], [sflag:s8] =	dma.local @!p0 [hbm:s6], $0xF7A  }
0x23: {  	s9 =	sor.u32 $0xD0000000, s2;
	s6 =	simm.s32 $0x108;
	_ =	swait.ge @!p0 [sflag:s8], $0x0  }
0x24: {  	s3 =	sadd.s32 $0x88, s3;
	s6 =	simm.s32 @!p1 $0x1082;
	[sflag:s4] =	ssyncset.s32 $0xFFFFF086  }
0x25: {  	[simem:s6], [sflag:s4] =	dma.local [hbm:s3], $0xF7A  }
0x26: {  	[smem:$0x3F9E] =	sst s1;
	(tag) =	ssettag s2;
	_ =	strace s9  }
0x27: {  	s1 =	sld [smem:$0x3FAE]  }
0x28: {  	s2 =	sld [smem:$0x3FAF]  }
0x29: {  	s4 =	sld [smem:$0x3FB1]  }
0x2a: {  	p0 =	seq.s32 s5, $0x0;
	s5 =	sld [smem:$0x3FB2]  }
0x2b: {  	s6 =	sld [smem:$0x3FB3]  }
0x2c: {  	s7 =	sld [smem:$0x3FB4]  }
0x2d: {  	s3 =	simm.s32 $0x108;
	s8 =	sld [smem:$0x3FB5]  }
0x2e: {  	s3 =	simm.s32 @!p0 $0x1082;
	s9 =	sld [smem:$0x3FB6]  }
0x2f: {  	lr =	sadd.s32 s0, s3;
	s0 =	sld [smem:$0x3FAD]  }
0x30: {  	s3 =	sld [smem:$0x3FB0]  }
0x31: {  	[smem:$0x3FB9] =	sst s10  }
0x32: {  	s10 =	sld [smem:$0x3FB7];
	_ =	sdelay $0x3  }
0x33: {  	p0 =	seq.s32 s10, $0x1;
	s10 =	sld [smem:$0x3FB9];
	_ =	sdelay $0x3  }
0x34: {  	[smem:$0x3FB9] =	sst s10  }
0x35: {  	s10 =	sld [smem:$0x3FB8];
	_ =	sdelay $0x3  }
0x36: {  	p1 =	seq.s32 s10, $0x1;
	s10 =	sld [smem:$0x3FB9];
	_ =	sdelay $0x3  }
0x37: {  	[smem:$0x3FB9] =	sst s10  }
0x38: {  	s10 =	sld [smem:$0x3FBA]  }
0x39: {  	_ = 	snop;
	(pc) =	sbr.ind lr, $3  }
0x3a: {  	_ = 	snop  }
0x3b: {  	_ = 	snop  }
0x3c: {  	p2 =	seq.s32 s10, $0x1;
	s10 =	sld [smem:$0x3FB9]  }
0x3d: {  	_ =	shalt  }
0x3e: {  	_ =	shalt  }
0x3f: {  	_ =	shalt  }
0x40: {  	_ =	shalt  }
0x41: {  	_ =	shalt  }
0x42: {  	_ =	shalt  }
0x43: {  	_ =	shalt  }
0x44: {  	_ =	shalt  }
0x45: {  	_ =	shalt  }
0x46: {  	_ =	shalt  }
0x47: {  	_ =	shalt  }
0x48: {  	_ =	shalt  }
0x49: {  	_ =	shalt  }
0x4a: {  	_ =	shalt  }
0x4b: {  	_ =	shalt  }
0x4c: {  	_ =	shalt  }
0x4d: {  	_ =	shalt  }
0x4e: {  	_ =	shalt  }
0x4f: {  	_ =	shalt  }
0x50: {  	_ =	shalt  }
0x51: {  	_ =	shalt  }
0x52: {  	_ =	shalt  }
0x53: {  	_ =	shalt  }
0x54: {  	_ =	shalt  }
0x55: {  	_ =	shalt  }
0x56: {  	_ =	shalt  }
0x57: {  	_ =	shalt  }
0x58: {  	_ =	shalt  }
0x59: {  	_ =	shalt  }
0x5a: {  	_ =	shalt  }
0x5b: {  	_ =	shalt  }
0x5c: {  	_ =	shalt  }
0x5d: {  	_ =	shalt  }
0x5e: {  	_ =	shalt  }
0x5f: {  	_ =	shalt  }
0x60: {  	_ =	shalt  }
0x61: {  	_ =	shalt  }
0x62: {  	_ =	shalt  }
0x63: {  	_ =	shalt  }
0x64: {  	_ =	shalt  }
0x65: {  	_ =	shalt  }
0x66: {  	_ =	shalt  }
0x67: {  	_ =	shalt  }
0x68: {  	_ =	shalt  }
0x69: {  	_ =	shalt  }
0x6a: {  	_ =	shalt  }
0x6b: {  	_ =	shalt  }
0x6c: {  	_ =	shalt  }
0x6d: {  	_ =	shalt  }
0x6e: {  	_ =	shalt  }
0x6f: {  	_ =	shalt  }
0x70: {  	_ =	shalt  }
0x71: {  	_ =	shalt  }
0x72: {  	_ =	shalt  }
0x73: {  	_ =	shalt  }
0x74: {  	_ =	shalt  }
0x75: {  	_ =	shalt  }
0x76: {  	_ =	shalt  }
0x77: {  	_ =	shalt  }
0x78: {  	_ =	shalt  }
0x79: {  	_ =	shalt  }
0x7a: {  	_ =	shalt  }
0x7b: {  	_ =	shalt  }
0x7c: {  	_ =	shalt  }
0x7d: {  	_ =	shalt  }
0x7e: {  	_ =	shalt  }
0x7f: {  	_ =	shalt  }
0x80: {  	_ =	shalt  }
0x81: {  	_ =	shalt  }
0x82: {  	_ =	shalt  }
0x83: {  	_ =	shalt  }
0x84: {  	_ =	shalt  }
0x85: {  	_ =	shalt  }
0x86: {  	_ =	shalt  }
0x87: {  	_ =	shalt  }
.Lfunc_end0:
.L_simem_size_0:
called_computation_lowered:
.L_overlay_start_0:
0x88: {  	s0 =	sld [smem:$0x3FD9]  }
0x89: {  	s1 =	sld [smem:$0x3FFE];
	_ =	sdelay $0x3  }
0x8a: {  	s0 =	sadd.s32 s1, s0  }
0x8b: {  	[smem:$0x3FC5] =	sst s0  }
0x8c: {  	_ = 	snop  }
0x8d: {  	s0 =	sld [smem:$0x3FC9]  }
0x8e: {  	s16 =	sld [smem:$0x3FD0];
	(tm) =	ssettm $0x1  }
0x8f: {  	s2 =	sld [smem:$0x3FFB];
	_ =	sdelay $0x3  }
0x90: {  	_ =	strace s2  }
0x91: {  	s2 =	sld [smem:$0x3FFC];
	_ =	sdelay $0x3  }
0x92: {  	_ =	strace s2  }
0x93: {  	s2 =	sld [smem:$0x3FFD];
	_ =	sdelay $0x3  }
0x94: {  	_ =	strace s2  }
0x95: {  	_ =	strace $0x8FFFFFFF  }
0x96: {  	s17 =	sld [smem:$0x3FDB];
	_ =	sdelay $0x1  }
0x97: {  	s3 =	simm.s32 $_scs_section_size  }
0x98: {  	s4 =	simm.s32 $_size__tile_overlayer_lowered;
	s5 =	simm.s32 $_tile_overlayer_lowered  }
0x99: {  	s20 =	simm.s32 $0x1BFF;
	s19 =	sshll.u32 s5, $0x1;
	s2 =	sadd.s32 s3, s17  }
0x9a: {  	s6 =	simm.s32 $0x0;
	s18 =	sshll.u32 s4, $0x1;
	s4 =	sadd.s32 s19, s2  }
0x9b: {  	[timem:s6], [sflag:s20] =	dma.local [hbm:s4], s18  }
0x9c: {  	_ =	swait.ge [sflag:s20], s18  }
0x9d: {  	s3 =	ssub.s32 $0x0, s18;
	[sflag:s20] =	ssyncset.done $0x0  }
0x9e: {  	[sflag:s20] =	ssyncadd.s32 s3;
	_ =	sdelay $0x1  }
0x9f: {  	s21 =	simm.s32 $0x1B8B  }
0xa0: {  	_ =	swait.ge [sflag:s21], $0x1  }
0xa1: {  	[sflag:s21] =	ssyncset.done $0x0  }
0xa2: {  	s23 =	simm.s32 $0x1B8E;
	s22 =	sld [smem:$0x3FFE];
	[sflag:s21] =	ssyncadd.s32 $0xFFFFFFFF  }
0xa3: {  	s24 =	simm.s32 $execute0_lowered;
	[smem:$0x3FD2] =	sst s23  }
0xa4: {  	s4 =	sshll.u32 s24, $0x1;
	_ =	strace $0x80000046;
	[dreg:$0x1] =	wrdreg $0xFFFFFFFF  }
0xa5: {  	s25 =	simm.s32 $_size_execute0_lowered;
	s2 =	sadd.s32 s2, s4;
	[dreg:$0x0] =	wrdreg $0x0  }
0xa6: {  	s4 =	sshll.u32 s25, $0x1;
	[dreg:$0x2] =	wrdreg s2  }
0xa7: {  	[dreg:$0x3] =	wrdreg s4  }
0xa8: {  	[dreg:$0x4] =	wrdreg $0xC0  }
0xa9: {  	_ =	task [dreg:s6], $0x5FFFF  }
0xaa: {  	[dreg:$0x1] =	wrdreg $0xFFFFFFFF  }
0xab: {  	[dreg:$0x0] =	wrdreg $0x60  }
0xac: {  	[dreg:$0x2] =	wrdreg s22  }
0xad: {  	[dreg:$0x3] =	wrdreg s16  }
0xae: {  	[dreg:$0x4] =	wrdreg s0  }
0xaf: {  	[dreg:$0x5] =	wrdreg $0x9  }
0xb0: {  	_ =	task.clear_ibuf [dreg:s6], $0x6FFFF;
	_ =	strace $0x90000046  }
0xb1: {  	s26 =	simm.s32 $0x9;
	_ =	strace $0x80000048  }
0xb2: {  	_ =	swait.ge [sflag:s26], $0x1  }
0xb3: {  	[sflag:s26] =	ssyncadd.s32 $0xFFFFFFFF  }
0xb4: {  	_ =	strace $0x90000048  }
0xb5: {  	_ =	sfence  }
0xb6: {  	s28 =	sld [smem:$0x0];
	_ =	sdelay $0x1  }
0xb7: {  	s29 =	srdreg.scid  }
0xb8: {  	s30 =	sshll.u32 s29, $0xD;
	s31 =	sshrl.u32 s29, $0x2  }
0xb9: {  	s1 =	sand.u32 $0x1, s29;
	s2 =	sand.u32 $0x4000, s30;
	s0 =	sadd.s32 s31, s28  }
0xba: {  	s1 =	sor.u32 s2, s1;
	s0 =	sshll.u32 s0, $0x11  }
0xbb: {  	s0 =	sor.u32 s0, s1  }
0xbc: {  	s0 =	sadd.s32 $0x8F2B, s0  }
0xbd: {  	[sflag:s0] =	ssyncadd.remote.s32 $0x1  }
0xbe: {  	_ =	sfence.sel $0xFFFF  }
0xbf: {  	[dreg:$0x0] =	wrdreg $0xFFFFFFFF;
	(pc) =	sbr.abs _section_cstart, $3  }
0xc0: {  	[dreg:$0x1] =	wrdreg $0xFFFFFFFF  }
0xc1: {  	_ =	task.clear_ibuf [dreg:s6], $0x2FFFF;
	_ =	strace $0x9FFFFFFF  }
0xc2: {  	(tm) =	ssettm $0x7FFFFFFF  }
0xc3: {  	_ =	shalt  }
tec
execute0_lowered:
.L_overlay_start_1:
0x0: {  	(tag) =	ssettag $0x1  }
0x1: {  	s6 =	rddreg [dreg:$0x0]  }
0x2: {  	s1 =	rddreg [dreg:$0x1]  }
0x3: {  	s2 =	rddreg [dreg:$0x2]  }
0x4: {  	s0 =	rddreg [dreg:$0x3];
	s7 =	simm.s32 $0x0  }
0x5: {  	s8 =	simm.s32 $0x3;
	s11 =	simm.s32 $0x2800;
	s12 =	simm.s32 $0x3000  }
0x6: {  	s13 =	simm.s32 $0x3800;
	s14 =	simm.s32 $0x4000;
	[smem:$0x7FF] =	sst s7  }
0x7: {  	s15 =	simm.s32 $0x0;
	s3 =	sadd.s32 $0xAA00, s6;
	_ =	strace $0x80000047  }
0x8: {  	[tilespmem:s7], [sflag:$0x3] =	stream.linear.gather [hbm4b:s3+s7], $0x2710, $0x38;
	[tilespmem:$0x11100] =	vst v63  }
0x9: {  	s4 =	sadd.s32 $0xC00, s6;
	s5 =	sadd.s32 $0xB000, s6;
	_ =	swait.ge [sflag:s8], $0x2710  }
0xa: {  	s9 =	sadd.s32 $0x4ED000, s6;
	s3 =	stileid.u32;
	[sflag:s8] =	ssyncset.done $0x0  }
0xb: {  	s10 =	sadd.s32 $0x4F6E00, s6;
	s6 =	smul.u32 $0x4E20, s3;
	[sflag:s8] =	ssyncadd.s32 $0xFFFFD8F0  }
.LBB2_1:
0xc: {  	s16 =	smul.u32 $0x7D0, s15;
	_ =	sdelay $0x1  }
0xd: {  	s16 =	sadd.s32 s6, s16  }
0xe: {  	s16 =	sshrl.u32 s16, $0x3  }
0xf: {  	s17 =	sadd.s32 s4, s16  }
0x10: {  	[tilespmem:s11], [sflag:$0x3] =	stream.linear.gather [hbm4b:s17+s7], $0x7D0, $0x38;
	[tilespmem:$0x11100] =	vst v63  }
0x11: {  	_ =	swait.ge [sflag:s8], $0x7D0  }
0x12: {  	[sflag:s8] =	ssyncset.done $0x0  }
0x13: {  	s31 =	sadd.s32 s1, s16;
	[sflag:s8] =	ssyncadd.s32 $0xFFFFF830  }
0x14: {  	[tilespmem:s12], [sflag:$0x3] =	stream.linear.gather [hbm4b:s31+s7], $0x7D0, $0x38;
	[tilespmem:$0x11100] =	vst v63  }
0x15: {  	_ =	swait.ge [sflag:s8], $0x7D0  }
0x16: {  	[sflag:s8] =	ssyncset.done $0x0  }
0x17: {  	s17 =	simm.s32 $0x0;
	[sflag:s8] =	ssyncadd.s32 $0xFFFFF830  }
0x18: {  	v1 =	vld [tilespmem:s17+$0x2800];
	_ =	sdelay $0x5  }
0x19: {  	v0 =	vld [tilespmem:s17+$0x3000];
	_ =	sdelay $0x1  }
0x1a: {  	v1 =	vld.idx.msk [tilespmem:v1+s7+$0x0], $0xffff;
	_ =	sdelay $0x3  }
0x1b: {  	s18 =	simm.s32 $0x10;
	s19 =	simm.s32 $0x80  }
.LBB2_2:
0x1c: {  	p0 =	sne.s32 s19, $0x1F00;
	v2 =	vld [tilespmem:s18+$0x2800];
	[tilespmem:s17+$0x3800] =	vst v1  }
0x1d: {  	v1 =	vld.idx.msk [tilespmem:v0+s7+$0x0], $0xffff;
	_ =	sdelay $0x5  }
0x1e: {  	v0 =	vld [tilespmem:s18+$0x3000];
	[tilespmem:s17+$0x4000] =	vst v1;
	s17 =	smov.u32 s18  }
0x1f: {  	v1 =	vld.idx.msk [tilespmem:v2+s7+$0x0], $0xffff  }
.Ltmp0:
0x20: {  	(pc) =	sbr.rel @p0 .LBB2_2-.Ltmp0, $2  }
0x21: {  	_ =	sdelay $0x2  }
0x22: {  	s18 =	sshra.s32 s19, $0x2;
	s19 =	sadd.s32 $0x40, s19  }
0x23: {  	_ =	sdelay $0x1  }
0x24: {  	v2 =	vld [tilespmem:s18+$0x2800]  }
0x25: {  	[tilespmem:s17+$0x3800] =	vst v1  }
0x26: {  	v0 =	vld.idx.msk [tilespmem:v0+s7+$0x0], $0xffff;
	_ =	sdelay $0x3  }
0x27: {  	v1 =	vld [tilespmem:s18+$0x3000]  }
0x28: {  	[tilespmem:s17+$0x4000] =	vst v0  }
0x29: {  	v0 =	vld.idx.msk [tilespmem:v2+s7+$0x0], $0xffff;
	_ =	sdelay $0x4  }
0x2a: {  	[tilespmem:s18+$0x3800] =	vst v0  }
0x2b: {  	v0 =	vld.idx.msk [tilespmem:v1+s7+$0x0], $0xffff;
	_ =	sdelay $0x4  }
0x2c: {  	s30 =	sadd.s32 s9, s16;
	[tilespmem:s18+$0x4000] =	vst v0  }
0x2d: {  	[hbm4b:s30+s7] =	stream.linear.scatter [tilespmem:s13], [sflag:$0x3], $0x7D0, $0x38;
	[tilespmem:$0x11100] =	vst v63  }
0x2e: {  	s15 =	sadd.s32 $0x1, s15;
	_ =	swait.ge [sflag:s8], $0x7D0  }
0x2f: {  	p0 =	sne.s32 s15, $0xA;
	[sflag:s8] =	ssyncset.done $0x0  }
.Ltmp1:
0x30: {  	s31 =	sadd.s32 s10, s16;
	[sflag:s8] =	ssyncadd.s32 $0xFFFFF830;
	(pc) =	sbr.rel @p0 .LBB2_1-.Ltmp1, $4  }
0x31: {  	[hbm4b:s31+s7] =	stream.linear.scatter [tilespmem:s14], [sflag:$0x3], $0x7D0, $0x38;
	[tilespmem:$0x11100] =	vst v63  }
0x32: {  	_ =	swait.ge [sflag:s8], $0x7D0  }
0x33: {  	[sflag:s8] =	ssyncset.done $0x0  }
0x34: {  	[sflag:s8] =	ssyncadd.s32 $0xFFFFF830  }
0x35: {  	s7 =	simm.s32 $0x0;
	s8 =	simm.s32 $0x4800;
	s9 =	simm.s32 $0x3  }
0x36: {  	s10 =	simm.s32 $0xC8;
	s11 =	simm.s32 $0x4900;
	s12 =	simm.s32 $0x1  }
0x37: {  	s13 =	simm.s32 $0xAD00;
	s14 =	simm.s32 $0x2;
	s15 =	simm.s32 $0x0  }
.LBB2_5:
0x38: {  	s16 =	smul.u32 $0xC8, s15;
	_ =	sdelay $0x1  }
0x39: {  	s16 =	sadd.s32 s6, s16  }
0x3a: {  	s17 =	sshrl.u32 s16, $0x3  }
0x3b: {  	s18 =	sadd.s32 s4, s17  }
0x3c: {  	[tilespmem:s8], [sflag:$0x3] =	stream.linear.gather [hbm4b:s18+s7], $0xC8, $0x38;
	[tilespmem:$0x11100] =	vst v63  }
0x3d: {  	_ =	swait.ge [sflag:s9], $0xC8  }
0x3e: {  	[sflag:s9] =	ssyncset.done $0x0  }
0x3f: {  	[sflag:s9] =	ssyncadd.s32 $0xFFFFFF38  }
0x40: {  	[tilespmem:s11], [sflag:$0x1] =	stream.indirect.gather [hbm4b:s2+s10], $0x80, s8, s10, $0xb8;
	[tilespmem:$0x11100] =	vst v63  }
0x41: {  	_ =	swait.ge [sflag:s12], $0x6400  }
0x42: {  	[sflag:s12] =	ssyncset.done $0x0  }
0x43: {  	s17 =	sadd.s32 s1, s17;
	[sflag:s12] =	ssyncadd.s32 $0xFFFF9C00  }
0x44: {  	[tilespmem:s8], [sflag:$0x3] =	stream.linear.gather [hbm4b:s17+s7], $0xC8, $0x38;
	[tilespmem:$0x11100] =	vst v63  }
0x45: {  	_ =	swait.ge [sflag:s9], $0xC8  }
0x46: {  	[sflag:s9] =	ssyncset.done $0x0  }
0x47: {  	[sflag:s9] =	ssyncadd.s32 $0xFFFFFF38  }
0x48: {  	[tilespmem:s13], [sflag:$0x2] =	stream.indirect.gather [hbm4b:s2+s10], $0x80, s8, s10, $0xb8;
	[tilespmem:$0x11100] =	vst v63  }
0x49: {  	_ =	swait.ge [sflag:s14], $0x6400  }
0x4a: {  	[sflag:s14] =	ssyncset.done $0x0  }
0x4b: {  	s17 =	simm.s32 $0x0;
	[sflag:s14] =	ssyncadd.s32 $0xFFFF9C00  }
0x4c: {  	v7 =	vld [tilespmem:s17+$0xAD00]  }
0x4d: {  	v11 =	vld [tilespmem:s17+$0xAD10]  }
0x4e: {  	v5 =	vld [tilespmem:s17+$0xAD20]  }
0x4f: {  	v4 =	vld [tilespmem:s17+$0xAD30]  }
0x50: {  	v3 =	vld [tilespmem:s17+$0xAD40]  }
0x51: {  	v2 =	vld [tilespmem:s17+$0xAD50]  }
0x52: {  	v1 =	vld [tilespmem:s17+$0xAD60]  }
0x53: {  	v0 =	vld [tilespmem:s17+$0xAD70]  }
0x54: {  	v12 =	vld [tilespmem:s17+$0x4900]  }
0x55: {  	v13 =	vld [tilespmem:s17+$0x4910]  }
0x56: {  	v10 =	vld [tilespmem:s17+$0x4920]  }
0x57: {  	v9 =	vld [tilespmem:s17+$0x4930]  }
0x58: {  	v8 =	vld [tilespmem:s17+$0x4940]  }
0x59: {  	v6 =	vld [tilespmem:s17+$0x4950];
	v12 =	vadd.f32 v7, v12  }
0x5a: {  	s18 =	simm.s32 $0x200;
	v11 =	vadd.f32 v11, v13;
	v7 =	vld [tilespmem:s17+$0x4960]  }
.LBB2_6:
0x5b: {  	s19 =	sshra.s32 s18, $0x2;
	p0 =	sne.s32 s18, $0x18E00;
	[tilespmem:s17+$0x4900] =	vst v12;
	v5 =	vadd.f32 v5, v10;
	v10 =	vld [tilespmem:s17+$0x4970]  }
0x5c: {  	v12 =	vld [tilespmem:s19+$0xAD00];
	[tilespmem:s17+$0x4910] =	vst v11;
	v4 =	vadd.f32 v4, v9  }
0x5d: {  	v11 =	vld [tilespmem:s19+$0xAD10];
	[tilespmem:s17+$0x4920] =	vst v5;
	v3 =	vadd.f32 v3, v8  }
0x5e: {  	v5 =	vld [tilespmem:s19+$0xAD20];
	[tilespmem:s17+$0x4930] =	vst v4;
	v2 =	vadd.f32 v2, v6  }
0x5f: {  	v4 =	vld [tilespmem:s19+$0xAD30];
	[tilespmem:s17+$0x4940] =	vst v3;
	v1 =	vadd.f32 v1, v7  }
0x60: {  	v3 =	vld [tilespmem:s19+$0xAD40];
	[tilespmem:s17+$0x4950] =	vst v2;
	v0 =	vadd.f32 v0, v10  }
0x61: {  	v2 =	vld [tilespmem:s19+$0xAD50];
	[tilespmem:s17+$0x4960] =	vst v1  }
0x62: {  	v1 =	vld [tilespmem:s19+$0xAD60];
	[tilespmem:s17+$0x4970] =	vst v0;
	s17 =	smov.u32 s19  }
0x63: {  	v0 =	vld [tilespmem:s17+$0xAD70]  }
0x64: {  	v6 =	vld [tilespmem:s17+$0x4900]  }
0x65: {  	v7 =	vld [tilespmem:s17+$0x4910]  }
.Ltmp2:
0x66: {  	v10 =	vld [tilespmem:s17+$0x4920];
	(pc) =	sbr.rel @p0 .LBB2_6-.Ltmp2, $4  }
0x67: {  	v9 =	vld [tilespmem:s17+$0x4930]  }
0x68: {  	v8 =	vld [tilespmem:s17+$0x4940]  }
0x69: {  	v12 =	vadd.f32 v12, v6;
	v6 =	vld [tilespmem:s17+$0x4950]  }
0x6a: {  	s18 =	sadd.s32 $0x200, s18;
	v11 =	vadd.f32 v11, v7;
	v7 =	vld [tilespmem:s17+$0x4960]  }
0x6b: {  	[tilespmem:s17+$0x4900] =	vst v12;
	v5 =	vadd.f32 v5, v10;
	v63 =	vld [tilespmem:s17+$0x4970]  }
0x6c: {  	[tilespmem:s17+$0x4910] =	vst v11;
	v4 =	vadd.f32 v4, v9  }
0x6d: {  	[tilespmem:s17+$0x4920] =	vst v5;
	v3 =	vadd.f32 v3, v8  }
0x6e: {  	[tilespmem:s17+$0x4930] =	vst v4;
	v2 =	vadd.f32 v2, v6  }
0x6f: {  	[tilespmem:s17+$0x4940] =	vst v3;
	v1 =	vadd.f32 v1, v7  }
0x70: {  	s15 =	sadd.s32 $0x1, s15;
	[tilespmem:s17+$0x4950] =	vst v2;
	v0 =	vadd.f32 v0, v63  }
0x71: {  	s16 =	sshll.u32 s16, $0x4;
	p0 =	sne.s32 s15, $0x64;
	[tilespmem:s17+$0x4960] =	vst v1  }
.Ltmp3:
0x72: {  	s16 =	sadd.s32 s5, s16;
	[tilespmem:s17+$0x4970] =	vst v0;
	(pc) =	sbr.rel @p0 .LBB2_5-.Ltmp3, $4  }
0x73: {  	[hbm4b:s16+s7] =	stream.linear.scatter [tilespmem:s11], [sflag:$0x3], $0x6400, $0x38;
	[tilespmem:$0x11100] =	vst v63  }
0x74: {  	_ =	swait.ge [sflag:s9], $0x6400  }
0x75: {  	[sflag:s9] =	ssyncset.done $0x0  }
0x76: {  	[sflag:s9] =	ssyncadd.s32 $0xFFFF9C00  }
0x77: {  	_ =	sfence.sel $0x180000  }
0x78: {  	[bflag:$0x0] =	sbarrier.arrive $0xFFFF  }
0x79: {  	p0 =	sne.s32 s3, $0x0;
	_ =	strace $0x90000047  }
0x7a: {  	s0 =	sadd.s32 @!p0 $0x100000, s0;
	[bflag:$0x2] =	sbarrier.arrive $0xFFFF  }
0x7b: {  	[sflag:s0] =	ssyncadd.tile.s32 @!p0 $0x1;
	_ =	shalt  }
.Lfunc_end2:
_tile_overlayer_lowered:
.L_overlay_start_2:
0x7c: {  	(tag) =	ssettag $0x2  }
0x7d: {  	s0 =	rddreg [dreg:$0x0];
	s2 =	stileid.u32  }
0x7e: {  	s1 =	rddreg [dreg:$0x1];
	p0 =	sne.s32 s2, $0x0  }
0x7f: {  	s3 =	rddreg [dreg:$0x2];
	[bflag:$0x3] =	sbarrier.arrive $0xFFFF;
	s2 =	simm.s32 @!p0 $0x1C03  }
0x80: {  	[timem:s3], [sflag:s2] =	dma.local @!p0 [hbm:s0], s1  }
0x81: {  	s0 =	simm.s32 @!p0 $0x3  }
0x82: {  	_ =	swait.ge @!p0 [sflag:s0], s1  }
0x83: {  	s1 =	ssub.s32 @!p0 $0x0, s1;
	[sflag:s0] =	ssyncset.done @!p0 $0x0  }
0x84: {  	[sflag:s0] =	ssyncadd.s32 @!p0 s1  }
0x85: {  	[bflag:$0x3] =	sbarrier.arrive $0xFFFF  }
0x86: {  	_ =	shalt  }

</sc_bundles>
